<compile_context>
chip_gen: v7x
topology: tpu7x:2x2x1
jax: 0.10.2.dev20260603
libtpu: 0.0.44.dev20260713+nightly
codegen_flags: <defaults>
</compile_context>

<pallas_src>
import functools
import jax
import jax.numpy as jnp
from jax import lax
from jax.experimental import pallas as pl
from jax.experimental.pallas import tpu as pltpu
from jax.experimental.pallas import tpu_sc as plsc

_N0 = 10000
_N1 = 10000
_NNZ = 320000
_D = 128
_BLK = 4000


_CH = 80
_TPC = 16
_PER_TILE = _NNZ // _TPC
_NCHUNK = _PER_TILE // _CH
_ZR = 80
_NTCH = _N0 // _ZR

_sc_mesh = plsc.VectorSubcoreMesh(core_axis_name="c", subcore_axis_name="s")


_NBLK = _NNZ // (2 * _TPC * _CH)


@functools.partial(
    pl.kernel,
    mesh=_sc_mesh,
    out_type=[
        jax.ShapeDtypeStruct((_N0, _D), jnp.float32),
        jax.ShapeDtypeStruct((_N1, _D), jnp.float32),
    ],
    scratch_types=[
        pltpu.VMEM_SHARED((_N0, _D), jnp.float32),
        pltpu.VMEM((2, _CH, _D), jnp.float32),
        pltpu.VMEM((_CH,), jnp.int32),
        pltpu.VMEM((_CH,), jnp.int32),
        pltpu.VMEM((_ZR, _D), jnp.float32),
        pltpu.SemaphoreType.DMA,
        pltpu.SemaphoreType.DMA,
    ],
)
def _sc_pool(x_hbm, row_hbm, col_hbm, out_r, out_c, table, xbuf, ib0, ib1, zbuf, sl0, sl1):
    cid = lax.axis_index("c")
    sid = lax.axis_index("s")

    z16 = jnp.zeros((16,), jnp.float32)

    def _zfill(i, _):
        zbuf[i // 8, pl.ds((i % 8) * 16, 16)] = z16
        return 0

    lax.fori_loop(0, _ZR * 8, _zfill, 0)
    for k in range(8):
        ch = sid + k * _TPC

        @pl.when(ch < _NTCH)
        def _():
            pltpu.sync_copy(zbuf, table.at[pl.ds(ch * _ZR, _ZR)])

    plsc.subcore_barrier()

    base0 = sid * _PER_TILE

    def _pipe(idx_hbm):
        def _load(c, b, ibuf, sem):
            dx = pltpu.make_async_copy(
                x_hbm.at[pl.ds(base0 + c * _CH, _CH)], xbuf.at[b], sem
            )
            di = pltpu.make_async_copy(
                idx_hbm.at[pl.ds(base0 + c * _CH, _CH)], ibuf, sem
            )
            return dx, di

        def _start(c, b, ibuf, sem):
            dx, di = _load(c, b, ibuf, sem)
            dx.start()
            di.start()

        def _scatter(c, b, ibuf, sem):
            dx, di = _load(c, b, ibuf, sem)
            dx.wait()
            di.wait()
            pltpu.sync_copy(xbuf.at[b], table.at[ibuf], add=True)

        _start(0, 0, ib0, sl0)

        def body(jj, _):
            c0 = 2 * jj
            _start(c0 + 1, 1, ib1, sl1)
            _scatter(c0, 0, ib0, sl0)

            @pl.when(jj < _NCHUNK // 2 - 1)
            def _():
                _start(c0 + 2, 0, ib0, sl0)

            _scatter(c0 + 1, 1, ib1, sl1)
            return 0

        lax.fori_loop(0, _NCHUNK // 2, body, 0)

    @pl.when(cid == 0)
    def _():
        _pipe(row_hbm)

    @pl.when(cid == 1)
    def _():
        _pipe(col_hbm)

    plsc.subcore_barrier()

    for k in range(8):
        ch = sid + k * _TPC

        @pl.when((ch < _NTCH) & (cid == 0))
        def _():
            pltpu.sync_copy(
                table.at[pl.ds(ch * _ZR, _ZR)], out_r.at[pl.ds(ch * _ZR, _ZR)]
            )

        @pl.when((ch < _NTCH) & (cid == 1))
        def _():
            pltpu.sync_copy(
                table.at[pl.ds(ch * _ZR, _ZR)], out_c.at[pl.ds(ch * _ZR, _ZR)]
            )



_GPT = _NNZ // (2 * _TPC)
_GCHUNKS = _GPT // _CH


@functools.partial(
    pl.kernel,
    mesh=_sc_mesh,
    out_type=jax.ShapeDtypeStruct((_NNZ, _D), jnp.float32),
    scratch_types=[
        pltpu.VMEM((_NBLK, _CH), jnp.int32),
        pltpu.VMEM((_NBLK, _CH), jnp.int32),
        pltpu.VMEM((2, _CH, _D), jnp.float32),
        pltpu.VMEM((2, _CH, _D), jnp.float32),
        pltpu.SemaphoreType.DMA,
        pltpu.SemaphoreType.DMA,
    ],
)
def _sc_bcast(t1_hbm, t2_hbm, row3_hbm, col3_hbm, g_hbm, ri2, ci2, ba, bb, sg0, sg1):
    cid = lax.axis_index("c")
    sid = lax.axis_index("s")
    wid = sid * 2 + cid
    base0 = wid * _GPT

    pltpu.sync_copy(row3_hbm.at[wid], ri2)
    pltpu.sync_copy(col3_hbm.at[wid], ci2)

    def _gath(c, b, sem):
        da = pltpu.make_async_copy(t1_hbm.at[ri2.at[c]], ba.at[b], sem)
        db = pltpu.make_async_copy(t2_hbm.at[ci2.at[c]], bb.at[b], sem)
        return da, db

    def _start(c, b, sem):
        da, db = _gath(c, b, sem)
        da.start()
        db.start()

    def _finish(c, b, sem):
        da, db = _gath(c, b, sem)
        da.wait()
        db.wait()

        def vadd(r, _):
            for cc in range(8):
                s = pl.ds(cc * 16, 16)
                ba[b, r, s] = ba[b, r, s] + bb[b, r, s]
            return 0

        lax.fori_loop(0, _CH, vadd, 0)
        pltpu.sync_copy(ba.at[b], g_hbm.at[pl.ds(base0 + c * _CH, _CH)])

    _start(0, 0, sg0)

    def body(jj, _):
        c0 = 2 * jj
        _start(c0 + 1, 1, sg1)
        _finish(c0, 0, sg0)
        _start(c0 + 2, 0, sg0)
        _finish(c0 + 1, 1, sg1)
        return 0

    lax.fori_loop(0, _GCHUNKS // 2, body, 0)
    _finish(_GCHUNKS - 1, 0, sg0)


def _prep_body(pr_ref, pc_ref, w_ref, b_ref, t1_ref, t2_ref):
    pr = pr_ref[:]
    pc = pc_ref[:]
    pa = jnp.sum(pr, axis=0, keepdims=True)
    bias_sum = jnp.sum(b_ref[:])
    c = jnp.dot(pa, w_ref[3], preferred_element_type=jnp.float32) + bias_sum
    t1_ref[:] = jnp.dot(pr, w_ref[1], preferred_element_type=jnp.float32) + c
    t2_ref[:] = jnp.dot(pc, w_ref[2], preferred_element_type=jnp.float32)


def _big_body(x_ref, g_ref, w_ref, y_ref):
    y_ref[:] = (
        jnp.dot(x_ref[:], w_ref[:], preferred_element_type=jnp.float32)
        + g_ref[:]
    )


@jax.jit
def _run(x_values, row, col, weights, bias):
    pooled_r, pooled_c = _sc_pool(x_values, row, col)
    row3 = row.reshape(2 * _TPC, _NBLK, _CH)
    col3 = col.reshape(2 * _TPC, _NBLK, _CH)

    t1, t2 = pl.pallas_call(
        _prep_body,
        out_shape=[
            jax.ShapeDtypeStruct((_N0, _D), jnp.float32),
            jax.ShapeDtypeStruct((_N1, _D), jnp.float32),
        ],
    )(pooled_r, pooled_c, weights, bias)

    g = _sc_bcast(t1, t2, row3, col3)

    y = pl.pallas_call(
        _big_body,
        grid=(_NNZ // _BLK,),
        in_specs=[
            pl.BlockSpec((_BLK, _D), lambda i: (i, 0)),
            pl.BlockSpec((_BLK, _D), lambda i: (i, 0)),
            pl.BlockSpec((_D, _D), lambda i: (0, 0)),
        ],
        out_specs=pl.BlockSpec((_BLK, _D), lambda i: (i, 0)),
        out_shape=jax.ShapeDtypeStruct((_NNZ, _D), jnp.float32),
    )(x_values, g, weights[0])
    return y


def kernel(x_values, edge_index, indices_identity, indices_trans, weights, bias):
    return _run(x_values, edge_index[0], edge_index[1], weights, bias)

# --- scband reference (transcript-rebuilt; emitter-appended) ---
"""Pipeline reference for scband-sparse-matrix-equivariant-layer-block-76132590289315 (READ-ONLY COPY).

The authoritative reference and input builder live on the scoring server;
editing this copy changes nothing except your own understanding.
"""

import jax, jax.numpy as jnp
import numpy as np

N0 = 10000
N1 = 10000
NNZ = 320000
D_IN = 128
D_OUT = 128
N_PARAMS = 4


def setup_inputs(seed: int = 0) -> dict:
    key = jax.random.key(seed)
    k1, k2, k3, k4 = jax.random.split(key, 4)
    x_values = jax.random.normal(k1, (NNZ, D_IN), dtype=jnp.float32)
    rows = jax.random.randint(k2, (NNZ,), 0, N0, dtype=jnp.int32)
    cols = jax.random.randint(k3, (NNZ,), 0, N1, dtype=jnp.int32)
    edge_index = jnp.stack([rows, cols])
    ar = jnp.arange(NNZ, dtype=jnp.int32)
    # relation_in == relation_out -> the identity intersection is the full nnz set,
    # with trivial (arange) gather/scatter index maps, matching indices_identity.
    indices_identity = jnp.stack([ar, ar])
    indices_trans = jnp.stack([ar, ar])
    stdv = 0.1 / np.sqrt(D_IN)
    weights = jax.random.uniform(k4, (N_PARAMS, D_IN, D_OUT), minval=-stdv, maxval=stdv, dtype=jnp.float32)
    bias = jnp.ones((N_PARAMS,), dtype=jnp.float32)
    return {
        'x_values': x_values,
        'edge_index': edge_index,
        'indices_identity': indices_identity,
        'indices_trans': indices_trans,
        'weights': weights,
        'bias': bias,
    }


def reference(x_values, edge_index, indices_identity, indices_trans, weights, bias):
    # Sparse COO equivariant layer block for a second-order relation between two
    # distinct entities (bipartite). The 4 equivariant ops are:
    #   0: identity ('i'): gather X_in values on the intersection mask, matmul W,
    #      scatter back onto X_out's sparsity pattern
    #   1: pool over columns per row ('p_1'/'b_1'): segment-sum by row, matmul, broadcast to rows
    #   2: pool over rows per column ('p_0'/'b_0'): segment-sum by col, matmul, broadcast to cols
    #   3: global pool ('p_01'/'b_01'): sum all nnz values, matmul, broadcast everywhere
    # Each op's output is accumulated with a scalar bias, matching
    # Y = Y + X_op_out + self.bias[i].
    row = edge_index[0]
    col = edge_index[1]
    nnz = x_values.shape[0]
    Y = jnp.zeros((nnz, D_OUT), dtype=jnp.float32)

    # op 0: identity / intersection
    X_int = jnp.take(x_values, indices_identity[0], axis=0)
    X_mul = X_int @ weights[0]
    X_op_out = jnp.zeros((nnz, D_OUT), dtype=jnp.float32).at[indices_identity[1]].add(X_mul)
    Y = Y + X_op_out + bias[0]

    # op 1: pool per-row, broadcast back to rows
    pooled_r = jax.ops.segment_sum(x_values, row, num_segments=N0)
    X_mul = pooled_r @ weights[1]
    Y = Y + jnp.take(X_mul, row, axis=0) + bias[1]

    # op 2: pool per-col, broadcast back to cols
    pooled_c = jax.ops.segment_sum(x_values, col, num_segments=N1)
    X_mul = pooled_c @ weights[2]
    Y = Y + jnp.take(X_mul, col, axis=0) + bias[2]

    # op 3: global pool, broadcast to all nnz
    pooled_a = jnp.sum(x_values, axis=0, keepdims=True)
    X_mul = pooled_a @ weights[3]
    Y = Y + jnp.broadcast_to(X_mul, (nnz, D_OUT)) + bias[3]

    return Y

if __name__ == "__main__":
    import jax
    _d = setup_inputs()
    print(jax.jit(kernel)(*tuple(_d.values())))

</pallas_src>

<mosaic_0001>
#map = affine_map<(d0, d1) -> (0, 0)>
#map1 = affine_map<(d0, d1) -> (0)>
module attributes {stable_mosaic.version = 14 : i64} {
  func.func @_sc_pool(%arg0: i32, %arg1: i32, %arg2: memref<320000x128xf32, #tpu.memory_space<hbm>>, %arg3: memref<320000xi32, #tpu.memory_space<hbm>>, %arg4: memref<320000xi32, #tpu.memory_space<hbm>>, %arg5: memref<10000x128xf32, #tpu.memory_space<hbm>>, %arg6: memref<10000x128xf32, #tpu.memory_space<hbm>>, %arg7: memref<10000x128xf32, #tpu.memory_space<vmem_shared>>, %arg8: memref<2x80x128xf32, #tpu.memory_space<vmem>>, %arg9: memref<80xi32, #tpu.memory_space<vmem>>, %arg10: memref<80xi32, #tpu.memory_space<vmem>>, %arg11: memref<80x128xf32, #tpu.memory_space<vmem>>, %arg12: memref<!tpu.dma_semaphore, #tpu.memory_space<semaphore_mem>>, %arg13: memref<!tpu.dma_semaphore, #tpu.memory_space<semaphore_mem>>) attributes {dimension_semantics = [#tpu.dimension_semantics<core_parallel>, #tpu.dimension_semantics<subcore_parallel>], iteration_bounds = array<i64: 2, 16>, scalar_prefetch = 0 : i64, scratch_operands = 7 : i64, tpu.core_type = #tpu.core_type<sc_vector_subcore>, window_params = [{transform_indices = #map}, {transform_indices = #map1}, {transform_indices = #map1}, {transform_indices = #map}, {transform_indices = #map}]} {
    %broadcast_in_dim3A = arith.constant 0.000000e+00 : f32
    %broadcast_in_dim3A_0 = vector.broadcast %broadcast_in_dim3A : f32 to vector<16xf32>
    %scan3A = arith.constant 0 : i32
    %scan3A_1 = arith.constant 0 : i32
    %scan3A_2 = arith.constant 640 : i32
    %scan3A_3 = arith.addi %scan3A_1, %scan3A_2 : i32
    %scan3A_4 = arith.constant 1 : i32
    %scan3A_5 = scf.for %scan3A_213 = %scan3A_1 to %scan3A_3 step %scan3A_4 iter_args(%scan3A_214 = %scan3A) -> (i32)  : i32 {
      %jit3A = arith.constant 8 : i32
      %div3A = arith.divsi %scan3A_213, %jit3A : i32
      %sign3A = arith.constant 0 : i32
      %sign3A_215 = arith.cmpi sgt, %scan3A_213, %sign3A : i32
      %sign3A_216 = arith.extui %sign3A_215 : i1 to i32
      %sign3A_217 = arith.constant 0 : i32
      %sign3A_218 = arith.cmpi slt, %scan3A_213, %sign3A_217 : i32
      %sign3A_219 = arith.extui %sign3A_218 : i1 to i32
      %sign3A_220 = arith.subi %sign3A_216, %sign3A_219 : i32
      %sign3A_221 = arith.constant 0 : i32
      %sign3A_222 = arith.cmpi sgt, %jit3A, %sign3A_221 : i32
      %sign3A_223 = arith.extui %sign3A_222 : i1 to i32
      %sign3A_224 = arith.constant 0 : i32
      %sign3A_225 = arith.cmpi slt, %jit3A, %sign3A_224 : i32
      %sign3A_226 = arith.extui %sign3A_225 : i1 to i32
      %sign3A_227 = arith.subi %sign3A_223, %sign3A_226 : i32
      %ne3A = arith.cmpi ne, %sign3A_220, %sign3A_227 : i32
      %rem3A = arith.remsi %scan3A_213, %jit3A : i32
      %ne3A_228 = arith.constant 0 : i32
      %ne3A_229 = arith.cmpi ne, %rem3A, %ne3A_228 : i32
      %and3A_230 = arith.andi %ne3A, %ne3A_229 : i1
      %sub3A = arith.constant 1 : i32
      %sub3A_231 = arith.subi %div3A, %sub3A : i32
      %select_n3A = arith.select %and3A_230, %sub3A_231, %div3A : i32
      %jit3A_232 = arith.constant 8 : i32
      %eq3A_233 = arith.constant 0 : i32
      %eq3A_234 = arith.cmpi eq, %jit3A_232, %eq3A_233 : i32
      %jit3A_235 = arith.constant 1 : i32
      %select_n3A_236 = arith.select %eq3A_234, %jit3A_235, %jit3A_232 : i32
      %rem3A_237 = arith.remsi %scan3A_213, %select_n3A_236 : i32
      %ne3A_238 = arith.constant 0 : i32
      %ne3A_239 = arith.cmpi ne, %rem3A_237, %ne3A_238 : i32
      %lt3A_240 = arith.constant 0 : i32
      %lt3A_241 = arith.cmpi slt, %rem3A_237, %lt3A_240 : i32
      %lt3A_242 = arith.constant 0 : i32
      %lt3A_243 = arith.cmpi slt, %select_n3A_236, %lt3A_242 : i32
      %ne3A_244 = arith.xori %lt3A_241, %lt3A_243 : i1
      %and3A_245 = arith.andi %ne3A_244, %ne3A_239 : i1
      %add3A_246 = arith.addi %rem3A_237, %select_n3A_236 : i32
      %select_n3A_247 = arith.select %and3A_245, %add3A_246, %rem3A_237 : i32
      %mul3A_248 = arith.constant 16 : i32
      %mul3A_249 = arith.muli %select_n3A_247, %mul3A_248 : i32
      %swap3A = arith.index_cast %select_n3A : i32 to index
      %swap3A_250 = arith.index_cast %mul3A_249 : i32 to index
      %swap3A_251 = tpu.vector_load %arg11[%swap3A, %swap3A_250] {strides = array<i32>} : memref<80x128xf32, #tpu.memory_space<vmem>>, vector<1x16xf32>,
      %swap3A_252 = vector.shape_cast %swap3A_251 : vector<1x16xf32> to vector<16xf32>
      %swap3A_253 = vector.shape_cast %broadcast_in_dim3A_0 : vector<16xf32> to vector<1x16xf32>
      tpu.vector_store %arg11[%swap3A, %swap3A_250], %swap3A_253 {strides = array<i32>} : memref<80x128xf32, #tpu.memory_space<vmem>>, vector<1x16xf32>,
      %scan3A_254 = arith.constant 0 : i32
      scf.yield %scan3A_254 : i32
    }
    %scan3A_6 = arith.constant 640 : i32
    %add3A = arith.constant 0 : i32
    %add3A_7 = arith.addi %arg1, %add3A : i32
    %lt3A = arith.constant 125 : i32
    %lt3A_8 = arith.cmpi slt, %add3A_7, %lt3A : i32
    %convert_element_type3A = arith.extui %lt3A_8 : i1 to i32
    %cond3A = arith.constant 0 : i32
    %cond3A_9 = arith.cmpi ne, %convert_element_type3A, %cond3A : i32
    scf.if %cond3A_9 {
      %mul3A_213 = arith.constant 80 : i32
      %mul3A_214 = arith.muli %add3A_7, %mul3A_213 : i32
      "tpu.region"() ({
        %run_scoped3A = tpu.sem_alloc : memref<!tpu.dma_semaphore, #tpu.memory_space<semaphore_mem>>
        %dma_start3A = arith.constant 0 : i32
        %dma_start3A_215 = tpu.memref_slice %arg7[%mul3A_214, %dma_start3A] : memref<10000x128xf32, #tpu.memory_space<vmem_shared>> -> memref<80x128xf32, #tpu.memory_space<vmem_shared>>
        %dma_start3A_216 = arith.constant 0 : i32
        %dma_start3A_217 = tpu.memref_slice %arg7[%mul3A_214, %dma_start3A_216] : memref<10000x128xf32, #tpu.memory_space<vmem_shared>> -> memref<80x128xf32, #tpu.memory_space<vmem_shared>>
        tpu.enqueue_dma source(%arg11 : memref<80x128xf32, #tpu.memory_space<vmem>>) target(%dma_start3A_217 : memref<80x128xf32, #tpu.memory_space<vmem_shared>>) target_semaphore(%run_scoped3A : memref<!tpu.dma_semaphore, #tpu.memory_space<semaphore_mem>>)
        %dma_wait3A = arith.constant 0 : i32
        %dma_wait3A_218 = tpu.memref_slice %arg7[%mul3A_214, %dma_wait3A] : memref<10000x128xf32, #tpu.memory_space<vmem_shared>> -> memref<80x128xf32, #tpu.memory_space<vmem_shared>>
        %dma_wait3A_219 = arith.constant 0 : i32
        %dma_wait3A_220 = tpu.memref_slice %arg7[%mul3A_214, %dma_wait3A_219] : memref<10000x128xf32, #tpu.memory_space<vmem_shared>> -> memref<80x128xf32, #tpu.memory_space<vmem_shared>>
        tpu.wait_dma2 semaphore(%run_scoped3A : memref<!tpu.dma_semaphore, #tpu.memory_space<semaphore_mem>>) src(%arg11 : memref<80x128xf32, #tpu.memory_space<vmem>>) dst(%dma_wait3A_220 : memref<80x128xf32, #tpu.memory_space<vmem_shared>>)
        tpu.yield
      }) : () -> ()
    } else {
    }
    %add3A_10 = arith.constant 16 : i32
    %add3A_11 = arith.addi %arg1, %add3A_10 : i32
    %lt3A_12 = arith.constant 125 : i32
    %lt3A_13 = arith.cmpi slt, %add3A_11, %lt3A_12 : i32
    %convert_element_type3A_14 = arith.extui %lt3A_13 : i1 to i32
    %cond3A_15 = arith.constant 0 : i32
    %cond3A_16 = arith.cmpi ne, %convert_element_type3A_14, %cond3A_15 : i32
    scf.if %cond3A_16 {
      %mul3A_213 = arith.constant 80 : i32
      %mul3A_214 = arith.muli %add3A_11, %mul3A_213 : i32
      "tpu.region"() ({
        %run_scoped3A = tpu.sem_alloc : memref<!tpu.dma_semaphore, #tpu.memory_space<semaphore_mem>>
        %dma_start3A = arith.constant 0 : i32
        %dma_start3A_215 = tpu.memref_slice %arg7[%mul3A_214, %dma_start3A] : memref<10000x128xf32, #tpu.memory_space<vmem_shared>> -> memref<80x128xf32, #tpu.memory_space<vmem_shared>>
        %dma_start3A_216 = arith.constant 0 : i32
        %dma_start3A_217 = tpu.memref_slice %arg7[%mul3A_214, %dma_start3A_216] : memref<10000x128xf32, #tpu.memory_space<vmem_shared>> -> memref<80x128xf32, #tpu.memory_space<vmem_shared>>
        tpu.enqueue_dma source(%arg11 : memref<80x128xf32, #tpu.memory_space<vmem>>) target(%dma_start3A_217 : memref<80x128xf32, #tpu.memory_space<vmem_shared>>) target_semaphore(%run_scoped3A : memref<!tpu.dma_semaphore, #tpu.memory_space<semaphore_mem>>)
        %dma_wait3A = arith.constant 0 : i32
        %dma_wait3A_218 = tpu.memref_slice %arg7[%mul3A_214, %dma_wait3A] : memref<10000x128xf32, #tpu.memory_space<vmem_shared>> -> memref<80x128xf32, #tpu.memory_space<vmem_shared>>
        %dma_wait3A_219 = arith.constant 0 : i32
        %dma_wait3A_220 = tpu.memref_slice %arg7[%mul3A_214, %dma_wait3A_219] : memref<10000x128xf32, #tpu.memory_space<vmem_shared>> -> memref<80x128xf32, #tpu.memory_space<vmem_shared>>
        tpu.wait_dma2 semaphore(%run_scoped3A : memref<!tpu.dma_semaphore, #tpu.memory_space<semaphore_mem>>) src(%arg11 : memref<80x128xf32, #tpu.memory_space<vmem>>) dst(%dma_wait3A_220 : memref<80x128xf32, #tpu.memory_space<vmem_shared>>)
        tpu.yield
      }) : () -> ()
    } else {
    }
    %add3A_17 = arith.constant 32 : i32
    %add3A_18 = arith.addi %arg1, %add3A_17 : i32
    %lt3A_19 = arith.constant 125 : i32
    %lt3A_20 = arith.cmpi slt, %add3A_18, %lt3A_19 : i32
    %convert_element_type3A_21 = arith.extui %lt3A_20 : i1 to i32
    %cond3A_22 = arith.constant 0 : i32
    %cond3A_23 = arith.cmpi ne, %convert_element_type3A_21, %cond3A_22 : i32
    scf.if %cond3A_23 {
      %mul3A_213 = arith.constant 80 : i32
      %mul3A_214 = arith.muli %add3A_18, %mul3A_213 : i32
      "tpu.region"() ({
        %run_scoped3A = tpu.sem_alloc : memref<!tpu.dma_semaphore, #tpu.memory_space<semaphore_mem>>
        %dma_start3A = arith.constant 0 : i32
        %dma_start3A_215 = tpu.memref_slice %arg7[%mul3A_214, %dma_start3A] : memref<10000x128xf32, #tpu.memory_space<vmem_shared>> -> memref<80x128xf32, #tpu.memory_space<vmem_shared>>
        %dma_start3A_216 = arith.constant 0 : i32
        %dma_start3A_217 = tpu.memref_slice %arg7[%mul3A_214, %dma_start3A_216] : memref<10000x128xf32, #tpu.memory_space<vmem_shared>> -> memref<80x128xf32, #tpu.memory_space<vmem_shared>>
        tpu.enqueue_dma source(%arg11 : memref<80x128xf32, #tpu.memory_space<vmem>>) target(%dma_start3A_217 : memref<80x128xf32, #tpu.memory_space<vmem_shared>>) target_semaphore(%run_scoped3A : memref<!tpu.dma_semaphore, #tpu.memory_space<semaphore_mem>>)
        %dma_wait3A = arith.constant 0 : i32
        %dma_wait3A_218 = tpu.memref_slice %arg7[%mul3A_214, %dma_wait3A] : memref<10000x128xf32, #tpu.memory_space<vmem_shared>> -> memref<80x128xf32, #tpu.memory_space<vmem_shared>>
        %dma_wait3A_219 = arith.constant 0 : i32
        %dma_wait3A_220 = tpu.memref_slice %arg7[%mul3A_214, %dma_wait3A_219] : memref<10000x128xf32, #tpu.memory_space<vmem_shared>> -> memref<80x128xf32, #tpu.memory_space<vmem_shared>>
        tpu.wait_dma2 semaphore(%run_scoped3A : memref<!tpu.dma_semaphore, #tpu.memory_space<semaphore_mem>>) src(%arg11 : memref<80x128xf32, #tpu.memory_space<vmem>>) dst(%dma_wait3A_220 : memref<80x128xf32, #tpu.memory_space<vmem_shared>>)
        tpu.yield
      }) : () -> ()
    } else {
    }
    %add3A_24 = arith.constant 48 : i32
    %add3A_25 = arith.addi %arg1, %add3A_24 : i32
    %lt3A_26 = arith.constant 125 : i32
    %lt3A_27 = arith.cmpi slt, %add3A_25, %lt3A_26 : i32
    %convert_element_type3A_28 = arith.extui %lt3A_27 : i1 to i32
    %cond3A_29 = arith.constant 0 : i32
    %cond3A_30 = arith.cmpi ne, %convert_element_type3A_28, %cond3A_29 : i32
    scf.if %cond3A_30 {
      %mul3A_213 = arith.constant 80 : i32
      %mul3A_214 = arith.muli %add3A_25, %mul3A_213 : i32
      "tpu.region"() ({
        %run_scoped3A = tpu.sem_alloc : memref<!tpu.dma_semaphore, #tpu.memory_space<semaphore_mem>>
        %dma_start3A = arith.constant 0 : i32
        %dma_start3A_215 = tpu.memref_slice %arg7[%mul3A_214, %dma_start3A] : memref<10000x128xf32, #tpu.memory_space<vmem_shared>> -> memref<80x128xf32, #tpu.memory_space<vmem_shared>>
        %dma_start3A_216 = arith.constant 0 : i32
        %dma_start3A_217 = tpu.memref_slice %arg7[%mul3A_214, %dma_start3A_216] : memref<10000x128xf32, #tpu.memory_space<vmem_shared>> -> memref<80x128xf32, #tpu.memory_space<vmem_shared>>
        tpu.enqueue_dma source(%arg11 : memref<80x128xf32, #tpu.memory_space<vmem>>) target(%dma_start3A_217 : memref<80x128xf32, #tpu.memory_space<vmem_shared>>) target_semaphore(%run_scoped3A : memref<!tpu.dma_semaphore, #tpu.memory_space<semaphore_mem>>)
        %dma_wait3A = arith.constant 0 : i32
        %dma_wait3A_218 = tpu.memref_slice %arg7[%mul3A_214, %dma_wait3A] : memref<10000x128xf32, #tpu.memory_space<vmem_shared>> -> memref<80x128xf32, #tpu.memory_space<vmem_shared>>
        %dma_wait3A_219 = arith.constant 0 : i32
        %dma_wait3A_220 = tpu.memref_slice %arg7[%mul3A_214, %dma_wait3A_219] : memref<10000x128xf32, #tpu.memory_space<vmem_shared>> -> memref<80x128xf32, #tpu.memory_space<vmem_shared>>
        tpu.wait_dma2 semaphore(%run_scoped3A : memref<!tpu.dma_semaphore, #tpu.memory_space<semaphore_mem>>) src(%arg11 : memref<80x128xf32, #tpu.memory_space<vmem>>) dst(%dma_wait3A_220 : memref<80x128xf32, #tpu.memory_space<vmem_shared>>)
        tpu.yield
      }) : () -> ()
    } else {
    }
    %add3A_31 = arith.constant 64 : i32
    %add3A_32 = arith.addi %arg1, %add3A_31 : i32
    %lt3A_33 = arith.constant 125 : i32
    %lt3A_34 = arith.cmpi slt, %add3A_32, %lt3A_33 : i32
    %convert_element_type3A_35 = arith.extui %lt3A_34 : i1 to i32
    %cond3A_36 = arith.constant 0 : i32
    %cond3A_37 = arith.cmpi ne, %convert_element_type3A_35, %cond3A_36 : i32
    scf.if %cond3A_37 {
      %mul3A_213 = arith.constant 80 : i32
      %mul3A_214 = arith.muli %add3A_32, %mul3A_213 : i32
      "tpu.region"() ({
        %run_scoped3A = tpu.sem_alloc : memref<!tpu.dma_semaphore, #tpu.memory_space<semaphore_mem>>
        %dma_start3A = arith.constant 0 : i32
        %dma_start3A_215 = tpu.memref_slice %arg7[%mul3A_214, %dma_start3A] : memref<10000x128xf32, #tpu.memory_space<vmem_shared>> -> memref<80x128xf32, #tpu.memory_space<vmem_shared>>
        %dma_start3A_216 = arith.constant 0 : i32
        %dma_start3A_217 = tpu.memref_slice %arg7[%mul3A_214, %dma_start3A_216] : memref<10000x128xf32, #tpu.memory_space<vmem_shared>> -> memref<80x128xf32, #tpu.memory_space<vmem_shared>>
        tpu.enqueue_dma source(%arg11 : memref<80x128xf32, #tpu.memory_space<vmem>>) target(%dma_start3A_217 : memref<80x128xf32, #tpu.memory_space<vmem_shared>>) target_semaphore(%run_scoped3A : memref<!tpu.dma_semaphore, #tpu.memory_space<semaphore_mem>>)
        %dma_wait3A = arith.constant 0 : i32
        %dma_wait3A_218 = tpu.memref_slice %arg7[%mul3A_214, %dma_wait3A] : memref<10000x128xf32, #tpu.memory_space<vmem_shared>> -> memref<80x128xf32, #tpu.memory_space<vmem_shared>>
        %dma_wait3A_219 = arith.constant 0 : i32
        %dma_wait3A_220 = tpu.memref_slice %arg7[%mul3A_214, %dma_wait3A_219] : memref<10000x128xf32, #tpu.memory_space<vmem_shared>> -> memref<80x128xf32, #tpu.memory_space<vmem_shared>>
        tpu.wait_dma2 semaphore(%run_scoped3A : memref<!tpu.dma_semaphore, #tpu.memory_space<semaphore_mem>>) src(%arg11 : memref<80x128xf32, #tpu.memory_space<vmem>>) dst(%dma_wait3A_220 : memref<80x128xf32, #tpu.memory_space<vmem_shared>>)
        tpu.yield
      }) : () -> ()
    } else {
    }
    %add3A_38 = arith.constant 80 : i32
    %add3A_39 = arith.addi %arg1, %add3A_38 : i32
    %lt3A_40 = arith.constant 125 : i32
    %lt3A_41 = arith.cmpi slt, %add3A_39, %lt3A_40 : i32
    %convert_element_type3A_42 = arith.extui %lt3A_41 : i1 to i32
    %cond3A_43 = arith.constant 0 : i32
    %cond3A_44 = arith.cmpi ne, %convert_element_type3A_42, %cond3A_43 : i32
    scf.if %cond3A_44 {
      %mul3A_213 = arith.constant 80 : i32
      %mul3A_214 = arith.muli %add3A_39, %mul3A_213 : i32
      "tpu.region"() ({
        %run_scoped3A = tpu.sem_alloc : memref<!tpu.dma_semaphore, #tpu.memory_space<semaphore_mem>>
        %dma_start3A = arith.constant 0 : i32
        %dma_start3A_215 = tpu.memref_slice %arg7[%mul3A_214, %dma_start3A] : memref<10000x128xf32, #tpu.memory_space<vmem_shared>> -> memref<80x128xf32, #tpu.memory_space<vmem_shared>>
        %dma_start3A_216 = arith.constant 0 : i32
        %dma_start3A_217 = tpu.memref_slice %arg7[%mul3A_214, %dma_start3A_216] : memref<10000x128xf32, #tpu.memory_space<vmem_shared>> -> memref<80x128xf32, #tpu.memory_space<vmem_shared>>
        tpu.enqueue_dma source(%arg11 : memref<80x128xf32, #tpu.memory_space<vmem>>) target(%dma_start3A_217 : memref<80x128xf32, #tpu.memory_space<vmem_shared>>) target_semaphore(%run_scoped3A : memref<!tpu.dma_semaphore, #tpu.memory_space<semaphore_mem>>)
        %dma_wait3A = arith.constant 0 : i32
        %dma_wait3A_218 = tpu.memref_slice %arg7[%mul3A_214, %dma_wait3A] : memref<10000x128xf32, #tpu.memory_space<vmem_shared>> -> memref<80x128xf32, #tpu.memory_space<vmem_shared>>
        %dma_wait3A_219 = arith.constant 0 : i32
        %dma_wait3A_220 = tpu.memref_slice %arg7[%mul3A_214, %dma_wait3A_219] : memref<10000x128xf32, #tpu.memory_space<vmem_shared>> -> memref<80x128xf32, #tpu.memory_space<vmem_shared>>
        tpu.wait_dma2 semaphore(%run_scoped3A : memref<!tpu.dma_semaphore, #tpu.memory_space<semaphore_mem>>) src(%arg11 : memref<80x128xf32, #tpu.memory_space<vmem>>) dst(%dma_wait3A_220 : memref<80x128xf32, #tpu.memory_space<vmem_shared>>)
        tpu.yield
      }) : () -> ()
    } else {
    }
    %add3A_45 = arith.constant 96 : i32
    %add3A_46 = arith.addi %arg1, %add3A_45 : i32
    %lt3A_47 = arith.constant 125 : i32
    %lt3A_48 = arith.cmpi slt, %add3A_46, %lt3A_47 : i32
    %convert_element_type3A_49 = arith.extui %lt3A_48 : i1 to i32
    %cond3A_50 = arith.constant 0 : i32
    %cond3A_51 = arith.cmpi ne, %convert_element_type3A_49, %cond3A_50 : i32
    scf.if %cond3A_51 {
      %mul3A_213 = arith.constant 80 : i32
      %mul3A_214 = arith.muli %add3A_46, %mul3A_213 : i32
      "tpu.region"() ({
        %run_scoped3A = tpu.sem_alloc : memref<!tpu.dma_semaphore, #tpu.memory_space<semaphore_mem>>
        %dma_start3A = arith.constant 0 : i32
        %dma_start3A_215 = tpu.memref_slice %arg7[%mul3A_214, %dma_start3A] : memref<10000x128xf32, #tpu.memory_space<vmem_shared>> -> memref<80x128xf32, #tpu.memory_space<vmem_shared>>
        %dma_start3A_216 = arith.constant 0 : i32
        %dma_start3A_217 = tpu.memref_slice %arg7[%mul3A_214, %dma_start3A_216] : memref<10000x128xf32, #tpu.memory_space<vmem_shared>> -> memref<80x128xf32, #tpu.memory_space<vmem_shared>>
        tpu.enqueue_dma source(%arg11 : memref<80x128xf32, #tpu.memory_space<vmem>>) target(%dma_start3A_217 : memref<80x128xf32, #tpu.memory_space<vmem_shared>>) target_semaphore(%run_scoped3A : memref<!tpu.dma_semaphore, #tpu.memory_space<semaphore_mem>>)
        %dma_wait3A = arith.constant 0 : i32
        %dma_wait3A_218 = tpu.memref_slice %arg7[%mul3A_214, %dma_wait3A] : memref<10000x128xf32, #tpu.memory_space<vmem_shared>> -> memref<80x128xf32, #tpu.memory_space<vmem_shared>>
        %dma_wait3A_219 = arith.constant 0 : i32
        %dma_wait3A_220 = tpu.memref_slice %arg7[%mul3A_214, %dma_wait3A_219] : memref<10000x128xf32, #tpu.memory_space<vmem_shared>> -> memref<80x128xf32, #tpu.memory_space<vmem_shared>>
        tpu.wait_dma2 semaphore(%run_scoped3A : memref<!tpu.dma_semaphore, #tpu.memory_space<semaphore_mem>>) src(%arg11 : memref<80x128xf32, #tpu.memory_space<vmem>>) dst(%dma_wait3A_220 : memref<80x128xf32, #tpu.memory_space<vmem_shared>>)
        tpu.yield
      }) : () -> ()
    } else {
    }
    %add3A_52 = arith.constant 112 : i32
    %add3A_53 = arith.addi %arg1, %add3A_52 : i32
    %lt3A_54 = arith.constant 125 : i32
    %lt3A_55 = arith.cmpi slt, %add3A_53, %lt3A_54 : i32
    %convert_element_type3A_56 = arith.extui %lt3A_55 : i1 to i32
    %cond3A_57 = arith.constant 0 : i32
    %cond3A_58 = arith.cmpi ne, %convert_element_type3A_56, %cond3A_57 : i32
    scf.if %cond3A_58 {
      %mul3A_213 = arith.constant 80 : i32
      %mul3A_214 = arith.muli %add3A_53, %mul3A_213 : i32
      "tpu.region"() ({
        %run_scoped3A = tpu.sem_alloc : memref<!tpu.dma_semaphore, #tpu.memory_space<semaphore_mem>>
        %dma_start3A = arith.constant 0 : i32
        %dma_start3A_215 = tpu.memref_slice %arg7[%mul3A_214, %dma_start3A] : memref<10000x128xf32, #tpu.memory_space<vmem_shared>> -> memref<80x128xf32, #tpu.memory_space<vmem_shared>>
        %dma_start3A_216 = arith.constant 0 : i32
        %dma_start3A_217 = tpu.memref_slice %arg7[%mul3A_214, %dma_start3A_216] : memref<10000x128xf32, #tpu.memory_space<vmem_shared>> -> memref<80x128xf32, #tpu.memory_space<vmem_shared>>
        tpu.enqueue_dma source(%arg11 : memref<80x128xf32, #tpu.memory_space<vmem>>) target(%dma_start3A_217 : memref<80x128xf32, #tpu.memory_space<vmem_shared>>) target_semaphore(%run_scoped3A : memref<!tpu.dma_semaphore, #tpu.memory_space<semaphore_mem>>)
        %dma_wait3A = arith.constant 0 : i32
        %dma_wait3A_218 = tpu.memref_slice %arg7[%mul3A_214, %dma_wait3A] : memref<10000x128xf32, #tpu.memory_space<vmem_shared>> -> memref<80x128xf32, #tpu.memory_space<vmem_shared>>
        %dma_wait3A_219 = arith.constant 0 : i32
        %dma_wait3A_220 = tpu.memref_slice %arg7[%mul3A_214, %dma_wait3A_219] : memref<10000x128xf32, #tpu.memory_space<vmem_shared>> -> memref<80x128xf32, #tpu.memory_space<vmem_shared>>
        tpu.wait_dma2 semaphore(%run_scoped3A : memref<!tpu.dma_semaphore, #tpu.memory_space<semaphore_mem>>) src(%arg11 : memref<80x128xf32, #tpu.memory_space<vmem>>) dst(%dma_wait3A_220 : memref<80x128xf32, #tpu.memory_space<vmem_shared>>)
        tpu.yield
      }) : () -> ()
    } else {
    }
    %barrier3A = arith.constant 0 : index
    tpu.barrier barrier_id(%barrier3A)
    %mul3A = arith.constant 20000 : i32
    %mul3A_59 = arith.muli %arg1, %mul3A : i32
    %eq3A = arith.constant 0 : i32
    %eq3A_60 = arith.cmpi eq, %arg0, %eq3A : i32
    %convert_element_type3A_61 = arith.extui %eq3A_60 : i1 to i32
    %cond3A_62 = arith.constant 0 : i32
    %cond3A_63 = arith.cmpi ne, %convert_element_type3A_61, %cond3A_62 : i32
    scf.if %cond3A_63 {
      %add3A_213 = arith.constant 0 : i32
      %add3A_214 = arith.addi %mul3A_59, %add3A_213 : i32
      %add3A_215 = arith.constant 0 : i32
      %add3A_216 = arith.addi %mul3A_59, %add3A_215 : i32
      %dma_start3A = arith.constant 0 : i32
      %dma_start3A_217 = arith.constant 0 : i32
      %dma_start3A_218 = arith.constant 0 : i32
      %dma_start3A_219 = tpu.memref_slice %arg8[%dma_start3A, %dma_start3A_217, %dma_start3A_218] : memref<2x80x128xf32, #tpu.memory_space<vmem>> -> memref<1x80x128xf32, #tpu.memory_space<vmem>>
      %dma_start3A_220 = tpu.memref_squeeze %dma_start3A_219 : memref<1x80x128xf32, #tpu.memory_space<vmem>> -> memref<80x128xf32, #tpu.memory_space<vmem>>
      %dma_start3A_221 = arith.constant 0 : i32
      %dma_start3A_222 = tpu.memref_slice %arg2[%add3A_214, %dma_start3A_221] : memref<320000x128xf32, #tpu.memory_space<hbm>> -> memref<80x128xf32, #tpu.memory_space<hbm>>
      %dma_start3A_223 = arith.constant 0 : i32
      %dma_start3A_224 = arith.constant 0 : i32
      %dma_start3A_225 = tpu.memref_slice %arg8[%dma_start3A, %dma_start3A_223, %dma_start3A_224] : memref<2x80x128xf32, #tpu.memory_space<vmem>> -> memref<1x80x128xf32, #tpu.memory_space<vmem>>
      %dma_start3A_226 = tpu.memref_squeeze %dma_start3A_225 : memref<1x80x128xf32, #tpu.memory_space<vmem>> -> memref<80x128xf32, #tpu.memory_space<vmem>>
      %dma_start3A_227 = arith.constant 0 : i32
      %dma_start3A_228 = tpu.memref_slice %arg2[%add3A_214, %dma_start3A_227] : memref<320000x128xf32, #tpu.memory_space<hbm>> -> memref<80x128xf32, #tpu.memory_space<hbm>>
      tpu.enqueue_dma source(%dma_start3A_228 : memref<80x128xf32, #tpu.memory_space<hbm>>) target(%dma_start3A_226 : memref<80x128xf32, #tpu.memory_space<vmem>>) target_semaphore(%arg12 : memref<!tpu.dma_semaphore, #tpu.memory_space<semaphore_mem>>)
      %dma_start3A_229 = tpu.memref_slice %arg3[%add3A_216] : memref<320000xi32, #tpu.memory_space<hbm>> -> memref<80xi32, #tpu.memory_space<hbm>>
      %dma_start3A_230 = tpu.memref_slice %arg3[%add3A_216] : memref<320000xi32, #tpu.memory_space<hbm>> -> memref<80xi32, #tpu.memory_space<hbm>>
      tpu.enqueue_dma source(%dma_start3A_230 : memref<80xi32, #tpu.memory_space<hbm>>) target(%arg9 : memref<80xi32, #tpu.memory_space<vmem>>) target_semaphore(%arg12 : memref<!tpu.dma_semaphore, #tpu.memory_space<semaphore_mem>>)
      %scan3A_231 = arith.constant 0 : i32
      %scan3A_232 = arith.constant 0 : i32
      %scan3A_233 = arith.constant 125 : i32
      %scan3A_234 = arith.addi %scan3A_232, %scan3A_233 : i32
      %scan3A_235 = arith.constant 1 : i32
      %scan3A_236 = scf.for %scan3A_238 = %scan3A_232 to %scan3A_234 step %scan3A_235 iter_args(%scan3A_239 = %scan3A_231) -> (i32)  : i32 {
        %mul3A_240 = arith.constant 2 : i32
        %mul3A_241 = arith.muli %mul3A_240, %scan3A_238 : i32
        %add3A_242 = arith.constant 1 : i32
        %add3A_243 = arith.addi %mul3A_241, %add3A_242 : i32
        %mul3A_244 = arith.constant 80 : i32
        %mul3A_245 = arith.muli %add3A_243, %mul3A_244 : i32
        %add3A_246 = arith.addi %mul3A_59, %mul3A_245 : i32
        %mul3A_247 = arith.constant 80 : i32
        %mul3A_248 = arith.muli %add3A_243, %mul3A_247 : i32
        %add3A_249 = arith.addi %mul3A_59, %mul3A_248 : i32
        %dma_start3A_250 = arith.constant 1 : i32
        %dma_start3A_251 = arith.constant 0 : i32
        %dma_start3A_252 = arith.constant 0 : i32
        %dma_start3A_253 = tpu.memref_slice %arg8[%dma_start3A_250, %dma_start3A_251, %dma_start3A_252] : memref<2x80x128xf32, #tpu.memory_space<vmem>> -> memref<1x80x128xf32, #tpu.memory_space<vmem>>
        %dma_start3A_254 = tpu.memref_squeeze %dma_start3A_253 : memref<1x80x128xf32, #tpu.memory_space<vmem>> -> memref<80x128xf32, #tpu.memory_space<vmem>>
        %dma_start3A_255 = arith.constant 0 : i32
        %dma_start3A_256 = tpu.memref_slice %arg2[%add3A_246, %dma_start3A_255] : memref<320000x128xf32, #tpu.memory_space<hbm>> -> memref<80x128xf32, #tpu.memory_space<hbm>>
        %dma_start3A_257 = arith.constant 0 : i32
        %dma_start3A_258 = arith.constant 0 : i32
        %dma_start3A_259 = tpu.memref_slice %arg8[%dma_start3A_250, %dma_start3A_257, %dma_start3A_258] : memref<2x80x128xf32, #tpu.memory_space<vmem>> -> memref<1x80x128xf32, #tpu.memory_space<vmem>>
        %dma_start3A_260 = tpu.memref_squeeze %dma_start3A_259 : memref<1x80x128xf32, #tpu.memory_space<vmem>> -> memref<80x128xf32, #tpu.memory_space<vmem>>
        %dma_start3A_261 = arith.constant 0 : i32
        %dma_start3A_262 = tpu.memref_slice %arg2[%add3A_246, %dma_start3A_261] : memref<320000x128xf32, #tpu.memory_space<hbm>> -> memref<80x128xf32, #tpu.memory_space<hbm>>
        tpu.enqueue_dma source(%dma_start3A_262 : memref<80x128xf32, #tpu.memory_space<hbm>>) target(%dma_start3A_260 : memref<80x128xf32, #tpu.memory_space<vmem>>) target_semaphore(%arg13 : memref<!tpu.dma_semaphore, #tpu.memory_space<semaphore_mem>>)
        %dma_start3A_263 = tpu.memref_slice %arg3[%add3A_249] : memref<320000xi32, #tpu.memory_space<hbm>> -> memref<80xi32, #tpu.memory_space<hbm>>
        %dma_start3A_264 = tpu.memref_slice %arg3[%add3A_249] : memref<320000xi32, #tpu.memory_space<hbm>> -> memref<80xi32, #tpu.memory_space<hbm>>
        tpu.enqueue_dma source(%dma_start3A_264 : memref<80xi32, #tpu.memory_space<hbm>>) target(%arg10 : memref<80xi32, #tpu.memory_space<vmem>>) target_semaphore(%arg13 : memref<!tpu.dma_semaphore, #tpu.memory_space<semaphore_mem>>)
        %mul3A_265 = arith.constant 80 : i32
        %mul3A_266 = arith.muli %mul3A_241, %mul3A_265 : i32
        %add3A_267 = arith.addi %mul3A_59, %mul3A_266 : i32
        %mul3A_268 = arith.constant 80 : i32
        %mul3A_269 = arith.muli %mul3A_241, %mul3A_268 : i32
        %add3A_270 = arith.addi %mul3A_59, %mul3A_269 : i32
        %dma_wait3A = arith.constant 0 : i32
        %dma_wait3A_271 = arith.constant 0 : i32
        %dma_wait3A_272 = arith.constant 0 : i32
        %dma_wait3A_273 = tpu.memref_slice %arg8[%dma_wait3A, %dma_wait3A_271, %dma_wait3A_272] : memref<2x80x128xf32, #tpu.memory_space<vmem>> -> memref<1x80x128xf32, #tpu.memory_space<vmem>>
        %dma_wait3A_274 = tpu.memref_squeeze %dma_wait3A_273 : memref<1x80x128xf32, #tpu.memory_space<vmem>> -> memref<80x128xf32, #tpu.memory_space<vmem>>
        %dma_wait3A_275 = arith.constant 0 : i32
        %dma_wait3A_276 = tpu.memref_slice %arg2[%add3A_267, %dma_wait3A_275] : memref<320000x128xf32, #tpu.memory_space<hbm>> -> memref<80x128xf32, #tpu.memory_space<hbm>>
        %dma_wait3A_277 = arith.constant 0 : i32
        %dma_wait3A_278 = arith.constant 0 : i32
        %dma_wait3A_279 = tpu.memref_slice %arg8[%dma_wait3A, %dma_wait3A_277, %dma_wait3A_278] : memref<2x80x128xf32, #tpu.memory_space<vmem>> -> memref<1x80x128xf32, #tpu.memory_space<vmem>>
        %dma_wait3A_280 = tpu.memref_squeeze %dma_wait3A_279 : memref<1x80x128xf32, #tpu.memory_space<vmem>> -> memref<80x128xf32, #tpu.memory_space<vmem>>
        %dma_wait3A_281 = arith.constant 0 : i32
        %dma_wait3A_282 = tpu.memref_slice %arg2[%add3A_267, %dma_wait3A_281] : memref<320000x128xf32, #tpu.memory_space<hbm>> -> memref<80x128xf32, #tpu.memory_space<hbm>>
        tpu.wait_dma2 semaphore(%arg12 : memref<!tpu.dma_semaphore, #tpu.memory_space<semaphore_mem>>) src(%dma_wait3A_282 : memref<80x128xf32, #tpu.memory_space<hbm>>) dst(%dma_wait3A_280 : memref<80x128xf32, #tpu.memory_space<vmem>>)
        %dma_wait3A_283 = tpu.memref_slice %arg3[%add3A_270] : memref<320000xi32, #tpu.memory_space<hbm>> -> memref<80xi32, #tpu.memory_space<hbm>>
        %dma_wait3A_284 = tpu.memref_slice %arg3[%add3A_270] : memref<320000xi32, #tpu.memory_space<hbm>> -> memref<80xi32, #tpu.memory_space<hbm>>
        tpu.wait_dma2 semaphore(%arg12 : memref<!tpu.dma_semaphore, #tpu.memory_space<semaphore_mem>>) src(%dma_wait3A_284 : memref<80xi32, #tpu.memory_space<hbm>>) dst(%arg9 : memref<80xi32, #tpu.memory_space<vmem>>)
        %run_scoped3A = arith.constant 0 : i32
        "tpu.region"() ({
          %run_scoped3A_315 = tpu.sem_alloc : memref<!tpu.dma_semaphore, #tpu.memory_space<semaphore_mem>>
          %dma_start3A_316 = arith.constant 0 : i32
          %dma_start3A_317 = arith.constant 0 : i32
          %dma_start3A_318 = tpu.memref_slice %arg8[%run_scoped3A, %dma_start3A_316, %dma_start3A_317] : memref<2x80x128xf32, #tpu.memory_space<vmem>> -> memref<1x80x128xf32, #tpu.memory_space<vmem>>
          %dma_start3A_319 = tpu.memref_squeeze %dma_start3A_318 : memref<1x80x128xf32, #tpu.memory_space<vmem>> -> memref<80x128xf32, #tpu.memory_space<vmem>>
          %dma_start3A_320 = arith.constant 0 : i32
          %dma_start3A_321 = arith.constant 0 : i32
          %dma_start3A_322 = tpu.memref_slice %arg7[%dma_start3A_320, %dma_start3A_321] : memref<10000x128xf32, #tpu.memory_space<vmem_shared>> -> memref<10000x128xf32, #tpu.memory_space<vmem_shared>>
          tpu.enqueue_indirect_dma source(%dma_start3A_319 : memref<80x128xf32, #tpu.memory_space<vmem>>) target(%dma_start3A_322 : memref<10000x128xf32, #tpu.memory_space<vmem_shared>>) offsets(%arg9 : memref<80xi32, #tpu.memory_space<vmem>>) semaphore(%run_scoped3A_315 : memref<!tpu.dma_semaphore, #tpu.memory_space<semaphore_mem>>) {add = true}
          %dma_wait3A_323 = arith.constant 0 : i32
          %dma_wait3A_324 = arith.constant 0 : i32
          %dma_wait3A_325 = tpu.memref_slice %arg8[%run_scoped3A, %dma_wait3A_323, %dma_wait3A_324] : memref<2x80x128xf32, #tpu.memory_space<vmem>> -> memref<1x80x128xf32, #tpu.memory_space<vmem>>
          %dma_wait3A_326 = tpu.memref_squeeze %dma_wait3A_325 : memref<1x80x128xf32, #tpu.memory_space<vmem>> -> memref<80x128xf32, #tpu.memory_space<vmem>>
          %dma_wait3A_327 = arith.constant 0 : i32
          %dma_wait3A_328 = arith.constant 0 : i32
          %dma_wait3A_329 = tpu.memref_slice %arg7[%dma_wait3A_327, %dma_wait3A_328] : memref<10000x128xf32, #tpu.memory_space<vmem_shared>> -> memref<10000x128xf32, #tpu.memory_space<vmem_shared>>
          tpu.wait_indirect_dma semaphore(%run_scoped3A_315 : memref<!tpu.dma_semaphore, #tpu.memory_space<semaphore_mem>>) src(%dma_wait3A_326 : memref<80x128xf32, #tpu.memory_space<vmem>>) dst(%dma_wait3A_329 : memref<10000x128xf32, #tpu.memory_space<vmem_shared>>)
          tpu.yield
        }) : () -> ()
        %lt3A_285 = arith.constant 124 : i32
        %lt3A_286 = arith.cmpi slt, %scan3A_238, %lt3A_285 : i32
        %convert_element_type3A_287 = arith.extui %lt3A_286 : i1 to i32
        %cond3A_288 = arith.constant 0 : i32
        %cond3A_289 = arith.cmpi ne, %convert_element_type3A_287, %cond3A_288 : i32
        scf.if %cond3A_289 {
          %add3A_315 = arith.constant 2 : i32
          %add3A_316 = arith.addi %mul3A_241, %add3A_315 : i32
          %mul3A_317 = arith.constant 80 : i32
          %mul3A_318 = arith.muli %add3A_316, %mul3A_317 : i32
          %add3A_319 = arith.addi %mul3A_59, %mul3A_318 : i32
          %mul3A_320 = arith.constant 80 : i32
          %mul3A_321 = arith.muli %add3A_316, %mul3A_320 : i32
          %add3A_322 = arith.addi %mul3A_59, %mul3A_321 : i32
          %dma_start3A_323 = arith.constant 0 : i32
          %dma_start3A_324 = arith.constant 0 : i32
          %dma_start3A_325 = arith.constant 0 : i32
          %dma_start3A_326 = tpu.memref_slice %arg8[%dma_start3A_323, %dma_start3A_324, %dma_start3A_325] : memref<2x80x128xf32, #tpu.memory_space<vmem>> -> memref<1x80x128xf32, #tpu.memory_space<vmem>>
          %dma_start3A_327 = tpu.memref_squeeze %dma_start3A_326 : memref<1x80x128xf32, #tpu.memory_space<vmem>> -> memref<80x128xf32, #tpu.memory_space<vmem>>
          %dma_start3A_328 = arith.constant 0 : i32
          %dma_start3A_329 = tpu.memref_slice %arg2[%add3A_319, %dma_start3A_328] : memref<320000x128xf32, #tpu.memory_space<hbm>> -> memref<80x128xf32, #tpu.memory_space<hbm>>
          %dma_start3A_330 = arith.constant 0 : i32
          %dma_start3A_331 = arith.constant 0 : i32
          %dma_start3A_332 = tpu.memref_slice %arg8[%dma_start3A_323, %dma_start3A_330, %dma_start3A_331] : memref<2x80x128xf32, #tpu.memory_space<vmem>> -> memref<1x80x128xf32, #tpu.memory_space<vmem>>
          %dma_start3A_333 = tpu.memref_squeeze %dma_start3A_332 : memref<1x80x128xf32, #tpu.memory_space<vmem>> -> memref<80x128xf32, #tpu.memory_space<vmem>>
          %dma_start3A_334 = arith.constant 0 : i32
          %dma_start3A_335 = tpu.memref_slice %arg2[%add3A_319, %dma_start3A_334] : memref<320000x128xf32, #tpu.memory_space<hbm>> -> memref<80x128xf32, #tpu.memory_space<hbm>>
          tpu.enqueue_dma source(%dma_start3A_335 : memref<80x128xf32, #tpu.memory_space<hbm>>) target(%dma_start3A_333 : memref<80x128xf32, #tpu.memory_space<vmem>>) target_semaphore(%arg12 : memref<!tpu.dma_semaphore, #tpu.memory_space<semaphore_mem>>)
          %dma_start3A_336 = tpu.memref_slice %arg3[%add3A_322] : memref<320000xi32, #tpu.memory_space<hbm>> -> memref<80xi32, #tpu.memory_space<hbm>>
          %dma_start3A_337 = tpu.memref_slice %arg3[%add3A_322] : memref<320000xi32, #tpu.memory_space<hbm>> -> memref<80xi32, #tpu.memory_space<hbm>>
          tpu.enqueue_dma source(%dma_start3A_337 : memref<80xi32, #tpu.memory_space<hbm>>) target(%arg9 : memref<80xi32, #tpu.memory_space<vmem>>) target_semaphore(%arg12 : memref<!tpu.dma_semaphore, #tpu.memory_space<semaphore_mem>>)
        } else {
        }
        %add3A_290 = arith.constant 1 : i32
        %add3A_291 = arith.addi %mul3A_241, %add3A_290 : i32
        %mul3A_292 = arith.constant 80 : i32
        %mul3A_293 = arith.muli %add3A_291, %mul3A_292 : i32
        %add3A_294 = arith.addi %mul3A_59, %mul3A_293 : i32
        %mul3A_295 = arith.constant 80 : i32
        %mul3A_296 = arith.muli %add3A_291, %mul3A_295 : i32
        %add3A_297 = arith.addi %mul3A_59, %mul3A_296 : i32
        %dma_wait3A_298 = arith.constant 1 : i32
        %dma_wait3A_299 = arith.constant 0 : i32
        %dma_wait3A_300 = arith.constant 0 : i32
        %dma_wait3A_301 = tpu.memref_slice %arg8[%dma_wait3A_298, %dma_wait3A_299, %dma_wait3A_300] : memref<2x80x128xf32, #tpu.memory_space<vmem>> -> memref<1x80x128xf32, #tpu.memory_space<vmem>>
        %dma_wait3A_302 = tpu.memref_squeeze %dma_wait3A_301 : memref<1x80x128xf32, #tpu.memory_space<vmem>> -> memref<80x128xf32, #tpu.memory_space<vmem>>
        %dma_wait3A_303 = arith.constant 0 : i32
        %dma_wait3A_304 = tpu.memref_slice %arg2[%add3A_294, %dma_wait3A_303] : memref<320000x128xf32, #tpu.memory_space<hbm>> -> memref<80x128xf32, #tpu.memory_space<hbm>>
        %dma_wait3A_305 = arith.constant 0 : i32
        %dma_wait3A_306 = arith.constant 0 : i32
        %dma_wait3A_307 = tpu.memref_slice %arg8[%dma_wait3A_298, %dma_wait3A_305, %dma_wait3A_306] : memref<2x80x128xf32, #tpu.memory_space<vmem>> -> memref<1x80x128xf32, #tpu.memory_space<vmem>>
        %dma_wait3A_308 = tpu.memref_squeeze %dma_wait3A_307 : memref<1x80x128xf32, #tpu.memory_space<vmem>> -> memref<80x128xf32, #tpu.memory_space<vmem>>
        %dma_wait3A_309 = arith.constant 0 : i32
        %dma_wait3A_310 = tpu.memref_slice %arg2[%add3A_294, %dma_wait3A_309] : memref<320000x128xf32, #tpu.memory_space<hbm>> -> memref<80x128xf32, #tpu.memory_space<hbm>>
        tpu.wait_dma2 semaphore(%arg13 : memref<!tpu.dma_semaphore, #tpu.memory_space<semaphore_mem>>) src(%dma_wait3A_310 : memref<80x128xf32, #tpu.memory_space<hbm>>) dst(%dma_wait3A_308 : memref<80x128xf32, #tpu.memory_space<vmem>>)
        %dma_wait3A_311 = tpu.memref_slice %arg3[%add3A_297] : memref<320000xi32, #tpu.memory_space<hbm>> -> memref<80xi32, #tpu.memory_space<hbm>>
        %dma_wait3A_312 = tpu.memref_slice %arg3[%add3A_297] : memref<320000xi32, #tpu.memory_space<hbm>> -> memref<80xi32, #tpu.memory_space<hbm>>
        tpu.wait_dma2 semaphore(%arg13 : memref<!tpu.dma_semaphore, #tpu.memory_space<semaphore_mem>>) src(%dma_wait3A_312 : memref<80xi32, #tpu.memory_space<hbm>>) dst(%arg10 : memref<80xi32, #tpu.memory_space<vmem>>)
        %run_scoped3A_313 = arith.constant 1 : i32
        "tpu.region"() ({
          %run_scoped3A_315 = tpu.sem_alloc : memref<!tpu.dma_semaphore, #tpu.memory_space<semaphore_mem>>
          %dma_start3A_316 = arith.constant 0 : i32
          %dma_start3A_317 = arith.constant 0 : i32
          %dma_start3A_318 = tpu.memref_slice %arg8[%run_scoped3A_313, %dma_start3A_316, %dma_start3A_317] : memref<2x80x128xf32, #tpu.memory_space<vmem>> -> memref<1x80x128xf32, #tpu.memory_space<vmem>>
          %dma_start3A_319 = tpu.memref_squeeze %dma_start3A_318 : memref<1x80x128xf32, #tpu.memory_space<vmem>> -> memref<80x128xf32, #tpu.memory_space<vmem>>
          %dma_start3A_320 = arith.constant 0 : i32
          %dma_start3A_321 = arith.constant 0 : i32
          %dma_start3A_322 = tpu.memref_slice %arg7[%dma_start3A_320, %dma_start3A_321] : memref<10000x128xf32, #tpu.memory_space<vmem_shared>> -> memref<10000x128xf32, #tpu.memory_space<vmem_shared>>
          tpu.enqueue_indirect_dma source(%dma_start3A_319 : memref<80x128xf32, #tpu.memory_space<vmem>>) target(%dma_start3A_322 : memref<10000x128xf32, #tpu.memory_space<vmem_shared>>) offsets(%arg10 : memref<80xi32, #tpu.memory_space<vmem>>) semaphore(%run_scoped3A_315 : memref<!tpu.dma_semaphore, #tpu.memory_space<semaphore_mem>>) {add = true}
          %dma_wait3A_323 = arith.constant 0 : i32
          %dma_wait3A_324 = arith.constant 0 : i32
          %dma_wait3A_325 = tpu.memref_slice %arg8[%run_scoped3A_313, %dma_wait3A_323, %dma_wait3A_324] : memref<2x80x128xf32, #tpu.memory_space<vmem>> -> memref<1x80x128xf32, #tpu.memory_space<vmem>>
          %dma_wait3A_326 = tpu.memref_squeeze %dma_wait3A_325 : memref<1x80x128xf32, #tpu.memory_space<vmem>> -> memref<80x128xf32, #tpu.memory_space<vmem>>
          %dma_wait3A_327 = arith.constant 0 : i32
          %dma_wait3A_328 = arith.constant 0 : i32
          %dma_wait3A_329 = tpu.memref_slice %arg7[%dma_wait3A_327, %dma_wait3A_328] : memref<10000x128xf32, #tpu.memory_space<vmem_shared>> -> memref<10000x128xf32, #tpu.memory_space<vmem_shared>>
          tpu.wait_indirect_dma semaphore(%run_scoped3A_315 : memref<!tpu.dma_semaphore, #tpu.memory_space<semaphore_mem>>) src(%dma_wait3A_326 : memref<80x128xf32, #tpu.memory_space<vmem>>) dst(%dma_wait3A_329 : memref<10000x128xf32, #tpu.memory_space<vmem_shared>>)
          tpu.yield
        }) : () -> ()
        %scan3A_314 = arith.constant 0 : i32
        scf.yield %scan3A_314 : i32
      }
      %scan3A_237 = arith.constant 125 : i32
    } else {
    }
    %eq3A_64 = arith.constant 1 : i32
    %eq3A_65 = arith.cmpi eq, %arg0, %eq3A_64 : i32
    %convert_element_type3A_66 = arith.extui %eq3A_65 : i1 to i32
    %cond3A_67 = arith.constant 0 : i32
    %cond3A_68 = arith.cmpi ne, %convert_element_type3A_66, %cond3A_67 : i32
    scf.if %cond3A_68 {
      %add3A_213 = arith.constant 0 : i32
      %add3A_214 = arith.addi %mul3A_59, %add3A_213 : i32
      %add3A_215 = arith.constant 0 : i32
      %add3A_216 = arith.addi %mul3A_59, %add3A_215 : i32
      %dma_start3A = arith.constant 0 : i32
      %dma_start3A_217 = arith.constant 0 : i32
      %dma_start3A_218 = arith.constant 0 : i32
      %dma_start3A_219 = tpu.memref_slice %arg8[%dma_start3A, %dma_start3A_217, %dma_start3A_218] : memref<2x80x128xf32, #tpu.memory_space<vmem>> -> memref<1x80x128xf32, #tpu.memory_space<vmem>>
      %dma_start3A_220 = tpu.memref_squeeze %dma_start3A_219 : memref<1x80x128xf32, #tpu.memory_space<vmem>> -> memref<80x128xf32, #tpu.memory_space<vmem>>
      %dma_start3A_221 = arith.constant 0 : i32
      %dma_start3A_222 = tpu.memref_slice %arg2[%add3A_214, %dma_start3A_221] : memref<320000x128xf32, #tpu.memory_space<hbm>> -> memref<80x128xf32, #tpu.memory_space<hbm>>
      %dma_start3A_223 = arith.constant 0 : i32
      %dma_start3A_224 = arith.constant 0 : i32
      %dma_start3A_225 = tpu.memref_slice %arg8[%dma_start3A, %dma_start3A_223, %dma_start3A_224] : memref<2x80x128xf32, #tpu.memory_space<vmem>> -> memref<1x80x128xf32, #tpu.memory_space<vmem>>
      %dma_start3A_226 = tpu.memref_squeeze %dma_start3A_225 : memref<1x80x128xf32, #tpu.memory_space<vmem>> -> memref<80x128xf32, #tpu.memory_space<vmem>>
      %dma_start3A_227 = arith.constant 0 : i32
      %dma_start3A_228 = tpu.memref_slice %arg2[%add3A_214, %dma_start3A_227] : memref<320000x128xf32, #tpu.memory_space<hbm>> -> memref<80x128xf32, #tpu.memory_space<hbm>>
      tpu.enqueue_dma source(%dma_start3A_228 : memref<80x128xf32, #tpu.memory_space<hbm>>) target(%dma_start3A_226 : memref<80x128xf32, #tpu.memory_space<vmem>>) target_semaphore(%arg12 : memref<!tpu.dma_semaphore, #tpu.memory_space<semaphore_mem>>)
      %dma_start3A_229 = tpu.memref_slice %arg4[%add3A_216] : memref<320000xi32, #tpu.memory_space<hbm>> -> memref<80xi32, #tpu.memory_space<hbm>>
      %dma_start3A_230 = tpu.memref_slice %arg4[%add3A_216] : memref<320000xi32, #tpu.memory_space<hbm>> -> memref<80xi32, #tpu.memory_space<hbm>>
      tpu.enqueue_dma source(%dma_start3A_230 : memref<80xi32, #tpu.memory_space<hbm>>) target(%arg9 : memref<80xi32, #tpu.memory_space<vmem>>) target_semaphore(%arg12 : memref<!tpu.dma_semaphore, #tpu.memory_space<semaphore_mem>>)
      %scan3A_231 = arith.constant 0 : i32
      %scan3A_232 = arith.constant 0 : i32
      %scan3A_233 = arith.constant 125 : i32
      %scan3A_234 = arith.addi %scan3A_232, %scan3A_233 : i32
      %scan3A_235 = arith.constant 1 : i32
      %scan3A_236 = scf.for %scan3A_238 = %scan3A_232 to %scan3A_234 step %scan3A_235 iter_args(%scan3A_239 = %scan3A_231) -> (i32)  : i32 {
        %mul3A_240 = arith.constant 2 : i32
        %mul3A_241 = arith.muli %mul3A_240, %scan3A_238 : i32
        %add3A_242 = arith.constant 1 : i32
        %add3A_243 = arith.addi %mul3A_241, %add3A_242 : i32
        %mul3A_244 = arith.constant 80 : i32
        %mul3A_245 = arith.muli %add3A_243, %mul3A_244 : i32
        %add3A_246 = arith.addi %mul3A_59, %mul3A_245 : i32
        %mul3A_247 = arith.constant 80 : i32
        %mul3A_248 = arith.muli %add3A_243, %mul3A_247 : i32
        %add3A_249 = arith.addi %mul3A_59, %mul3A_248 : i32
        %dma_start3A_250 = arith.constant 1 : i32
        %dma_start3A_251 = arith.constant 0 : i32
        %dma_start3A_252 = arith.constant 0 : i32
        %dma_start3A_253 = tpu.memref_slice %arg8[%dma_start3A_250, %dma_start3A_251, %dma_start3A_252] : memref<2x80x128xf32, #tpu.memory_space<vmem>> -> memref<1x80x128xf32, #tpu.memory_space<vmem>>
        %dma_start3A_254 = tpu.memref_squeeze %dma_start3A_253 : memref<1x80x128xf32, #tpu.memory_space<vmem>> -> memref<80x128xf32, #tpu.memory_space<vmem>>
        %dma_start3A_255 = arith.constant 0 : i32
        %dma_start3A_256 = tpu.memref_slice %arg2[%add3A_246, %dma_start3A_255] : memref<320000x128xf32, #tpu.memory_space<hbm>> -> memref<80x128xf32, #tpu.memory_space<hbm>>
        %dma_start3A_257 = arith.constant 0 : i32
        %dma_start3A_258 = arith.constant 0 : i32
        %dma_start3A_259 = tpu.memref_slice %arg8[%dma_start3A_250, %dma_start3A_257, %dma_start3A_258] : memref<2x80x128xf32, #tpu.memory_space<vmem>> -> memref<1x80x128xf32, #tpu.memory_space<vmem>>
        %dma_start3A_260 = tpu.memref_squeeze %dma_start3A_259 : memref<1x80x128xf32, #tpu.memory_space<vmem>> -> memref<80x128xf32, #tpu.memory_space<vmem>>
        %dma_start3A_261 = arith.constant 0 : i32
        %dma_start3A_262 = tpu.memref_slice %arg2[%add3A_246, %dma_start3A_261] : memref<320000x128xf32, #tpu.memory_space<hbm>> -> memref<80x128xf32, #tpu.memory_space<hbm>>
        tpu.enqueue_dma source(%dma_start3A_262 : memref<80x128xf32, #tpu.memory_space<hbm>>) target(%dma_start3A_260 : memref<80x128xf32, #tpu.memory_space<vmem>>) target_semaphore(%arg13 : memref<!tpu.dma_semaphore, #tpu.memory_space<semaphore_mem>>)
        %dma_start3A_263 = tpu.memref_slice %arg4[%add3A_249] : memref<320000xi32, #tpu.memory_space<hbm>> -> memref<80xi32, #tpu.memory_space<hbm>>
        %dma_start3A_264 = tpu.memref_slice %arg4[%add3A_249] : memref<320000xi32, #tpu.memory_space<hbm>> -> memref<80xi32, #tpu.memory_space<hbm>>
        tpu.enqueue_dma source(%dma_start3A_264 : memref<80xi32, #tpu.memory_space<hbm>>) target(%arg10 : memref<80xi32, #tpu.memory_space<vmem>>) target_semaphore(%arg13 : memref<!tpu.dma_semaphore, #tpu.memory_space<semaphore_mem>>)
        %mul3A_265 = arith.constant 80 : i32
        %mul3A_266 = arith.muli %mul3A_241, %mul3A_265 : i32
        %add3A_267 = arith.addi %mul3A_59, %mul3A_266 : i32
        %mul3A_268 = arith.constant 80 : i32
        %mul3A_269 = arith.muli %mul3A_241, %mul3A_268 : i32
        %add3A_270 = arith.addi %mul3A_59, %mul3A_269 : i32
        %dma_wait3A = arith.constant 0 : i32
        %dma_wait3A_271 = arith.constant 0 : i32
        %dma_wait3A_272 = arith.constant 0 : i32
        %dma_wait3A_273 = tpu.memref_slice %arg8[%dma_wait3A, %dma_wait3A_271, %dma_wait3A_272] : memref<2x80x128xf32, #tpu.memory_space<vmem>> -> memref<1x80x128xf32, #tpu.memory_space<vmem>>
        %dma_wait3A_274 = tpu.memref_squeeze %dma_wait3A_273 : memref<1x80x128xf32, #tpu.memory_space<vmem>> -> memref<80x128xf32, #tpu.memory_space<vmem>>
        %dma_wait3A_275 = arith.constant 0 : i32
        %dma_wait3A_276 = tpu.memref_slice %arg2[%add3A_267, %dma_wait3A_275] : memref<320000x128xf32, #tpu.memory_space<hbm>> -> memref<80x128xf32, #tpu.memory_space<hbm>>
        %dma_wait3A_277 = arith.constant 0 : i32
        %dma_wait3A_278 = arith.constant 0 : i32
        %dma_wait3A_279 = tpu.memref_slice %arg8[%dma_wait3A, %dma_wait3A_277, %dma_wait3A_278] : memref<2x80x128xf32, #tpu.memory_space<vmem>> -> memref<1x80x128xf32, #tpu.memory_space<vmem>>
        %dma_wait3A_280 = tpu.memref_squeeze %dma_wait3A_279 : memref<1x80x128xf32, #tpu.memory_space<vmem>> -> memref<80x128xf32, #tpu.memory_space<vmem>>
        %dma_wait3A_281 = arith.constant 0 : i32
        %dma_wait3A_282 = tpu.memref_slice %arg2[%add3A_267, %dma_wait3A_281] : memref<320000x128xf32, #tpu.memory_space<hbm>> -> memref<80x128xf32, #tpu.memory_space<hbm>>
        tpu.wait_dma2 semaphore(%arg12 : memref<!tpu.dma_semaphore, #tpu.memory_space<semaphore_mem>>) src(%dma_wait3A_282 : memref<80x128xf32, #tpu.memory_space<hbm>>) dst(%dma_wait3A_280 : memref<80x128xf32, #tpu.memory_space<vmem>>)
        %dma_wait3A_283 = tpu.memref_slice %arg4[%add3A_270] : memref<320000xi32, #tpu.memory_space<hbm>> -> memref<80xi32, #tpu.memory_space<hbm>>
        %dma_wait3A_284 = tpu.memref_slice %arg4[%add3A_270] : memref<320000xi32, #tpu.memory_space<hbm>> -> memref<80xi32, #tpu.memory_space<hbm>>
        tpu.wait_dma2 semaphore(%arg12 : memref<!tpu.dma_semaphore, #tpu.memory_space<semaphore_mem>>) src(%dma_wait3A_284 : memref<80xi32, #tpu.memory_space<hbm>>) dst(%arg9 : memref<80xi32, #tpu.memory_space<vmem>>)
        %run_scoped3A = arith.constant 0 : i32
        "tpu.region"() ({
          %run_scoped3A_315 = tpu.sem_alloc : memref<!tpu.dma_semaphore, #tpu.memory_space<semaphore_mem>>
          %dma_start3A_316 = arith.constant 0 : i32
          %dma_start3A_317 = arith.constant 0 : i32
          %dma_start3A_318 = tpu.memref_slice %arg8[%run_scoped3A, %dma_start3A_316, %dma_start3A_317] : memref<2x80x128xf32, #tpu.memory_space<vmem>> -> memref<1x80x128xf32, #tpu.memory_space<vmem>>
          %dma_start3A_319 = tpu.memref_squeeze %dma_start3A_318 : memref<1x80x128xf32, #tpu.memory_space<vmem>> -> memref<80x128xf32, #tpu.memory_space<vmem>>
          %dma_start3A_320 = arith.constant 0 : i32
          %dma_start3A_321 = arith.constant 0 : i32
          %dma_start3A_322 = tpu.memref_slice %arg7[%dma_start3A_320, %dma_start3A_321] : memref<10000x128xf32, #tpu.memory_space<vmem_shared>> -> memref<10000x128xf32, #tpu.memory_space<vmem_shared>>
          tpu.enqueue_indirect_dma source(%dma_start3A_319 : memref<80x128xf32, #tpu.memory_space<vmem>>) target(%dma_start3A_322 : memref<10000x128xf32, #tpu.memory_space<vmem_shared>>) offsets(%arg9 : memref<80xi32, #tpu.memory_space<vmem>>) semaphore(%run_scoped3A_315 : memref<!tpu.dma_semaphore, #tpu.memory_space<semaphore_mem>>) {add = true}
          %dma_wait3A_323 = arith.constant 0 : i32
          %dma_wait3A_324 = arith.constant 0 : i32
          %dma_wait3A_325 = tpu.memref_slice %arg8[%run_scoped3A, %dma_wait3A_323, %dma_wait3A_324] : memref<2x80x128xf32, #tpu.memory_space<vmem>> -> memref<1x80x128xf32, #tpu.memory_space<vmem>>
          %dma_wait3A_326 = tpu.memref_squeeze %dma_wait3A_325 : memref<1x80x128xf32, #tpu.memory_space<vmem>> -> memref<80x128xf32, #tpu.memory_space<vmem>>
          %dma_wait3A_327 = arith.constant 0 : i32
          %dma_wait3A_328 = arith.constant 0 : i32
          %dma_wait3A_329 = tpu.memref_slice %arg7[%dma_wait3A_327, %dma_wait3A_328] : memref<10000x128xf32, #tpu.memory_space<vmem_shared>> -> memref<10000x128xf32, #tpu.memory_space<vmem_shared>>
          tpu.wait_indirect_dma semaphore(%run_scoped3A_315 : memref<!tpu.dma_semaphore, #tpu.memory_space<semaphore_mem>>) src(%dma_wait3A_326 : memref<80x128xf32, #tpu.memory_space<vmem>>) dst(%dma_wait3A_329 : memref<10000x128xf32, #tpu.memory_space<vmem_shared>>)
          tpu.yield
        }) : () -> ()
        %lt3A_285 = arith.constant 124 : i32
        %lt3A_286 = arith.cmpi slt, %scan3A_238, %lt3A_285 : i32
        %convert_element_type3A_287 = arith.extui %lt3A_286 : i1 to i32
        %cond3A_288 = arith.constant 0 : i32
        %cond3A_289 = arith.cmpi ne, %convert_element_type3A_287, %cond3A_288 : i32
        scf.if %cond3A_289 {
          %add3A_315 = arith.constant 2 : i32
          %add3A_316 = arith.addi %mul3A_241, %add3A_315 : i32
          %mul3A_317 = arith.constant 80 : i32
          %mul3A_318 = arith.muli %add3A_316, %mul3A_317 : i32
          %add3A_319 = arith.addi %mul3A_59, %mul3A_318 : i32
          %mul3A_320 = arith.constant 80 : i32
          %mul3A_321 = arith.muli %add3A_316, %mul3A_320 : i32
          %add3A_322 = arith.addi %mul3A_59, %mul3A_321 : i32
          %dma_start3A_323 = arith.constant 0 : i32
          %dma_start3A_324 = arith.constant 0 : i32
          %dma_start3A_325 = arith.constant 0 : i32
          %dma_start3A_326 = tpu.memref_slice %arg8[%dma_start3A_323, %dma_start3A_324, %dma_start3A_325] : memref<2x80x128xf32, #tpu.memory_space<vmem>> -> memref<1x80x128xf32, #tpu.memory_space<vmem>>
          %dma_start3A_327 = tpu.memref_squeeze %dma_start3A_326 : memref<1x80x128xf32, #tpu.memory_space<vmem>> -> memref<80x128xf32, #tpu.memory_space<vmem>>
          %dma_start3A_328 = arith.constant 0 : i32
          %dma_start3A_329 = tpu.memref_slice %arg2[%add3A_319, %dma_start3A_328] : memref<320000x128xf32, #tpu.memory_space<hbm>> -> memref<80x128xf32, #tpu.memory_space<hbm>>
          %dma_start3A_330 = arith.constant 0 : i32
          %dma_start3A_331 = arith.constant 0 : i32
          %dma_start3A_332 = tpu.memref_slice %arg8[%dma_start3A_323, %dma_start3A_330, %dma_start3A_331] : memref<2x80x128xf32, #tpu.memory_space<vmem>> -> memref<1x80x128xf32, #tpu.memory_space<vmem>>
          %dma_start3A_333 = tpu.memref_squeeze %dma_start3A_332 : memref<1x80x128xf32, #tpu.memory_space<vmem>> -> memref<80x128xf32, #tpu.memory_space<vmem>>
          %dma_start3A_334 = arith.constant 0 : i32
          %dma_start3A_335 = tpu.memref_slice %arg2[%add3A_319, %dma_start3A_334] : memref<320000x128xf32, #tpu.memory_space<hbm>> -> memref<80x128xf32, #tpu.memory_space<hbm>>
          tpu.enqueue_dma source(%dma_start3A_335 : memref<80x128xf32, #tpu.memory_space<hbm>>) target(%dma_start3A_333 : memref<80x128xf32, #tpu.memory_space<vmem>>) target_semaphore(%arg12 : memref<!tpu.dma_semaphore, #tpu.memory_space<semaphore_mem>>)
          %dma_start3A_336 = tpu.memref_slice %arg4[%add3A_322] : memref<320000xi32, #tpu.memory_space<hbm>> -> memref<80xi32, #tpu.memory_space<hbm>>
          %dma_start3A_337 = tpu.memref_slice %arg4[%add3A_322] : memref<320000xi32, #tpu.memory_space<hbm>> -> memref<80xi32, #tpu.memory_space<hbm>>
          tpu.enqueue_dma source(%dma_start3A_337 : memref<80xi32, #tpu.memory_space<hbm>>) target(%arg9 : memref<80xi32, #tpu.memory_space<vmem>>) target_semaphore(%arg12 : memref<!tpu.dma_semaphore, #tpu.memory_space<semaphore_mem>>)
        } else {
        }
        %add3A_290 = arith.constant 1 : i32
        %add3A_291 = arith.addi %mul3A_241, %add3A_290 : i32
        %mul3A_292 = arith.constant 80 : i32
        %mul3A_293 = arith.muli %add3A_291, %mul3A_292 : i32
        %add3A_294 = arith.addi %mul3A_59, %mul3A_293 : i32
        %mul3A_295 = arith.constant 80 : i32
        %mul3A_296 = arith.muli %add3A_291, %mul3A_295 : i32
        %add3A_297 = arith.addi %mul3A_59, %mul3A_296 : i32
        %dma_wait3A_298 = arith.constant 1 : i32
        %dma_wait3A_299 = arith.constant 0 : i32
        %dma_wait3A_300 = arith.constant 0 : i32
        %dma_wait3A_301 = tpu.memref_slice %arg8[%dma_wait3A_298, %dma_wait3A_299, %dma_wait3A_300] : memref<2x80x128xf32, #tpu.memory_space<vmem>> -> memref<1x80x128xf32, #tpu.memory_space<vmem>>
        %dma_wait3A_302 = tpu.memref_squeeze %dma_wait3A_301 : memref<1x80x128xf32, #tpu.memory_space<vmem>> -> memref<80x128xf32, #tpu.memory_space<vmem>>
        %dma_wait3A_303 = arith.constant 0 : i32
        %dma_wait3A_304 = tpu.memref_slice %arg2[%add3A_294, %dma_wait3A_303] : memref<320000x128xf32, #tpu.memory_space<hbm>> -> memref<80x128xf32, #tpu.memory_space<hbm>>
        %dma_wait3A_305 = arith.constant 0 : i32
        %dma_wait3A_306 = arith.constant 0 : i32
        %dma_wait3A_307 = tpu.memref_slice %arg8[%dma_wait3A_298, %dma_wait3A_305, %dma_wait3A_306] : memref<2x80x128xf32, #tpu.memory_space<vmem>> -> memref<1x80x128xf32, #tpu.memory_space<vmem>>
        %dma_wait3A_308 = tpu.memref_squeeze %dma_wait3A_307 : memref<1x80x128xf32, #tpu.memory_space<vmem>> -> memref<80x128xf32, #tpu.memory_space<vmem>>
        %dma_wait3A_309 = arith.constant 0 : i32
        %dma_wait3A_310 = tpu.memref_slice %arg2[%add3A_294, %dma_wait3A_309] : memref<320000x128xf32, #tpu.memory_space<hbm>> -> memref<80x128xf32, #tpu.memory_space<hbm>>
        tpu.wait_dma2 semaphore(%arg13 : memref<!tpu.dma_semaphore, #tpu.memory_space<semaphore_mem>>) src(%dma_wait3A_310 : memref<80x128xf32, #tpu.memory_space<hbm>>) dst(%dma_wait3A_308 : memref<80x128xf32, #tpu.memory_space<vmem>>)
        %dma_wait3A_311 = tpu.memref_slice %arg4[%add3A_297] : memref<320000xi32, #tpu.memory_space<hbm>> -> memref<80xi32, #tpu.memory_space<hbm>>
        %dma_wait3A_312 = tpu.memref_slice %arg4[%add3A_297] : memref<320000xi32, #tpu.memory_space<hbm>> -> memref<80xi32, #tpu.memory_space<hbm>>
        tpu.wait_dma2 semaphore(%arg13 : memref<!tpu.dma_semaphore, #tpu.memory_space<semaphore_mem>>) src(%dma_wait3A_312 : memref<80xi32, #tpu.memory_space<hbm>>) dst(%arg10 : memref<80xi32, #tpu.memory_space<vmem>>)
        %run_scoped3A_313 = arith.constant 1 : i32
        "tpu.region"() ({
          %run_scoped3A_315 = tpu.sem_alloc : memref<!tpu.dma_semaphore, #tpu.memory_space<semaphore_mem>>
          %dma_start3A_316 = arith.constant 0 : i32
          %dma_start3A_317 = arith.constant 0 : i32
          %dma_start3A_318 = tpu.memref_slice %arg8[%run_scoped3A_313, %dma_start3A_316, %dma_start3A_317] : memref<2x80x128xf32, #tpu.memory_space<vmem>> -> memref<1x80x128xf32, #tpu.memory_space<vmem>>
          %dma_start3A_319 = tpu.memref_squeeze %dma_start3A_318 : memref<1x80x128xf32, #tpu.memory_space<vmem>> -> memref<80x128xf32, #tpu.memory_space<vmem>>
          %dma_start3A_320 = arith.constant 0 : i32
          %dma_start3A_321 = arith.constant 0 : i32
          %dma_start3A_322 = tpu.memref_slice %arg7[%dma_start3A_320, %dma_start3A_321] : memref<10000x128xf32, #tpu.memory_space<vmem_shared>> -> memref<10000x128xf32, #tpu.memory_space<vmem_shared>>
          tpu.enqueue_indirect_dma source(%dma_start3A_319 : memref<80x128xf32, #tpu.memory_space<vmem>>) target(%dma_start3A_322 : memref<10000x128xf32, #tpu.memory_space<vmem_shared>>) offsets(%arg10 : memref<80xi32, #tpu.memory_space<vmem>>) semaphore(%run_scoped3A_315 : memref<!tpu.dma_semaphore, #tpu.memory_space<semaphore_mem>>) {add = true}
          %dma_wait3A_323 = arith.constant 0 : i32
          %dma_wait3A_324 = arith.constant 0 : i32
          %dma_wait3A_325 = tpu.memref_slice %arg8[%run_scoped3A_313, %dma_wait3A_323, %dma_wait3A_324] : memref<2x80x128xf32, #tpu.memory_space<vmem>> -> memref<1x80x128xf32, #tpu.memory_space<vmem>>
          %dma_wait3A_326 = tpu.memref_squeeze %dma_wait3A_325 : memref<1x80x128xf32, #tpu.memory_space<vmem>> -> memref<80x128xf32, #tpu.memory_space<vmem>>
          %dma_wait3A_327 = arith.constant 0 : i32
          %dma_wait3A_328 = arith.constant 0 : i32
          %dma_wait3A_329 = tpu.memref_slice %arg7[%dma_wait3A_327, %dma_wait3A_328] : memref<10000x128xf32, #tpu.memory_space<vmem_shared>> -> memref<10000x128xf32, #tpu.memory_space<vmem_shared>>
          tpu.wait_indirect_dma semaphore(%run_scoped3A_315 : memref<!tpu.dma_semaphore, #tpu.memory_space<semaphore_mem>>) src(%dma_wait3A_326 : memref<80x128xf32, #tpu.memory_space<vmem>>) dst(%dma_wait3A_329 : memref<10000x128xf32, #tpu.memory_space<vmem_shared>>)
          tpu.yield
        }) : () -> ()
        %scan3A_314 = arith.constant 0 : i32
        scf.yield %scan3A_314 : i32
      }
      %scan3A_237 = arith.constant 125 : i32
    } else {
    }
    %barrier3A_69 = arith.constant 0 : index
    tpu.barrier barrier_id(%barrier3A_69)
    %add3A_70 = arith.constant 0 : i32
    %add3A_71 = arith.addi %arg1, %add3A_70 : i32
    %lt3A_72 = arith.constant 125 : i32
    %lt3A_73 = arith.cmpi slt, %add3A_71, %lt3A_72 : i32
    %eq3A_74 = arith.constant 0 : i32
    %eq3A_75 = arith.cmpi eq, %arg0, %eq3A_74 : i32
    %and3A = arith.andi %lt3A_73, %eq3A_75 : i1
    %convert_element_type3A_76 = arith.extui %and3A : i1 to i32
    %cond3A_77 = arith.constant 0 : i32
    %cond3A_78 = arith.cmpi ne, %convert_element_type3A_76, %cond3A_77 : i32
    scf.if %cond3A_78 {
      %mul3A_213 = arith.constant 80 : i32
      %mul3A_214 = arith.muli %add3A_71, %mul3A_213 : i32
      %mul3A_215 = arith.constant 80 : i32
      %mul3A_216 = arith.muli %add3A_71, %mul3A_215 : i32
      "tpu.region"() ({
        %run_scoped3A = tpu.sem_alloc : memref<!tpu.dma_semaphore, #tpu.memory_space<semaphore_mem>>
        %dma_start3A = arith.constant 0 : i32
        %dma_start3A_217 = tpu.memref_slice %arg5[%mul3A_216, %dma_start3A] : memref<10000x128xf32, #tpu.memory_space<hbm>> -> memref<80x128xf32, #tpu.memory_space<hbm>>
        %dma_start3A_218 = arith.constant 0 : i32
        %dma_start3A_219 = tpu.memref_slice %arg7[%mul3A_214, %dma_start3A_218] : memref<10000x128xf32, #tpu.memory_space<vmem_shared>> -> memref<80x128xf32, #tpu.memory_space<vmem_shared>>
        tpu.enqueue_dma source(%dma_start3A_219 : memref<80x128xf32, #tpu.memory_space<vmem_shared>>) target(%dma_start3A_217 : memref<80x128xf32, #tpu.memory_space<hbm>>) target_semaphore(%run_scoped3A : memref<!tpu.dma_semaphore, #tpu.memory_space<semaphore_mem>>)
        %dma_wait3A = arith.constant 0 : i32
        %dma_wait3A_220 = tpu.memref_slice %arg5[%mul3A_216, %dma_wait3A] : memref<10000x128xf32, #tpu.memory_space<hbm>> -> memref<80x128xf32, #tpu.memory_space<hbm>>
        %dma_wait3A_221 = arith.constant 0 : i32
        %dma_wait3A_222 = tpu.memref_slice %arg7[%mul3A_214, %dma_wait3A_221] : memref<10000x128xf32, #tpu.memory_space<vmem_shared>> -> memref<80x128xf32, #tpu.memory_space<vmem_shared>>
        tpu.wait_dma2 semaphore(%run_scoped3A : memref<!tpu.dma_semaphore, #tpu.memory_space<semaphore_mem>>) src(%dma_wait3A_222 : memref<80x128xf32, #tpu.memory_space<vmem_shared>>) dst(%dma_wait3A_220 : memref<80x128xf32, #tpu.memory_space<hbm>>)
        tpu.yield
      }) : () -> ()
    } else {
    }
    %lt3A_79 = arith.constant 125 : i32
    %lt3A_80 = arith.cmpi slt, %add3A_71, %lt3A_79 : i32
    %eq3A_81 = arith.constant 1 : i32
    %eq3A_82 = arith.cmpi eq, %arg0, %eq3A_81 : i32
    %and3A_83 = arith.andi %lt3A_80, %eq3A_82 : i1
    %convert_element_type3A_84 = arith.extui %and3A_83 : i1 to i32
    %cond3A_85 = arith.constant 0 : i32
    %cond3A_86 = arith.cmpi ne, %convert_element_type3A_84, %cond3A_85 : i32
    scf.if %cond3A_86 {
      %mul3A_213 = arith.constant 80 : i32
      %mul3A_214 = arith.muli %add3A_71, %mul3A_213 : i32
      %mul3A_215 = arith.constant 80 : i32
      %mul3A_216 = arith.muli %add3A_71, %mul3A_215 : i32
      "tpu.region"() ({
        %run_scoped3A = tpu.sem_alloc : memref<!tpu.dma_semaphore, #tpu.memory_space<semaphore_mem>>
        %dma_start3A = arith.constant 0 : i32
        %dma_start3A_217 = tpu.memref_slice %arg6[%mul3A_216, %dma_start3A] : memref<10000x128xf32, #tpu.memory_space<hbm>> -> memref<80x128xf32, #tpu.memory_space<hbm>>
        %dma_start3A_218 = arith.constant 0 : i32
        %dma_start3A_219 = tpu.memref_slice %arg7[%mul3A_214, %dma_start3A_218] : memref<10000x128xf32, #tpu.memory_space<vmem_shared>> -> memref<80x128xf32, #tpu.memory_space<vmem_shared>>
        tpu.enqueue_dma source(%dma_start3A_219 : memref<80x128xf32, #tpu.memory_space<vmem_shared>>) target(%dma_start3A_217 : memref<80x128xf32, #tpu.memory_space<hbm>>) target_semaphore(%run_scoped3A : memref<!tpu.dma_semaphore, #tpu.memory_space<semaphore_mem>>)
        %dma_wait3A = arith.constant 0 : i32
        %dma_wait3A_220 = tpu.memref_slice %arg6[%mul3A_216, %dma_wait3A] : memref<10000x128xf32, #tpu.memory_space<hbm>> -> memref<80x128xf32, #tpu.memory_space<hbm>>
        %dma_wait3A_221 = arith.constant 0 : i32
        %dma_wait3A_222 = tpu.memref_slice %arg7[%mul3A_214, %dma_wait3A_221] : memref<10000x128xf32, #tpu.memory_space<vmem_shared>> -> memref<80x128xf32, #tpu.memory_space<vmem_shared>>
        tpu.wait_dma2 semaphore(%run_scoped3A : memref<!tpu.dma_semaphore, #tpu.memory_space<semaphore_mem>>) src(%dma_wait3A_222 : memref<80x128xf32, #tpu.memory_space<vmem_shared>>) dst(%dma_wait3A_220 : memref<80x128xf32, #tpu.memory_space<hbm>>)
        tpu.yield
      }) : () -> ()
    } else {
    }
    %add3A_87 = arith.constant 16 : i32
    %add3A_88 = arith.addi %arg1, %add3A_87 : i32
    %lt3A_89 = arith.constant 125 : i32
    %lt3A_90 = arith.cmpi slt, %add3A_88, %lt3A_89 : i32
    %eq3A_91 = arith.constant 0 : i32
    %eq3A_92 = arith.cmpi eq, %arg0, %eq3A_91 : i32
    %and3A_93 = arith.andi %lt3A_90, %eq3A_92 : i1
    %convert_element_type3A_94 = arith.extui %and3A_93 : i1 to i32
    %cond3A_95 = arith.constant 0 : i32
    %cond3A_96 = arith.cmpi ne, %convert_element_type3A_94, %cond3A_95 : i32
    scf.if %cond3A_96 {
      %mul3A_213 = arith.constant 80 : i32
      %mul3A_214 = arith.muli %add3A_88, %mul3A_213 : i32
      %mul3A_215 = arith.constant 80 : i32
      %mul3A_216 = arith.muli %add3A_88, %mul3A_215 : i32
      "tpu.region"() ({
        %run_scoped3A = tpu.sem_alloc : memref<!tpu.dma_semaphore, #tpu.memory_space<semaphore_mem>>
        %dma_start3A = arith.constant 0 : i32
        %dma_start3A_217 = tpu.memref_slice %arg5[%mul3A_216, %dma_start3A] : memref<10000x128xf32, #tpu.memory_space<hbm>> -> memref<80x128xf32, #tpu.memory_space<hbm>>
        %dma_start3A_218 = arith.constant 0 : i32
        %dma_start3A_219 = tpu.memref_slice %arg7[%mul3A_214, %dma_start3A_218] : memref<10000x128xf32, #tpu.memory_space<vmem_shared>> -> memref<80x128xf32, #tpu.memory_space<vmem_shared>>
        tpu.enqueue_dma source(%dma_start3A_219 : memref<80x128xf32, #tpu.memory_space<vmem_shared>>) target(%dma_start3A_217 : memref<80x128xf32, #tpu.memory_space<hbm>>) target_semaphore(%run_scoped3A : memref<!tpu.dma_semaphore, #tpu.memory_space<semaphore_mem>>)
        %dma_wait3A = arith.constant 0 : i32
        %dma_wait3A_220 = tpu.memref_slice %arg5[%mul3A_216, %dma_wait3A] : memref<10000x128xf32, #tpu.memory_space<hbm>> -> memref<80x128xf32, #tpu.memory_space<hbm>>
        %dma_wait3A_221 = arith.constant 0 : i32
        %dma_wait3A_222 = tpu.memref_slice %arg7[%mul3A_214, %dma_wait3A_221] : memref<10000x128xf32, #tpu.memory_space<vmem_shared>> -> memref<80x128xf32, #tpu.memory_space<vmem_shared>>
        tpu.wait_dma2 semaphore(%run_scoped3A : memref<!tpu.dma_semaphore, #tpu.memory_space<semaphore_mem>>) src(%dma_wait3A_222 : memref<80x128xf32, #tpu.memory_space<vmem_shared>>) dst(%dma_wait3A_220 : memref<80x128xf32, #tpu.memory_space<hbm>>)
        tpu.yield
      }) : () -> ()
    } else {
    }
    %lt3A_97 = arith.constant 125 : i32
    %lt3A_98 = arith.cmpi slt, %add3A_88, %lt3A_97 : i32
    %eq3A_99 = arith.constant 1 : i32
    %eq3A_100 = arith.cmpi eq, %arg0, %eq3A_99 : i32
    %and3A_101 = arith.andi %lt3A_98, %eq3A_100 : i1
    %convert_element_type3A_102 = arith.extui %and3A_101 : i1 to i32
    %cond3A_103 = arith.constant 0 : i32
    %cond3A_104 = arith.cmpi ne, %convert_element_type3A_102, %cond3A_103 : i32
    scf.if %cond3A_104 {
      %mul3A_213 = arith.constant 80 : i32
      %mul3A_214 = arith.muli %add3A_88, %mul3A_213 : i32
      %mul3A_215 = arith.constant 80 : i32
      %mul3A_216 = arith.muli %add3A_88, %mul3A_215 : i32
      "tpu.region"() ({
        %run_scoped3A = tpu.sem_alloc : memref<!tpu.dma_semaphore, #tpu.memory_space<semaphore_mem>>
        %dma_start3A = arith.constant 0 : i32
        %dma_start3A_217 = tpu.memref_slice %arg6[%mul3A_216, %dma_start3A] : memref<10000x128xf32, #tpu.memory_space<hbm>> -> memref<80x128xf32, #tpu.memory_space<hbm>>
        %dma_start3A_218 = arith.constant 0 : i32
        %dma_start3A_219 = tpu.memref_slice %arg7[%mul3A_214, %dma_start3A_218] : memref<10000x128xf32, #tpu.memory_space<vmem_shared>> -> memref<80x128xf32, #tpu.memory_space<vmem_shared>>
        tpu.enqueue_dma source(%dma_start3A_219 : memref<80x128xf32, #tpu.memory_space<vmem_shared>>) target(%dma_start3A_217 : memref<80x128xf32, #tpu.memory_space<hbm>>) target_semaphore(%run_scoped3A : memref<!tpu.dma_semaphore, #tpu.memory_space<semaphore_mem>>)
        %dma_wait3A = arith.constant 0 : i32
        %dma_wait3A_220 = tpu.memref_slice %arg6[%mul3A_216, %dma_wait3A] : memref<10000x128xf32, #tpu.memory_space<hbm>> -> memref<80x128xf32, #tpu.memory_space<hbm>>
        %dma_wait3A_221 = arith.constant 0 : i32
        %dma_wait3A_222 = tpu.memref_slice %arg7[%mul3A_214, %dma_wait3A_221] : memref<10000x128xf32, #tpu.memory_space<vmem_shared>> -> memref<80x128xf32, #tpu.memory_space<vmem_shared>>
        tpu.wait_dma2 semaphore(%run_scoped3A : memref<!tpu.dma_semaphore, #tpu.memory_space<semaphore_mem>>) src(%dma_wait3A_222 : memref<80x128xf32, #tpu.memory_space<vmem_shared>>) dst(%dma_wait3A_220 : memref<80x128xf32, #tpu.memory_space<hbm>>)
        tpu.yield
      }) : () -> ()
    } else {
    }
    %add3A_105 = arith.constant 32 : i32
    %add3A_106 = arith.addi %arg1, %add3A_105 : i32
    %lt3A_107 = arith.constant 125 : i32
    %lt3A_108 = arith.cmpi slt, %add3A_106, %lt3A_107 : i32
    %eq3A_109 = arith.constant 0 : i32
    %eq3A_110 = arith.cmpi eq, %arg0, %eq3A_109 : i32
    %and3A_111 = arith.andi %lt3A_108, %eq3A_110 : i1
    %convert_element_type3A_112 = arith.extui %and3A_111 : i1 to i32
    %cond3A_113 = arith.constant 0 : i32
    %cond3A_114 = arith.cmpi ne, %convert_element_type3A_112, %cond3A_113 : i32
    scf.if %cond3A_114 {
      %mul3A_213 = arith.constant 80 : i32
      %mul3A_214 = arith.muli %add3A_106, %mul3A_213 : i32
      %mul3A_215 = arith.constant 80 : i32
      %mul3A_216 = arith.muli %add3A_106, %mul3A_215 : i32
      "tpu.region"() ({
        %run_scoped3A = tpu.sem_alloc : memref<!tpu.dma_semaphore, #tpu.memory_space<semaphore_mem>>
        %dma_start3A = arith.constant 0 : i32
        %dma_start3A_217 = tpu.memref_slice %arg5[%mul3A_216, %dma_start3A] : memref<10000x128xf32, #tpu.memory_space<hbm>> -> memref<80x128xf32, #tpu.memory_space<hbm>>
        %dma_start3A_218 = arith.constant 0 : i32
        %dma_start3A_219 = tpu.memref_slice %arg7[%mul3A_214, %dma_start3A_218] : memref<10000x128xf32, #tpu.memory_space<vmem_shared>> -> memref<80x128xf32, #tpu.memory_space<vmem_shared>>
        tpu.enqueue_dma source(%dma_start3A_219 : memref<80x128xf32, #tpu.memory_space<vmem_shared>>) target(%dma_start3A_217 : memref<80x128xf32, #tpu.memory_space<hbm>>) target_semaphore(%run_scoped3A : memref<!tpu.dma_semaphore, #tpu.memory_space<semaphore_mem>>)
        %dma_wait3A = arith.constant 0 : i32
        %dma_wait3A_220 = tpu.memref_slice %arg5[%mul3A_216, %dma_wait3A] : memref<10000x128xf32, #tpu.memory_space<hbm>> -> memref<80x128xf32, #tpu.memory_space<hbm>>
        %dma_wait3A_221 = arith.constant 0 : i32
        %dma_wait3A_222 = tpu.memref_slice %arg7[%mul3A_214, %dma_wait3A_221] : memref<10000x128xf32, #tpu.memory_space<vmem_shared>> -> memref<80x128xf32, #tpu.memory_space<vmem_shared>>
        tpu.wait_dma2 semaphore(%run_scoped3A : memref<!tpu.dma_semaphore, #tpu.memory_space<semaphore_mem>>) src(%dma_wait3A_222 : memref<80x128xf32, #tpu.memory_space<vmem_shared>>) dst(%dma_wait3A_220 : memref<80x128xf32, #tpu.memory_space<hbm>>)
        tpu.yield
      }) : () -> ()
    } else {
    }
    %lt3A_115 = arith.constant 125 : i32
    %lt3A_116 = arith.cmpi slt, %add3A_106, %lt3A_115 : i32
    %eq3A_117 = arith.constant 1 : i32
    %eq3A_118 = arith.cmpi eq, %arg0, %eq3A_117 : i32
    %and3A_119 = arith.andi %lt3A_116, %eq3A_118 : i1
    %convert_element_type3A_120 = arith.extui %and3A_119 : i1 to i32
    %cond3A_121 = arith.constant 0 : i32
    %cond3A_122 = arith.cmpi ne, %convert_element_type3A_120, %cond3A_121 : i32
    scf.if %cond3A_122 {
      %mul3A_213 = arith.constant 80 : i32
      %mul3A_214 = arith.muli %add3A_106, %mul3A_213 : i32
      %mul3A_215 = arith.constant 80 : i32
      %mul3A_216 = arith.muli %add3A_106, %mul3A_215 : i32
      "tpu.region"() ({
        %run_scoped3A = tpu.sem_alloc : memref<!tpu.dma_semaphore, #tpu.memory_space<semaphore_mem>>
        %dma_start3A = arith.constant 0 : i32
        %dma_start3A_217 = tpu.memref_slice %arg6[%mul3A_216, %dma_start3A] : memref<10000x128xf32, #tpu.memory_space<hbm>> -> memref<80x128xf32, #tpu.memory_space<hbm>>
        %dma_start3A_218 = arith.constant 0 : i32
        %dma_start3A_219 = tpu.memref_slice %arg7[%mul3A_214, %dma_start3A_218] : memref<10000x128xf32, #tpu.memory_space<vmem_shared>> -> memref<80x128xf32, #tpu.memory_space<vmem_shared>>
        tpu.enqueue_dma source(%dma_start3A_219 : memref<80x128xf32, #tpu.memory_space<vmem_shared>>) target(%dma_start3A_217 : memref<80x128xf32, #tpu.memory_space<hbm>>) target_semaphore(%run_scoped3A : memref<!tpu.dma_semaphore, #tpu.memory_space<semaphore_mem>>)
        %dma_wait3A = arith.constant 0 : i32
        %dma_wait3A_220 = tpu.memref_slice %arg6[%mul3A_216, %dma_wait3A] : memref<10000x128xf32, #tpu.memory_space<hbm>> -> memref<80x128xf32, #tpu.memory_space<hbm>>
        %dma_wait3A_221 = arith.constant 0 : i32
        %dma_wait3A_222 = tpu.memref_slice %arg7[%mul3A_214, %dma_wait3A_221] : memref<10000x128xf32, #tpu.memory_space<vmem_shared>> -> memref<80x128xf32, #tpu.memory_space<vmem_shared>>
        tpu.wait_dma2 semaphore(%run_scoped3A : memref<!tpu.dma_semaphore, #tpu.memory_space<semaphore_mem>>) src(%dma_wait3A_222 : memref<80x128xf32, #tpu.memory_space<vmem_shared>>) dst(%dma_wait3A_220 : memref<80x128xf32, #tpu.memory_space<hbm>>)
        tpu.yield
      }) : () -> ()
    } else {
    }
    %add3A_123 = arith.constant 48 : i32
    %add3A_124 = arith.addi %arg1, %add3A_123 : i32
    %lt3A_125 = arith.constant 125 : i32
    %lt3A_126 = arith.cmpi slt, %add3A_124, %lt3A_125 : i32
    %eq3A_127 = arith.constant 0 : i32
    %eq3A_128 = arith.cmpi eq, %arg0, %eq3A_127 : i32
    %and3A_129 = arith.andi %lt3A_126, %eq3A_128 : i1
    %convert_element_type3A_130 = arith.extui %and3A_129 : i1 to i32
    %cond3A_131 = arith.constant 0 : i32
    %cond3A_132 = arith.cmpi ne, %convert_element_type3A_130, %cond3A_131 : i32
    scf.if %cond3A_132 {
      %mul3A_213 = arith.constant 80 : i32
      %mul3A_214 = arith.muli %add3A_124, %mul3A_213 : i32
      %mul3A_215 = arith.constant 80 : i32
      %mul3A_216 = arith.muli %add3A_124, %mul3A_215 : i32
      "tpu.region"() ({
        %run_scoped3A = tpu.sem_alloc : memref<!tpu.dma_semaphore, #tpu.memory_space<semaphore_mem>>
        %dma_start3A = arith.constant 0 : i32
        %dma_start3A_217 = tpu.memref_slice %arg5[%mul3A_216, %dma_start3A] : memref<10000x128xf32, #tpu.memory_space<hbm>> -> memref<80x128xf32, #tpu.memory_space<hbm>>
        %dma_start3A_218 = arith.constant 0 : i32
        %dma_start3A_219 = tpu.memref_slice %arg7[%mul3A_214, %dma_start3A_218] : memref<10000x128xf32, #tpu.memory_space<vmem_shared>> -> memref<80x128xf32, #tpu.memory_space<vmem_shared>>
        tpu.enqueue_dma source(%dma_start3A_219 : memref<80x128xf32, #tpu.memory_space<vmem_shared>>) target(%dma_start3A_217 : memref<80x128xf32, #tpu.memory_space<hbm>>) target_semaphore(%run_scoped3A : memref<!tpu.dma_semaphore, #tpu.memory_space<semaphore_mem>>)
        %dma_wait3A = arith.constant 0 : i32
        %dma_wait3A_220 = tpu.memref_slice %arg5[%mul3A_216, %dma_wait3A] : memref<10000x128xf32, #tpu.memory_space<hbm>> -> memref<80x128xf32, #tpu.memory_space<hbm>>
        %dma_wait3A_221 = arith.constant 0 : i32
        %dma_wait3A_222 = tpu.memref_slice %arg7[%mul3A_214, %dma_wait3A_221] : memref<10000x128xf32, #tpu.memory_space<vmem_shared>> -> memref<80x128xf32, #tpu.memory_space<vmem_shared>>
        tpu.wait_dma2 semaphore(%run_scoped3A : memref<!tpu.dma_semaphore, #tpu.memory_space<semaphore_mem>>) src(%dma_wait3A_222 : memref<80x128xf32, #tpu.memory_space<vmem_shared>>) dst(%dma_wait3A_220 : memref<80x128xf32, #tpu.memory_space<hbm>>)
        tpu.yield
      }) : () -> ()
    } else {
    }
    %lt3A_133 = arith.constant 125 : i32
    %lt3A_134 = arith.cmpi slt, %add3A_124, %lt3A_133 : i32
    %eq3A_135 = arith.constant 1 : i32
    %eq3A_136 = arith.cmpi eq, %arg0, %eq3A_135 : i32
    %and3A_137 = arith.andi %lt3A_134, %eq3A_136 : i1
    %convert_element_type3A_138 = arith.extui %and3A_137 : i1 to i32
    %cond3A_139 = arith.constant 0 : i32
    %cond3A_140 = arith.cmpi ne, %convert_element_type3A_138, %cond3A_139 : i32
    scf.if %cond3A_140 {
      %mul3A_213 = arith.constant 80 : i32
      %mul3A_214 = arith.muli %add3A_124, %mul3A_213 : i32
      %mul3A_215 = arith.constant 80 : i32
      %mul3A_216 = arith.muli %add3A_124, %mul3A_215 : i32
      "tpu.region"() ({
        %run_scoped3A = tpu.sem_alloc : memref<!tpu.dma_semaphore, #tpu.memory_space<semaphore_mem>>
        %dma_start3A = arith.constant 0 : i32
        %dma_start3A_217 = tpu.memref_slice %arg6[%mul3A_216, %dma_start3A] : memref<10000x128xf32, #tpu.memory_space<hbm>> -> memref<80x128xf32, #tpu.memory_space<hbm>>
        %dma_start3A_218 = arith.constant 0 : i32
        %dma_start3A_219 = tpu.memref_slice %arg7[%mul3A_214, %dma_start3A_218] : memref<10000x128xf32, #tpu.memory_space<vmem_shared>> -> memref<80x128xf32, #tpu.memory_space<vmem_shared>>
        tpu.enqueue_dma source(%dma_start3A_219 : memref<80x128xf32, #tpu.memory_space<vmem_shared>>) target(%dma_start3A_217 : memref<80x128xf32, #tpu.memory_space<hbm>>) target_semaphore(%run_scoped3A : memref<!tpu.dma_semaphore, #tpu.memory_space<semaphore_mem>>)
        %dma_wait3A = arith.constant 0 : i32
        %dma_wait3A_220 = tpu.memref_slice %arg6[%mul3A_216, %dma_wait3A] : memref<10000x128xf32, #tpu.memory_space<hbm>> -> memref<80x128xf32, #tpu.memory_space<hbm>>
        %dma_wait3A_221 = arith.constant 0 : i32
        %dma_wait3A_222 = tpu.memref_slice %arg7[%mul3A_214, %dma_wait3A_221] : memref<10000x128xf32, #tpu.memory_space<vmem_shared>> -> memref<80x128xf32, #tpu.memory_space<vmem_shared>>
        tpu.wait_dma2 semaphore(%run_scoped3A : memref<!tpu.dma_semaphore, #tpu.memory_space<semaphore_mem>>) src(%dma_wait3A_222 : memref<80x128xf32, #tpu.memory_space<vmem_shared>>) dst(%dma_wait3A_220 : memref<80x128xf32, #tpu.memory_space<hbm>>)
        tpu.yield
      }) : () -> ()
    } else {
    }
    %add3A_141 = arith.constant 64 : i32
    %add3A_142 = arith.addi %arg1, %add3A_141 : i32
    %lt3A_143 = arith.constant 125 : i32
    %lt3A_144 = arith.cmpi slt, %add3A_142, %lt3A_143 : i32
    %eq3A_145 = arith.constant 0 : i32
    %eq3A_146 = arith.cmpi eq, %arg0, %eq3A_145 : i32
    %and3A_147 = arith.andi %lt3A_144, %eq3A_146 : i1
    %convert_element_type3A_148 = arith.extui %and3A_147 : i1 to i32
    %cond3A_149 = arith.constant 0 : i32
    %cond3A_150 = arith.cmpi ne, %convert_element_type3A_148, %cond3A_149 : i32
    scf.if %cond3A_150 {
      %mul3A_213 = arith.constant 80 : i32
      %mul3A_214 = arith.muli %add3A_142, %mul3A_213 : i32
      %mul3A_215 = arith.constant 80 : i32
      %mul3A_216 = arith.muli %add3A_142, %mul3A_215 : i32
      "tpu.region"() ({
        %run_scoped3A = tpu.sem_alloc : memref<!tpu.dma_semaphore, #tpu.memory_space<semaphore_mem>>
        %dma_start3A = arith.constant 0 : i32
        %dma_start3A_217 = tpu.memref_slice %arg5[%mul3A_216, %dma_start3A] : memref<10000x128xf32, #tpu.memory_space<hbm>> -> memref<80x128xf32, #tpu.memory_space<hbm>>
        %dma_start3A_218 = arith.constant 0 : i32
        %dma_start3A_219 = tpu.memref_slice %arg7[%mul3A_214, %dma_start3A_218] : memref<10000x128xf32, #tpu.memory_space<vmem_shared>> -> memref<80x128xf32, #tpu.memory_space<vmem_shared>>
        tpu.enqueue_dma source(%dma_start3A_219 : memref<80x128xf32, #tpu.memory_space<vmem_shared>>) target(%dma_start3A_217 : memref<80x128xf32, #tpu.memory_space<hbm>>) target_semaphore(%run_scoped3A : memref<!tpu.dma_semaphore, #tpu.memory_space<semaphore_mem>>)
        %dma_wait3A = arith.constant 0 : i32
        %dma_wait3A_220 = tpu.memref_slice %arg5[%mul3A_216, %dma_wait3A] : memref<10000x128xf32, #tpu.memory_space<hbm>> -> memref<80x128xf32, #tpu.memory_space<hbm>>
        %dma_wait3A_221 = arith.constant 0 : i32
        %dma_wait3A_222 = tpu.memref_slice %arg7[%mul3A_214, %dma_wait3A_221] : memref<10000x128xf32, #tpu.memory_space<vmem_shared>> -> memref<80x128xf32, #tpu.memory_space<vmem_shared>>
        tpu.wait_dma2 semaphore(%run_scoped3A : memref<!tpu.dma_semaphore, #tpu.memory_space<semaphore_mem>>) src(%dma_wait3A_222 : memref<80x128xf32, #tpu.memory_space<vmem_shared>>) dst(%dma_wait3A_220 : memref<80x128xf32, #tpu.memory_space<hbm>>)
        tpu.yield
      }) : () -> ()
    } else {
    }
    %lt3A_151 = arith.constant 125 : i32
    %lt3A_152 = arith.cmpi slt, %add3A_142, %lt3A_151 : i32
    %eq3A_153 = arith.constant 1 : i32
    %eq3A_154 = arith.cmpi eq, %arg0, %eq3A_153 : i32
    %and3A_155 = arith.andi %lt3A_152, %eq3A_154 : i1
    %convert_element_type3A_156 = arith.extui %and3A_155 : i1 to i32
    %cond3A_157 = arith.constant 0 : i32
    %cond3A_158 = arith.cmpi ne, %convert_element_type3A_156, %cond3A_157 : i32
    scf.if %cond3A_158 {
      %mul3A_213 = arith.constant 80 : i32
      %mul3A_214 = arith.muli %add3A_142, %mul3A_213 : i32
      %mul3A_215 = arith.constant 80 : i32
      %mul3A_216 = arith.muli %add3A_142, %mul3A_215 : i32
      "tpu.region"() ({
        %run_scoped3A = tpu.sem_alloc : memref<!tpu.dma_semaphore, #tpu.memory_space<semaphore_mem>>
        %dma_start3A = arith.constant 0 : i32
        %dma_start3A_217 = tpu.memref_slice %arg6[%mul3A_216, %dma_start3A] : memref<10000x128xf32, #tpu.memory_space<hbm>> -> memref<80x128xf32, #tpu.memory_space<hbm>>
        %dma_start3A_218 = arith.constant 0 : i32
        %dma_start3A_219 = tpu.memref_slice %arg7[%mul3A_214, %dma_start3A_218] : memref<10000x128xf32, #tpu.memory_space<vmem_shared>> -> memref<80x128xf32, #tpu.memory_space<vmem_shared>>
        tpu.enqueue_dma source(%dma_start3A_219 : memref<80x128xf32, #tpu.memory_space<vmem_shared>>) target(%dma_start3A_217 : memref<80x128xf32, #tpu.memory_space<hbm>>) target_semaphore(%run_scoped3A : memref<!tpu.dma_semaphore, #tpu.memory_space<semaphore_mem>>)
        %dma_wait3A = arith.constant 0 : i32
        %dma_wait3A_220 = tpu.memref_slice %arg6[%mul3A_216, %dma_wait3A] : memref<10000x128xf32, #tpu.memory_space<hbm>> -> memref<80x128xf32, #tpu.memory_space<hbm>>
        %dma_wait3A_221 = arith.constant 0 : i32
        %dma_wait3A_222 = tpu.memref_slice %arg7[%mul3A_214, %dma_wait3A_221] : memref<10000x128xf32, #tpu.memory_space<vmem_shared>> -> memref<80x128xf32, #tpu.memory_space<vmem_shared>>
        tpu.wait_dma2 semaphore(%run_scoped3A : memref<!tpu.dma_semaphore, #tpu.memory_space<semaphore_mem>>) src(%dma_wait3A_222 : memref<80x128xf32, #tpu.memory_space<vmem_shared>>) dst(%dma_wait3A_220 : memref<80x128xf32, #tpu.memory_space<hbm>>)
        tpu.yield
      }) : () -> ()
    } else {
    }
    %add3A_159 = arith.constant 80 : i32
    %add3A_160 = arith.addi %arg1, %add3A_159 : i32
    %lt3A_161 = arith.constant 125 : i32
    %lt3A_162 = arith.cmpi slt, %add3A_160, %lt3A_161 : i32
    %eq3A_163 = arith.constant 0 : i32
    %eq3A_164 = arith.cmpi eq, %arg0, %eq3A_163 : i32
    %and3A_165 = arith.andi %lt3A_162, %eq3A_164 : i1
    %convert_element_type3A_166 = arith.extui %and3A_165 : i1 to i32
    %cond3A_167 = arith.constant 0 : i32
    %cond3A_168 = arith.cmpi ne, %convert_element_type3A_166, %cond3A_167 : i32
    scf.if %cond3A_168 {
      %mul3A_213 = arith.constant 80 : i32
      %mul3A_214 = arith.muli %add3A_160, %mul3A_213 : i32
      %mul3A_215 = arith.constant 80 : i32
      %mul3A_216 = arith.muli %add3A_160, %mul3A_215 : i32
      "tpu.region"() ({
        %run_scoped3A = tpu.sem_alloc : memref<!tpu.dma_semaphore, #tpu.memory_space<semaphore_mem>>
        %dma_start3A = arith.constant 0 : i32
        %dma_start3A_217 = tpu.memref_slice %arg5[%mul3A_216, %dma_start3A] : memref<10000x128xf32, #tpu.memory_space<hbm>> -> memref<80x128xf32, #tpu.memory_space<hbm>>
        %dma_start3A_218 = arith.constant 0 : i32
        %dma_start3A_219 = tpu.memref_slice %arg7[%mul3A_214, %dma_start3A_218] : memref<10000x128xf32, #tpu.memory_space<vmem_shared>> -> memref<80x128xf32, #tpu.memory_space<vmem_shared>>
        tpu.enqueue_dma source(%dma_start3A_219 : memref<80x128xf32, #tpu.memory_space<vmem_shared>>) target(%dma_start3A_217 : memref<80x128xf32, #tpu.memory_space<hbm>>) target_semaphore(%run_scoped3A : memref<!tpu.dma_semaphore, #tpu.memory_space<semaphore_mem>>)
        %dma_wait3A = arith.constant 0 : i32
        %dma_wait3A_220 = tpu.memref_slice %arg5[%mul3A_216, %dma_wait3A] : memref<10000x128xf32, #tpu.memory_space<hbm>> -> memref<80x128xf32, #tpu.memory_space<hbm>>
        %dma_wait3A_221 = arith.constant 0 : i32
        %dma_wait3A_222 = tpu.memref_slice %arg7[%mul3A_214, %dma_wait3A_221] : memref<10000x128xf32, #tpu.memory_space<vmem_shared>> -> memref<80x128xf32, #tpu.memory_space<vmem_shared>>
        tpu.wait_dma2 semaphore(%run_scoped3A : memref<!tpu.dma_semaphore, #tpu.memory_space<semaphore_mem>>) src(%dma_wait3A_222 : memref<80x128xf32, #tpu.memory_space<vmem_shared>>) dst(%dma_wait3A_220 : memref<80x128xf32, #tpu.memory_space<hbm>>)
        tpu.yield
      }) : () -> ()
    } else {
    }
    %lt3A_169 = arith.constant 125 : i32
    %lt3A_170 = arith.cmpi slt, %add3A_160, %lt3A_169 : i32
    %eq3A_171 = arith.constant 1 : i32
    %eq3A_172 = arith.cmpi eq, %arg0, %eq3A_171 : i32
    %and3A_173 = arith.andi %lt3A_170, %eq3A_172 : i1
    %convert_element_type3A_174 = arith.extui %and3A_173 : i1 to i32
    %cond3A_175 = arith.constant 0 : i32
    %cond3A_176 = arith.cmpi ne, %convert_element_type3A_174, %cond3A_175 : i32
    scf.if %cond3A_176 {
      %mul3A_213 = arith.constant 80 : i32
      %mul3A_214 = arith.muli %add3A_160, %mul3A_213 : i32
      %mul3A_215 = arith.constant 80 : i32
      %mul3A_216 = arith.muli %add3A_160, %mul3A_215 : i32
      "tpu.region"() ({
        %run_scoped3A = tpu.sem_alloc : memref<!tpu.dma_semaphore, #tpu.memory_space<semaphore_mem>>
        %dma_start3A = arith.constant 0 : i32
        %dma_start3A_217 = tpu.memref_slice %arg6[%mul3A_216, %dma_start3A] : memref<10000x128xf32, #tpu.memory_space<hbm>> -> memref<80x128xf32, #tpu.memory_space<hbm>>
        %dma_start3A_218 = arith.constant 0 : i32
        %dma_start3A_219 = tpu.memref_slice %arg7[%mul3A_214, %dma_start3A_218] : memref<10000x128xf32, #tpu.memory_space<vmem_shared>> -> memref<80x128xf32, #tpu.memory_space<vmem_shared>>
        tpu.enqueue_dma source(%dma_start3A_219 : memref<80x128xf32, #tpu.memory_space<vmem_shared>>) target(%dma_start3A_217 : memref<80x128xf32, #tpu.memory_space<hbm>>) target_semaphore(%run_scoped3A : memref<!tpu.dma_semaphore, #tpu.memory_space<semaphore_mem>>)
        %dma_wait3A = arith.constant 0 : i32
        %dma_wait3A_220 = tpu.memref_slice %arg6[%mul3A_216, %dma_wait3A] : memref<10000x128xf32, #tpu.memory_space<hbm>> -> memref<80x128xf32, #tpu.memory_space<hbm>>
        %dma_wait3A_221 = arith.constant 0 : i32
        %dma_wait3A_222 = tpu.memref_slice %arg7[%mul3A_214, %dma_wait3A_221] : memref<10000x128xf32, #tpu.memory_space<vmem_shared>> -> memref<80x128xf32, #tpu.memory_space<vmem_shared>>
        tpu.wait_dma2 semaphore(%run_scoped3A : memref<!tpu.dma_semaphore, #tpu.memory_space<semaphore_mem>>) src(%dma_wait3A_222 : memref<80x128xf32, #tpu.memory_space<vmem_shared>>) dst(%dma_wait3A_220 : memref<80x128xf32, #tpu.memory_space<hbm>>)
        tpu.yield
      }) : () -> ()
    } else {
    }
    %add3A_177 = arith.constant 96 : i32
    %add3A_178 = arith.addi %arg1, %add3A_177 : i32
    %lt3A_179 = arith.constant 125 : i32
    %lt3A_180 = arith.cmpi slt, %add3A_178, %lt3A_179 : i32
    %eq3A_181 = arith.constant 0 : i32
    %eq3A_182 = arith.cmpi eq, %arg0, %eq3A_181 : i32
    %and3A_183 = arith.andi %lt3A_180, %eq3A_182 : i1
    %convert_element_type3A_184 = arith.extui %and3A_183 : i1 to i32
    %cond3A_185 = arith.constant 0 : i32
    %cond3A_186 = arith.cmpi ne, %convert_element_type3A_184, %cond3A_185 : i32
    scf.if %cond3A_186 {
      %mul3A_213 = arith.constant 80 : i32
      %mul3A_214 = arith.muli %add3A_178, %mul3A_213 : i32
      %mul3A_215 = arith.constant 80 : i32
      %mul3A_216 = arith.muli %add3A_178, %mul3A_215 : i32
      "tpu.region"() ({
        %run_scoped3A = tpu.sem_alloc : memref<!tpu.dma_semaphore, #tpu.memory_space<semaphore_mem>>
        %dma_start3A = arith.constant 0 : i32
        %dma_start3A_217 = tpu.memref_slice %arg5[%mul3A_216, %dma_start3A] : memref<10000x128xf32, #tpu.memory_space<hbm>> -> memref<80x128xf32, #tpu.memory_space<hbm>>
        %dma_start3A_218 = arith.constant 0 : i32
        %dma_start3A_219 = tpu.memref_slice %arg7[%mul3A_214, %dma_start3A_218] : memref<10000x128xf32, #tpu.memory_space<vmem_shared>> -> memref<80x128xf32, #tpu.memory_space<vmem_shared>>
        tpu.enqueue_dma source(%dma_start3A_219 : memref<80x128xf32, #tpu.memory_space<vmem_shared>>) target(%dma_start3A_217 : memref<80x128xf32, #tpu.memory_space<hbm>>) target_semaphore(%run_scoped3A : memref<!tpu.dma_semaphore, #tpu.memory_space<semaphore_mem>>)
        %dma_wait3A = arith.constant 0 : i32
        %dma_wait3A_220 = tpu.memref_slice %arg5[%mul3A_216, %dma_wait3A] : memref<10000x128xf32, #tpu.memory_space<hbm>> -> memref<80x128xf32, #tpu.memory_space<hbm>>
        %dma_wait3A_221 = arith.constant 0 : i32
        %dma_wait3A_222 = tpu.memref_slice %arg7[%mul3A_214, %dma_wait3A_221] : memref<10000x128xf32, #tpu.memory_space<vmem_shared>> -> memref<80x128xf32, #tpu.memory_space<vmem_shared>>
        tpu.wait_dma2 semaphore(%run_scoped3A : memref<!tpu.dma_semaphore, #tpu.memory_space<semaphore_mem>>) src(%dma_wait3A_222 : memref<80x128xf32, #tpu.memory_space<vmem_shared>>) dst(%dma_wait3A_220 : memref<80x128xf32, #tpu.memory_space<hbm>>)
        tpu.yield
      }) : () -> ()
    } else {
    }
    %lt3A_187 = arith.constant 125 : i32
    %lt3A_188 = arith.cmpi slt, %add3A_178, %lt3A_187 : i32
    %eq3A_189 = arith.constant 1 : i32
    %eq3A_190 = arith.cmpi eq, %arg0, %eq3A_189 : i32
    %and3A_191 = arith.andi %lt3A_188, %eq3A_190 : i1
    %convert_element_type3A_192 = arith.extui %and3A_191 : i1 to i32
    %cond3A_193 = arith.constant 0 : i32
    %cond3A_194 = arith.cmpi ne, %convert_element_type3A_192, %cond3A_193 : i32
    scf.if %cond3A_194 {
      %mul3A_213 = arith.constant 80 : i32
      %mul3A_214 = arith.muli %add3A_178, %mul3A_213 : i32
      %mul3A_215 = arith.constant 80 : i32
      %mul3A_216 = arith.muli %add3A_178, %mul3A_215 : i32
      "tpu.region"() ({
        %run_scoped3A = tpu.sem_alloc : memref<!tpu.dma_semaphore, #tpu.memory_space<semaphore_mem>>
        %dma_start3A = arith.constant 0 : i32
        %dma_start3A_217 = tpu.memref_slice %arg6[%mul3A_216, %dma_start3A] : memref<10000x128xf32, #tpu.memory_space<hbm>> -> memref<80x128xf32, #tpu.memory_space<hbm>>
        %dma_start3A_218 = arith.constant 0 : i32
        %dma_start3A_219 = tpu.memref_slice %arg7[%mul3A_214, %dma_start3A_218] : memref<10000x128xf32, #tpu.memory_space<vmem_shared>> -> memref<80x128xf32, #tpu.memory_space<vmem_shared>>
        tpu.enqueue_dma source(%dma_start3A_219 : memref<80x128xf32, #tpu.memory_space<vmem_shared>>) target(%dma_start3A_217 : memref<80x128xf32, #tpu.memory_space<hbm>>) target_semaphore(%run_scoped3A : memref<!tpu.dma_semaphore, #tpu.memory_space<semaphore_mem>>)
        %dma_wait3A = arith.constant 0 : i32
        %dma_wait3A_220 = tpu.memref_slice %arg6[%mul3A_216, %dma_wait3A] : memref<10000x128xf32, #tpu.memory_space<hbm>> -> memref<80x128xf32, #tpu.memory_space<hbm>>
        %dma_wait3A_221 = arith.constant 0 : i32
        %dma_wait3A_222 = tpu.memref_slice %arg7[%mul3A_214, %dma_wait3A_221] : memref<10000x128xf32, #tpu.memory_space<vmem_shared>> -> memref<80x128xf32, #tpu.memory_space<vmem_shared>>
        tpu.wait_dma2 semaphore(%run_scoped3A : memref<!tpu.dma_semaphore, #tpu.memory_space<semaphore_mem>>) src(%dma_wait3A_222 : memref<80x128xf32, #tpu.memory_space<vmem_shared>>) dst(%dma_wait3A_220 : memref<80x128xf32, #tpu.memory_space<hbm>>)
        tpu.yield
      }) : () -> ()
    } else {
    }
    %add3A_195 = arith.constant 112 : i32
    %add3A_196 = arith.addi %arg1, %add3A_195 : i32
    %lt3A_197 = arith.constant 125 : i32
    %lt3A_198 = arith.cmpi slt, %add3A_196, %lt3A_197 : i32
    %eq3A_199 = arith.constant 0 : i32
    %eq3A_200 = arith.cmpi eq, %arg0, %eq3A_199 : i32
    %and3A_201 = arith.andi %lt3A_198, %eq3A_200 : i1
    %convert_element_type3A_202 = arith.extui %and3A_201 : i1 to i32
    %cond3A_203 = arith.constant 0 : i32
    %cond3A_204 = arith.cmpi ne, %convert_element_type3A_202, %cond3A_203 : i32
    scf.if %cond3A_204 {
      %mul3A_213 = arith.constant 80 : i32
      %mul3A_214 = arith.muli %add3A_196, %mul3A_213 : i32
      %mul3A_215 = arith.constant 80 : i32
      %mul3A_216 = arith.muli %add3A_196, %mul3A_215 : i32
      "tpu.region"() ({
        %run_scoped3A = tpu.sem_alloc : memref<!tpu.dma_semaphore, #tpu.memory_space<semaphore_mem>>
        %dma_start3A = arith.constant 0 : i32
        %dma_start3A_217 = tpu.memref_slice %arg5[%mul3A_216, %dma_start3A] : memref<10000x128xf32, #tpu.memory_space<hbm>> -> memref<80x128xf32, #tpu.memory_space<hbm>>
        %dma_start3A_218 = arith.constant 0 : i32
        %dma_start3A_219 = tpu.memref_slice %arg7[%mul3A_214, %dma_start3A_218] : memref<10000x128xf32, #tpu.memory_space<vmem_shared>> -> memref<80x128xf32, #tpu.memory_space<vmem_shared>>
        tpu.enqueue_dma source(%dma_start3A_219 : memref<80x128xf32, #tpu.memory_space<vmem_shared>>) target(%dma_start3A_217 : memref<80x128xf32, #tpu.memory_space<hbm>>) target_semaphore(%run_scoped3A : memref<!tpu.dma_semaphore, #tpu.memory_space<semaphore_mem>>)
        %dma_wait3A = arith.constant 0 : i32
        %dma_wait3A_220 = tpu.memref_slice %arg5[%mul3A_216, %dma_wait3A] : memref<10000x128xf32, #tpu.memory_space<hbm>> -> memref<80x128xf32, #tpu.memory_space<hbm>>
        %dma_wait3A_221 = arith.constant 0 : i32
        %dma_wait3A_222 = tpu.memref_slice %arg7[%mul3A_214, %dma_wait3A_221] : memref<10000x128xf32, #tpu.memory_space<vmem_shared>> -> memref<80x128xf32, #tpu.memory_space<vmem_shared>>
        tpu.wait_dma2 semaphore(%run_scoped3A : memref<!tpu.dma_semaphore, #tpu.memory_space<semaphore_mem>>) src(%dma_wait3A_222 : memref<80x128xf32, #tpu.memory_space<vmem_shared>>) dst(%dma_wait3A_220 : memref<80x128xf32, #tpu.memory_space<hbm>>)
        tpu.yield
      }) : () -> ()
    } else {
    }
    %lt3A_205 = arith.constant 125 : i32
    %lt3A_206 = arith.cmpi slt, %add3A_196, %lt3A_205 : i32
    %eq3A_207 = arith.constant 1 : i32
    %eq3A_208 = arith.cmpi eq, %arg0, %eq3A_207 : i32
    %and3A_209 = arith.andi %lt3A_206, %eq3A_208 : i1
    %convert_element_type3A_210 = arith.extui %and3A_209 : i1 to i32
    %cond3A_211 = arith.constant 0 : i32
    %cond3A_212 = arith.cmpi ne, %convert_element_type3A_210, %cond3A_211 : i32
    scf.if %cond3A_212 {
      %mul3A_213 = arith.constant 80 : i32
      %mul3A_214 = arith.muli %add3A_196, %mul3A_213 : i32
      %mul3A_215 = arith.constant 80 : i32
      %mul3A_216 = arith.muli %add3A_196, %mul3A_215 : i32
      "tpu.region"() ({
        %run_scoped3A = tpu.sem_alloc : memref<!tpu.dma_semaphore, #tpu.memory_space<semaphore_mem>>
        %dma_start3A = arith.constant 0 : i32
        %dma_start3A_217 = tpu.memref_slice %arg6[%mul3A_216, %dma_start3A] : memref<10000x128xf32, #tpu.memory_space<hbm>> -> memref<80x128xf32, #tpu.memory_space<hbm>>
        %dma_start3A_218 = arith.constant 0 : i32
        %dma_start3A_219 = tpu.memref_slice %arg7[%mul3A_214, %dma_start3A_218] : memref<10000x128xf32, #tpu.memory_space<vmem_shared>> -> memref<80x128xf32, #tpu.memory_space<vmem_shared>>
        tpu.enqueue_dma source(%dma_start3A_219 : memref<80x128xf32, #tpu.memory_space<vmem_shared>>) target(%dma_start3A_217 : memref<80x128xf32, #tpu.memory_space<hbm>>) target_semaphore(%run_scoped3A : memref<!tpu.dma_semaphore, #tpu.memory_space<semaphore_mem>>)
        %dma_wait3A = arith.constant 0 : i32
        %dma_wait3A_220 = tpu.memref_slice %arg6[%mul3A_216, %dma_wait3A] : memref<10000x128xf32, #tpu.memory_space<hbm>> -> memref<80x128xf32, #tpu.memory_space<hbm>>
        %dma_wait3A_221 = arith.constant 0 : i32
        %dma_wait3A_222 = tpu.memref_slice %arg7[%mul3A_214, %dma_wait3A_221] : memref<10000x128xf32, #tpu.memory_space<vmem_shared>> -> memref<80x128xf32, #tpu.memory_space<vmem_shared>>
        tpu.wait_dma2 semaphore(%run_scoped3A : memref<!tpu.dma_semaphore, #tpu.memory_space<semaphore_mem>>) src(%dma_wait3A_222 : memref<80x128xf32, #tpu.memory_space<vmem_shared>>) dst(%dma_wait3A_220 : memref<80x128xf32, #tpu.memory_space<hbm>>)
        tpu.yield
      }) : () -> ()
    } else {
    }
    return
  }
}

#map = affine_map<(d0, d1) -> (0, 0)>
#map1 = affine_map<(d0, d1) -> (0, 0, 0)>
module attributes {stable_mosaic.version = 14 : i64} {
  func.func @_sc_bcast(%arg0: i32, %arg1: i32, %arg2: memref<10000x128xf32, #tpu.memory_space<hbm>>, %arg3: memref<10000x128xf32, #tpu.memory_space<hbm>>, %arg4: memref<32x125x80xi32, #tpu.memory_space<hbm>>, %arg5: memref<32x125x80xi32, #tpu.memory_space<hbm>>, %arg6: memref<320000x128xf32, #tpu.memory_space<hbm>>, %arg7: memref<125x80xi32, #tpu.memory_space<vmem>>, %arg8: memref<125x80xi32, #tpu.memory_space<vmem>>, %arg9: memref<2x80x128xf32, #tpu.memory_space<vmem>>, %arg10: memref<2x80x128xf32, #tpu.memory_space<vmem>>, %arg11: memref<!tpu.dma_semaphore, #tpu.memory_space<semaphore_mem>>, %arg12: memref<!tpu.dma_semaphore, #tpu.memory_space<semaphore_mem>>) attributes {dimension_semantics = [#tpu.dimension_semantics<core_parallel>, #tpu.dimension_semantics<subcore_parallel>], iteration_bounds = array<i64: 2, 16>, scalar_prefetch = 0 : i64, scratch_operands = 6 : i64, tpu.core_type = #tpu.core_type<sc_vector_subcore>, window_params = [{transform_indices = #map}, {transform_indices = #map}, {transform_indices = #map1}, {transform_indices = #map1}, {transform_indices = #map}]} {
    %mul3A = arith.constant 2 : i32
    %mul3A_0 = arith.muli %arg1, %mul3A : i32
    %add3A = arith.addi %mul3A_0, %arg0 : i32
    %mul3A_1 = arith.constant 10000 : i32
    %mul3A_2 = arith.muli %add3A, %mul3A_1 : i32
    "tpu.region"() ({
      %run_scoped3A_64 = tpu.sem_alloc : memref<!tpu.dma_semaphore, #tpu.memory_space<semaphore_mem>>
      %dma_start3A_65 = arith.constant 0 : i32
      %dma_start3A_66 = arith.constant 0 : i32
      %dma_start3A_67 = tpu.memref_slice %arg4[%add3A, %dma_start3A_65, %dma_start3A_66] : memref<32x125x80xi32, #tpu.memory_space<hbm>> -> memref<1x125x80xi32, #tpu.memory_space<hbm>>
      %dma_start3A_68 = tpu.memref_squeeze %dma_start3A_67 : memref<1x125x80xi32, #tpu.memory_space<hbm>> -> memref<125x80xi32, #tpu.memory_space<hbm>>
      %dma_start3A_69 = arith.constant 0 : i32
      %dma_start3A_70 = arith.constant 0 : i32
      %dma_start3A_71 = tpu.memref_slice %arg4[%add3A, %dma_start3A_69, %dma_start3A_70] : memref<32x125x80xi32, #tpu.memory_space<hbm>> -> memref<1x125x80xi32, #tpu.memory_space<hbm>>
      %dma_start3A_72 = tpu.memref_squeeze %dma_start3A_71 : memref<1x125x80xi32, #tpu.memory_space<hbm>> -> memref<125x80xi32, #tpu.memory_space<hbm>>
      tpu.enqueue_dma source(%dma_start3A_72 : memref<125x80xi32, #tpu.memory_space<hbm>>) target(%arg7 : memref<125x80xi32, #tpu.memory_space<vmem>>) target_semaphore(%run_scoped3A_64 : memref<!tpu.dma_semaphore, #tpu.memory_space<semaphore_mem>>)
      %dma_wait3A_73 = arith.constant 0 : i32
      %dma_wait3A_74 = arith.constant 0 : i32
      %dma_wait3A_75 = tpu.memref_slice %arg4[%add3A, %dma_wait3A_73, %dma_wait3A_74] : memref<32x125x80xi32, #tpu.memory_space<hbm>> -> memref<1x125x80xi32, #tpu.memory_space<hbm>>
      %dma_wait3A_76 = tpu.memref_squeeze %dma_wait3A_75 : memref<1x125x80xi32, #tpu.memory_space<hbm>> -> memref<125x80xi32, #tpu.memory_space<hbm>>
      %dma_wait3A_77 = arith.constant 0 : i32
      %dma_wait3A_78 = arith.constant 0 : i32
      %dma_wait3A_79 = tpu.memref_slice %arg4[%add3A, %dma_wait3A_77, %dma_wait3A_78] : memref<32x125x80xi32, #tpu.memory_space<hbm>> -> memref<1x125x80xi32, #tpu.memory_space<hbm>>
      %dma_wait3A_80 = tpu.memref_squeeze %dma_wait3A_79 : memref<1x125x80xi32, #tpu.memory_space<hbm>> -> memref<125x80xi32, #tpu.memory_space<hbm>>
      tpu.wait_dma2 semaphore(%run_scoped3A_64 : memref<!tpu.dma_semaphore, #tpu.memory_space<semaphore_mem>>) src(%dma_wait3A_80 : memref<125x80xi32, #tpu.memory_space<hbm>>) dst(%arg7 : memref<125x80xi32, #tpu.memory_space<vmem>>)
      tpu.yield
    }) : () -> ()
    "tpu.region"() ({
      %run_scoped3A_64 = tpu.sem_alloc : memref<!tpu.dma_semaphore, #tpu.memory_space<semaphore_mem>>
      %dma_start3A_65 = arith.constant 0 : i32
      %dma_start3A_66 = arith.constant 0 : i32
      %dma_start3A_67 = tpu.memref_slice %arg5[%add3A, %dma_start3A_65, %dma_start3A_66] : memref<32x125x80xi32, #tpu.memory_space<hbm>> -> memref<1x125x80xi32, #tpu.memory_space<hbm>>
      %dma_start3A_68 = tpu.memref_squeeze %dma_start3A_67 : memref<1x125x80xi32, #tpu.memory_space<hbm>> -> memref<125x80xi32, #tpu.memory_space<hbm>>
      %dma_start3A_69 = arith.constant 0 : i32
      %dma_start3A_70 = arith.constant 0 : i32
      %dma_start3A_71 = tpu.memref_slice %arg5[%add3A, %dma_start3A_69, %dma_start3A_70] : memref<32x125x80xi32, #tpu.memory_space<hbm>> -> memref<1x125x80xi32, #tpu.memory_space<hbm>>
      %dma_start3A_72 = tpu.memref_squeeze %dma_start3A_71 : memref<1x125x80xi32, #tpu.memory_space<hbm>> -> memref<125x80xi32, #tpu.memory_space<hbm>>
      tpu.enqueue_dma source(%dma_start3A_72 : memref<125x80xi32, #tpu.memory_space<hbm>>) target(%arg8 : memref<125x80xi32, #tpu.memory_space<vmem>>) target_semaphore(%run_scoped3A_64 : memref<!tpu.dma_semaphore, #tpu.memory_space<semaphore_mem>>)
      %dma_wait3A_73 = arith.constant 0 : i32
      %dma_wait3A_74 = arith.constant 0 : i32
      %dma_wait3A_75 = tpu.memref_slice %arg5[%add3A, %dma_wait3A_73, %dma_wait3A_74] : memref<32x125x80xi32, #tpu.memory_space<hbm>> -> memref<1x125x80xi32, #tpu.memory_space<hbm>>
      %dma_wait3A_76 = tpu.memref_squeeze %dma_wait3A_75 : memref<1x125x80xi32, #tpu.memory_space<hbm>> -> memref<125x80xi32, #tpu.memory_space<hbm>>
      %dma_wait3A_77 = arith.constant 0 : i32
      %dma_wait3A_78 = arith.constant 0 : i32
      %dma_wait3A_79 = tpu.memref_slice %arg5[%add3A, %dma_wait3A_77, %dma_wait3A_78] : memref<32x125x80xi32, #tpu.memory_space<hbm>> -> memref<1x125x80xi32, #tpu.memory_space<hbm>>
      %dma_wait3A_80 = tpu.memref_squeeze %dma_wait3A_79 : memref<1x125x80xi32, #tpu.memory_space<hbm>> -> memref<125x80xi32, #tpu.memory_space<hbm>>
      tpu.wait_dma2 semaphore(%run_scoped3A_64 : memref<!tpu.dma_semaphore, #tpu.memory_space<semaphore_mem>>) src(%dma_wait3A_80 : memref<125x80xi32, #tpu.memory_space<hbm>>) dst(%arg8 : memref<125x80xi32, #tpu.memory_space<vmem>>)
      tpu.yield
    }) : () -> ()
    %dma_start3A = arith.constant 0 : i32
    %dma_start3A_3 = arith.constant 0 : i32
    %dma_start3A_4 = arith.constant 0 : i32
    %dma_start3A_5 = arith.constant 0 : i32
    %dma_start3A_6 = tpu.memref_slice %arg9[%dma_start3A_3, %dma_start3A_4, %dma_start3A_5] : memref<2x80x128xf32, #tpu.memory_space<vmem>> -> memref<1x80x128xf32, #tpu.memory_space<vmem>>
    %dma_start3A_7 = tpu.memref_squeeze %dma_start3A_6 : memref<1x80x128xf32, #tpu.memory_space<vmem>> -> memref<80x128xf32, #tpu.memory_space<vmem>>
    %dma_start3A_8 = arith.constant 0 : i32
    %dma_start3A_9 = tpu.memref_slice %arg7[%dma_start3A, %dma_start3A_8] : memref<125x80xi32, #tpu.memory_space<vmem>> -> memref<1x80xi32, #tpu.memory_space<vmem>>
    %dma_start3A_10 = tpu.memref_squeeze %dma_start3A_9 : memref<1x80xi32, #tpu.memory_space<vmem>> -> memref<80xi32, #tpu.memory_space<vmem>>
    %dma_start3A_11 = arith.constant 0 : i32
    %dma_start3A_12 = arith.constant 0 : i32
    %dma_start3A_13 = tpu.memref_slice %arg2[%dma_start3A_11, %dma_start3A_12] : memref<10000x128xf32, #tpu.memory_space<hbm>> -> memref<10000x128xf32, #tpu.memory_space<hbm>>
    tpu.enqueue_indirect_dma source(%dma_start3A_13 : memref<10000x128xf32, #tpu.memory_space<hbm>>) target(%dma_start3A_7 : memref<80x128xf32, #tpu.memory_space<vmem>>) offsets(%dma_start3A_10 : memref<80xi32, #tpu.memory_space<vmem>>) semaphore(%arg11 : memref<!tpu.dma_semaphore, #tpu.memory_space<semaphore_mem>>)
    %dma_start3A_14 = arith.constant 0 : i32
    %dma_start3A_15 = arith.constant 0 : i32
    %dma_start3A_16 = arith.constant 0 : i32
    %dma_start3A_17 = arith.constant 0 : i32
    %dma_start3A_18 = tpu.memref_slice %arg10[%dma_start3A_15, %dma_start3A_16, %dma_start3A_17] : memref<2x80x128xf32, #tpu.memory_space<vmem>> -> memref<1x80x128xf32, #tpu.memory_space<vmem>>
    %dma_start3A_19 = tpu.memref_squeeze %dma_start3A_18 : memref<1x80x128xf32, #tpu.memory_space<vmem>> -> memref<80x128xf32, #tpu.memory_space<vmem>>
    %dma_start3A_20 = arith.constant 0 : i32
    %dma_start3A_21 = tpu.memref_slice %arg8[%dma_start3A_14, %dma_start3A_20] : memref<125x80xi32, #tpu.memory_space<vmem>> -> memref<1x80xi32, #tpu.memory_space<vmem>>
    %dma_start3A_22 = tpu.memref_squeeze %dma_start3A_21 : memref<1x80xi32, #tpu.memory_space<vmem>> -> memref<80xi32, #tpu.memory_space<vmem>>
    %dma_start3A_23 = arith.constant 0 : i32
    %dma_start3A_24 = arith.constant 0 : i32
    %dma_start3A_25 = tpu.memref_slice %arg3[%dma_start3A_23, %dma_start3A_24] : memref<10000x128xf32, #tpu.memory_space<hbm>> -> memref<10000x128xf32, #tpu.memory_space<hbm>>
    tpu.enqueue_indirect_dma source(%dma_start3A_25 : memref<10000x128xf32, #tpu.memory_space<hbm>>) target(%dma_start3A_19 : memref<80x128xf32, #tpu.memory_space<vmem>>) offsets(%dma_start3A_22 : memref<80xi32, #tpu.memory_space<vmem>>) semaphore(%arg11 : memref<!tpu.dma_semaphore, #tpu.memory_space<semaphore_mem>>)
    %scan3A = arith.constant 0 : i32
    %scan3A_26 = arith.constant 0 : i32
    %scan3A_27 = arith.constant 62 : i32
    %scan3A_28 = arith.addi %scan3A_26, %scan3A_27 : i32
    %scan3A_29 = arith.constant 1 : i32
    %scan3A_30 = scf.for %scan3A_64 = %scan3A_26 to %scan3A_28 step %scan3A_29 iter_args(%scan3A_65 = %scan3A) -> (i32)  : i32 {
      %mul3A_66 = arith.constant 2 : i32
      %mul3A_67 = arith.muli %mul3A_66, %scan3A_64 : i32
      %add3A_68 = arith.constant 1 : i32
      %add3A_69 = arith.addi %mul3A_67, %add3A_68 : i32
      %dma_start3A_70 = arith.constant 1 : i32
      %dma_start3A_71 = arith.constant 0 : i32
      %dma_start3A_72 = arith.constant 0 : i32
      %dma_start3A_73 = tpu.memref_slice %arg9[%dma_start3A_70, %dma_start3A_71, %dma_start3A_72] : memref<2x80x128xf32, #tpu.memory_space<vmem>> -> memref<1x80x128xf32, #tpu.memory_space<vmem>>
      %dma_start3A_74 = tpu.memref_squeeze %dma_start3A_73 : memref<1x80x128xf32, #tpu.memory_space<vmem>> -> memref<80x128xf32, #tpu.memory_space<vmem>>
      %dma_start3A_75 = arith.constant 0 : i32
      %dma_start3A_76 = tpu.memref_slice %arg7[%add3A_69, %dma_start3A_75] : memref<125x80xi32, #tpu.memory_space<vmem>> -> memref<1x80xi32, #tpu.memory_space<vmem>>
      %dma_start3A_77 = tpu.memref_squeeze %dma_start3A_76 : memref<1x80xi32, #tpu.memory_space<vmem>> -> memref<80xi32, #tpu.memory_space<vmem>>
      %dma_start3A_78 = arith.constant 0 : i32
      %dma_start3A_79 = arith.constant 0 : i32
      %dma_start3A_80 = tpu.memref_slice %arg2[%dma_start3A_78, %dma_start3A_79] : memref<10000x128xf32, #tpu.memory_space<hbm>> -> memref<10000x128xf32, #tpu.memory_space<hbm>>
      tpu.enqueue_indirect_dma source(%dma_start3A_80 : memref<10000x128xf32, #tpu.memory_space<hbm>>) target(%dma_start3A_74 : memref<80x128xf32, #tpu.memory_space<vmem>>) offsets(%dma_start3A_77 : memref<80xi32, #tpu.memory_space<vmem>>) semaphore(%arg12 : memref<!tpu.dma_semaphore, #tpu.memory_space<semaphore_mem>>)
      %dma_start3A_81 = arith.constant 1 : i32
      %dma_start3A_82 = arith.constant 0 : i32
      %dma_start3A_83 = arith.constant 0 : i32
      %dma_start3A_84 = tpu.memref_slice %arg10[%dma_start3A_81, %dma_start3A_82, %dma_start3A_83] : memref<2x80x128xf32, #tpu.memory_space<vmem>> -> memref<1x80x128xf32, #tpu.memory_space<vmem>>
      %dma_start3A_85 = tpu.memref_squeeze %dma_start3A_84 : memref<1x80x128xf32, #tpu.memory_space<vmem>> -> memref<80x128xf32, #tpu.memory_space<vmem>>
      %dma_start3A_86 = arith.constant 0 : i32
      %dma_start3A_87 = tpu.memref_slice %arg8[%add3A_69, %dma_start3A_86] : memref<125x80xi32, #tpu.memory_space<vmem>> -> memref<1x80xi32, #tpu.memory_space<vmem>>
      %dma_start3A_88 = tpu.memref_squeeze %dma_start3A_87 : memref<1x80xi32, #tpu.memory_space<vmem>> -> memref<80xi32, #tpu.memory_space<vmem>>
      %dma_start3A_89 = arith.constant 0 : i32
      %dma_start3A_90 = arith.constant 0 : i32
      %dma_start3A_91 = tpu.memref_slice %arg3[%dma_start3A_89, %dma_start3A_90] : memref<10000x128xf32, #tpu.memory_space<hbm>> -> memref<10000x128xf32, #tpu.memory_space<hbm>>
      tpu.enqueue_indirect_dma source(%dma_start3A_91 : memref<10000x128xf32, #tpu.memory_space<hbm>>) target(%dma_start3A_85 : memref<80x128xf32, #tpu.memory_space<vmem>>) offsets(%dma_start3A_88 : memref<80xi32, #tpu.memory_space<vmem>>) semaphore(%arg12 : memref<!tpu.dma_semaphore, #tpu.memory_space<semaphore_mem>>)
      %dma_wait3A_92 = arith.constant 0 : i32
      %dma_wait3A_93 = arith.constant 0 : i32
      %dma_wait3A_94 = arith.constant 0 : i32
      %dma_wait3A_95 = tpu.memref_slice %arg9[%dma_wait3A_92, %dma_wait3A_93, %dma_wait3A_94] : memref<2x80x128xf32, #tpu.memory_space<vmem>> -> memref<1x80x128xf32, #tpu.memory_space<vmem>>
      %dma_wait3A_96 = tpu.memref_squeeze %dma_wait3A_95 : memref<1x80x128xf32, #tpu.memory_space<vmem>> -> memref<80x128xf32, #tpu.memory_space<vmem>>
      %dma_wait3A_97 = arith.constant 0 : i32
      %dma_wait3A_98 = tpu.memref_slice %arg7[%mul3A_67, %dma_wait3A_97] : memref<125x80xi32, #tpu.memory_space<vmem>> -> memref<1x80xi32, #tpu.memory_space<vmem>>
      %dma_wait3A_99 = tpu.memref_squeeze %dma_wait3A_98 : memref<1x80xi32, #tpu.memory_space<vmem>> -> memref<80xi32, #tpu.memory_space<vmem>>
      %dma_wait3A_100 = arith.constant 0 : i32
      %dma_wait3A_101 = arith.constant 0 : i32
      %dma_wait3A_102 = tpu.memref_slice %arg2[%dma_wait3A_100, %dma_wait3A_101] : memref<10000x128xf32, #tpu.memory_space<hbm>> -> memref<10000x128xf32, #tpu.memory_space<hbm>>
      tpu.wait_indirect_dma semaphore(%arg11 : memref<!tpu.dma_semaphore, #tpu.memory_space<semaphore_mem>>) src(%dma_wait3A_102 : memref<10000x128xf32, #tpu.memory_space<hbm>>) dst(%dma_wait3A_96 : memref<80x128xf32, #tpu.memory_space<vmem>>)
      %dma_wait3A_103 = arith.constant 0 : i32
      %dma_wait3A_104 = arith.constant 0 : i32
      %dma_wait3A_105 = arith.constant 0 : i32
      %dma_wait3A_106 = tpu.memref_slice %arg10[%dma_wait3A_103, %dma_wait3A_104, %dma_wait3A_105] : memref<2x80x128xf32, #tpu.memory_space<vmem>> -> memref<1x80x128xf32, #tpu.memory_space<vmem>>
      %dma_wait3A_107 = tpu.memref_squeeze %dma_wait3A_106 : memref<1x80x128xf32, #tpu.memory_space<vmem>> -> memref<80x128xf32, #tpu.memory_space<vmem>>
      %dma_wait3A_108 = arith.constant 0 : i32
      %dma_wait3A_109 = tpu.memref_slice %arg8[%mul3A_67, %dma_wait3A_108] : memref<125x80xi32, #tpu.memory_space<vmem>> -> memref<1x80xi32, #tpu.memory_space<vmem>>
      %dma_wait3A_110 = tpu.memref_squeeze %dma_wait3A_109 : memref<1x80xi32, #tpu.memory_space<vmem>> -> memref<80xi32, #tpu.memory_space<vmem>>
      %dma_wait3A_111 = arith.constant 0 : i32
      %dma_wait3A_112 = arith.constant 0 : i32
      %dma_wait3A_113 = tpu.memref_slice %arg3[%dma_wait3A_111, %dma_wait3A_112] : memref<10000x128xf32, #tpu.memory_space<hbm>> -> memref<10000x128xf32, #tpu.memory_space<hbm>>
      tpu.wait_indirect_dma semaphore(%arg11 : memref<!tpu.dma_semaphore, #tpu.memory_space<semaphore_mem>>) src(%dma_wait3A_113 : memref<10000x128xf32, #tpu.memory_space<hbm>>) dst(%dma_wait3A_107 : memref<80x128xf32, #tpu.memory_space<vmem>>)
      %scan3A_114 = arith.constant 0 : i32
      %scan3A_115 = arith.constant 0 : i32
      %scan3A_116 = arith.constant 80 : i32
      %scan3A_117 = arith.addi %scan3A_115, %scan3A_116 : i32
      %scan3A_118 = arith.constant 1 : i32
      %scan3A_119 = scf.for %scan3A_185 = %scan3A_115 to %scan3A_117 step %scan3A_118 iter_args(%scan3A_186 = %scan3A_114) -> (i32)  : i32 {
        %get3A = arith.constant 0 : i32
        %get3A_187 = arith.index_cast %get3A : i32 to index
        %get3A_188 = arith.index_cast %scan3A_185 : i32 to index
        %get3A_189 = arith.constant 0 : index
        %get3A_190 = tpu.vector_load %arg9[%get3A_187, %get3A_188, %get3A_189] {strides = array<i32>} : memref<2x80x128xf32, #tpu.memory_space<vmem>>, vector<1x1x16xf32>,
        %get3A_191 = vector.shape_cast %get3A_190 : vector<1x1x16xf32> to vector<16xf32>
        %get3A_192 = arith.constant 0 : i32
        %get3A_193 = arith.index_cast %get3A_192 : i32 to index
        %get3A_194 = arith.index_cast %scan3A_185 : i32 to index
        %get3A_195 = arith.constant 0 : index
        %get3A_196 = tpu.vector_load %arg10[%get3A_193, %get3A_194, %get3A_195] {strides = array<i32>} : memref<2x80x128xf32, #tpu.memory_space<vmem>>, vector<1x1x16xf32>,
        %get3A_197 = vector.shape_cast %get3A_196 : vector<1x1x16xf32> to vector<16xf32>
        %add3A_198 = arith.addf %get3A_191, %get3A_197 : vector<16xf32>
        %swap3A = arith.constant 0 : i32
        %swap3A_199 = arith.index_cast %swap3A : i32 to index
        %swap3A_200 = arith.index_cast %scan3A_185 : i32 to index
        %swap3A_201 = arith.constant 0 : index
        %swap3A_202 = tpu.vector_load %arg9[%swap3A_199, %swap3A_200, %swap3A_201] {strides = array<i32>} : memref<2x80x128xf32, #tpu.memory_space<vmem>>, vector<1x1x16xf32>,
        %swap3A_203 = vector.shape_cast %swap3A_202 : vector<1x1x16xf32> to vector<16xf32>
        %swap3A_204 = vector.shape_cast %add3A_198 : vector<16xf32> to vector<1x1x16xf32>
        tpu.vector_store %arg9[%swap3A_199, %swap3A_200, %swap3A_201], %swap3A_204 {strides = array<i32>} : memref<2x80x128xf32, #tpu.memory_space<vmem>>, vector<1x1x16xf32>,
        %get3A_205 = arith.constant 0 : i32
        %get3A_206 = arith.index_cast %get3A_205 : i32 to index
        %get3A_207 = arith.index_cast %scan3A_185 : i32 to index
        %get3A_208 = arith.constant 16 : index
        %get3A_209 = tpu.vector_load %arg9[%get3A_206, %get3A_207, %get3A_208] {strides = array<i32>} : memref<2x80x128xf32, #tpu.memory_space<vmem>>, vector<1x1x16xf32>,
        %get3A_210 = vector.shape_cast %get3A_209 : vector<1x1x16xf32> to vector<16xf32>
        %get3A_211 = arith.constant 0 : i32
        %get3A_212 = arith.index_cast %get3A_211 : i32 to index
        %get3A_213 = arith.index_cast %scan3A_185 : i32 to index
        %get3A_214 = arith.constant 16 : index
        %get3A_215 = tpu.vector_load %arg10[%get3A_212, %get3A_213, %get3A_214] {strides = array<i32>} : memref<2x80x128xf32, #tpu.memory_space<vmem>>, vector<1x1x16xf32>,
        %get3A_216 = vector.shape_cast %get3A_215 : vector<1x1x16xf32> to vector<16xf32>
        %add3A_217 = arith.addf %get3A_210, %get3A_216 : vector<16xf32>
        %swap3A_218 = arith.constant 0 : i32
        %swap3A_219 = arith.index_cast %swap3A_218 : i32 to index
        %swap3A_220 = arith.index_cast %scan3A_185 : i32 to index
        %swap3A_221 = arith.constant 16 : index
        %swap3A_222 = tpu.vector_load %arg9[%swap3A_219, %swap3A_220, %swap3A_221] {strides = array<i32>} : memref<2x80x128xf32, #tpu.memory_space<vmem>>, vector<1x1x16xf32>,
        %swap3A_223 = vector.shape_cast %swap3A_222 : vector<1x1x16xf32> to vector<16xf32>
        %swap3A_224 = vector.shape_cast %add3A_217 : vector<16xf32> to vector<1x1x16xf32>
        tpu.vector_store %arg9[%swap3A_219, %swap3A_220, %swap3A_221], %swap3A_224 {strides = array<i32>} : memref<2x80x128xf32, #tpu.memory_space<vmem>>, vector<1x1x16xf32>,
        %get3A_225 = arith.constant 0 : i32
        %get3A_226 = arith.index_cast %get3A_225 : i32 to index
        %get3A_227 = arith.index_cast %scan3A_185 : i32 to index
        %get3A_228 = arith.constant 32 : index
        %get3A_229 = tpu.vector_load %arg9[%get3A_226, %get3A_227, %get3A_228] {strides = array<i32>} : memref<2x80x128xf32, #tpu.memory_space<vmem>>, vector<1x1x16xf32>,
        %get3A_230 = vector.shape_cast %get3A_229 : vector<1x1x16xf32> to vector<16xf32>
        %get3A_231 = arith.constant 0 : i32
        %get3A_232 = arith.index_cast %get3A_231 : i32 to index
        %get3A_233 = arith.index_cast %scan3A_185 : i32 to index
        %get3A_234 = arith.constant 32 : index
        %get3A_235 = tpu.vector_load %arg10[%get3A_232, %get3A_233, %get3A_234] {strides = array<i32>} : memref<2x80x128xf32, #tpu.memory_space<vmem>>, vector<1x1x16xf32>,
        %get3A_236 = vector.shape_cast %get3A_235 : vector<1x1x16xf32> to vector<16xf32>
        %add3A_237 = arith.addf %get3A_230, %get3A_236 : vector<16xf32>
        %swap3A_238 = arith.constant 0 : i32
        %swap3A_239 = arith.index_cast %swap3A_238 : i32 to index
        %swap3A_240 = arith.index_cast %scan3A_185 : i32 to index
        %swap3A_241 = arith.constant 32 : index
        %swap3A_242 = tpu.vector_load %arg9[%swap3A_239, %swap3A_240, %swap3A_241] {strides = array<i32>} : memref<2x80x128xf32, #tpu.memory_space<vmem>>, vector<1x1x16xf32>,
        %swap3A_243 = vector.shape_cast %swap3A_242 : vector<1x1x16xf32> to vector<16xf32>
        %swap3A_244 = vector.shape_cast %add3A_237 : vector<16xf32> to vector<1x1x16xf32>
        tpu.vector_store %arg9[%swap3A_239, %swap3A_240, %swap3A_241], %swap3A_244 {strides = array<i32>} : memref<2x80x128xf32, #tpu.memory_space<vmem>>, vector<1x1x16xf32>,
        %get3A_245 = arith.constant 0 : i32
        %get3A_246 = arith.index_cast %get3A_245 : i32 to index
        %get3A_247 = arith.index_cast %scan3A_185 : i32 to index
        %get3A_248 = arith.constant 48 : index
        %get3A_249 = tpu.vector_load %arg9[%get3A_246, %get3A_247, %get3A_248] {strides = array<i32>} : memref<2x80x128xf32, #tpu.memory_space<vmem>>, vector<1x1x16xf32>,
        %get3A_250 = vector.shape_cast %get3A_249 : vector<1x1x16xf32> to vector<16xf32>
        %get3A_251 = arith.constant 0 : i32
        %get3A_252 = arith.index_cast %get3A_251 : i32 to index
        %get3A_253 = arith.index_cast %scan3A_185 : i32 to index
        %get3A_254 = arith.constant 48 : index
        %get3A_255 = tpu.vector_load %arg10[%get3A_252, %get3A_253, %get3A_254] {strides = array<i32>} : memref<2x80x128xf32, #tpu.memory_space<vmem>>, vector<1x1x16xf32>,
        %get3A_256 = vector.shape_cast %get3A_255 : vector<1x1x16xf32> to vector<16xf32>
        %add3A_257 = arith.addf %get3A_250, %get3A_256 : vector<16xf32>
        %swap3A_258 = arith.constant 0 : i32
        %swap3A_259 = arith.index_cast %swap3A_258 : i32 to index
        %swap3A_260 = arith.index_cast %scan3A_185 : i32 to index
        %swap3A_261 = arith.constant 48 : index
        %swap3A_262 = tpu.vector_load %arg9[%swap3A_259, %swap3A_260, %swap3A_261] {strides = array<i32>} : memref<2x80x128xf32, #tpu.memory_space<vmem>>, vector<1x1x16xf32>,
        %swap3A_263 = vector.shape_cast %swap3A_262 : vector<1x1x16xf32> to vector<16xf32>
        %swap3A_264 = vector.shape_cast %add3A_257 : vector<16xf32> to vector<1x1x16xf32>
        tpu.vector_store %arg9[%swap3A_259, %swap3A_260, %swap3A_261], %swap3A_264 {strides = array<i32>} : memref<2x80x128xf32, #tpu.memory_space<vmem>>, vector<1x1x16xf32>,
        %get3A_265 = arith.constant 0 : i32
        %get3A_266 = arith.index_cast %get3A_265 : i32 to index
        %get3A_267 = arith.index_cast %scan3A_185 : i32 to index
        %get3A_268 = arith.constant 64 : index
        %get3A_269 = tpu.vector_load %arg9[%get3A_266, %get3A_267, %get3A_268] {strides = array<i32>} : memref<2x80x128xf32, #tpu.memory_space<vmem>>, vector<1x1x16xf32>,
        %get3A_270 = vector.shape_cast %get3A_269 : vector<1x1x16xf32> to vector<16xf32>
        %get3A_271 = arith.constant 0 : i32
        %get3A_272 = arith.index_cast %get3A_271 : i32 to index
        %get3A_273 = arith.index_cast %scan3A_185 : i32 to index
        %get3A_274 = arith.constant 64 : index
        %get3A_275 = tpu.vector_load %arg10[%get3A_272, %get3A_273, %get3A_274] {strides = array<i32>} : memref<2x80x128xf32, #tpu.memory_space<vmem>>, vector<1x1x16xf32>,
        %get3A_276 = vector.shape_cast %get3A_275 : vector<1x1x16xf32> to vector<16xf32>
        %add3A_277 = arith.addf %get3A_270, %get3A_276 : vector<16xf32>
        %swap3A_278 = arith.constant 0 : i32
        %swap3A_279 = arith.index_cast %swap3A_278 : i32 to index
        %swap3A_280 = arith.index_cast %scan3A_185 : i32 to index
        %swap3A_281 = arith.constant 64 : index
        %swap3A_282 = tpu.vector_load %arg9[%swap3A_279, %swap3A_280, %swap3A_281] {strides = array<i32>} : memref<2x80x128xf32, #tpu.memory_space<vmem>>, vector<1x1x16xf32>,
        %swap3A_283 = vector.shape_cast %swap3A_282 : vector<1x1x16xf32> to vector<16xf32>
        %swap3A_284 = vector.shape_cast %add3A_277 : vector<16xf32> to vector<1x1x16xf32>
        tpu.vector_store %arg9[%swap3A_279, %swap3A_280, %swap3A_281], %swap3A_284 {strides = array<i32>} : memref<2x80x128xf32, #tpu.memory_space<vmem>>, vector<1x1x16xf32>,
        %get3A_285 = arith.constant 0 : i32
        %get3A_286 = arith.index_cast %get3A_285 : i32 to index
        %get3A_287 = arith.index_cast %scan3A_185 : i32 to index
        %get3A_288 = arith.constant 80 : index
        %get3A_289 = tpu.vector_load %arg9[%get3A_286, %get3A_287, %get3A_288] {strides = array<i32>} : memref<2x80x128xf32, #tpu.memory_space<vmem>>, vector<1x1x16xf32>,
        %get3A_290 = vector.shape_cast %get3A_289 : vector<1x1x16xf32> to vector<16xf32>
        %get3A_291 = arith.constant 0 : i32
        %get3A_292 = arith.index_cast %get3A_291 : i32 to index
        %get3A_293 = arith.index_cast %scan3A_185 : i32 to index
        %get3A_294 = arith.constant 80 : index
        %get3A_295 = tpu.vector_load %arg10[%get3A_292, %get3A_293, %get3A_294] {strides = array<i32>} : memref<2x80x128xf32, #tpu.memory_space<vmem>>, vector<1x1x16xf32>,
        %get3A_296 = vector.shape_cast %get3A_295 : vector<1x1x16xf32> to vector<16xf32>
        %add3A_297 = arith.addf %get3A_290, %get3A_296 : vector<16xf32>
        %swap3A_298 = arith.constant 0 : i32
        %swap3A_299 = arith.index_cast %swap3A_298 : i32 to index
        %swap3A_300 = arith.index_cast %scan3A_185 : i32 to index
        %swap3A_301 = arith.constant 80 : index
        %swap3A_302 = tpu.vector_load %arg9[%swap3A_299, %swap3A_300, %swap3A_301] {strides = array<i32>} : memref<2x80x128xf32, #tpu.memory_space<vmem>>, vector<1x1x16xf32>,
        %swap3A_303 = vector.shape_cast %swap3A_302 : vector<1x1x16xf32> to vector<16xf32>
        %swap3A_304 = vector.shape_cast %add3A_297 : vector<16xf32> to vector<1x1x16xf32>
        tpu.vector_store %arg9[%swap3A_299, %swap3A_300, %swap3A_301], %swap3A_304 {strides = array<i32>} : memref<2x80x128xf32, #tpu.memory_space<vmem>>, vector<1x1x16xf32>,
        %get3A_305 = arith.constant 0 : i32
        %get3A_306 = arith.index_cast %get3A_305 : i32 to index
        %get3A_307 = arith.index_cast %scan3A_185 : i32 to index
        %get3A_308 = arith.constant 96 : index
        %get3A_309 = tpu.vector_load %arg9[%get3A_306, %get3A_307, %get3A_308] {strides = array<i32>} : memref<2x80x128xf32, #tpu.memory_space<vmem>>, vector<1x1x16xf32>,
        %get3A_310 = vector.shape_cast %get3A_309 : vector<1x1x16xf32> to vector<16xf32>
        %get3A_311 = arith.constant 0 : i32
        %get3A_312 = arith.index_cast %get3A_311 : i32 to index
        %get3A_313 = arith.index_cast %scan3A_185 : i32 to index
        %get3A_314 = arith.constant 96 : index
        %get3A_315 = tpu.vector_load %arg10[%get3A_312, %get3A_313, %get3A_314] {strides = array<i32>} : memref<2x80x128xf32, #tpu.memory_space<vmem>>, vector<1x1x16xf32>,
        %get3A_316 = vector.shape_cast %get3A_315 : vector<1x1x16xf32> to vector<16xf32>
        %add3A_317 = arith.addf %get3A_310, %get3A_316 : vector<16xf32>
        %swap3A_318 = arith.constant 0 : i32
        %swap3A_319 = arith.index_cast %swap3A_318 : i32 to index
        %swap3A_320 = arith.index_cast %scan3A_185 : i32 to index
        %swap3A_321 = arith.constant 96 : index
        %swap3A_322 = tpu.vector_load %arg9[%swap3A_319, %swap3A_320, %swap3A_321] {strides = array<i32>} : memref<2x80x128xf32, #tpu.memory_space<vmem>>, vector<1x1x16xf32>,
        %swap3A_323 = vector.shape_cast %swap3A_322 : vector<1x1x16xf32> to vector<16xf32>
        %swap3A_324 = vector.shape_cast %add3A_317 : vector<16xf32> to vector<1x1x16xf32>
        tpu.vector_store %arg9[%swap3A_319, %swap3A_320, %swap3A_321], %swap3A_324 {strides = array<i32>} : memref<2x80x128xf32, #tpu.memory_space<vmem>>, vector<1x1x16xf32>,
        %get3A_325 = arith.constant 0 : i32
        %get3A_326 = arith.index_cast %get3A_325 : i32 to index
        %get3A_327 = arith.index_cast %scan3A_185 : i32 to index
        %get3A_328 = arith.constant 112 : index
        %get3A_329 = tpu.vector_load %arg9[%get3A_326, %get3A_327, %get3A_328] {strides = array<i32>} : memref<2x80x128xf32, #tpu.memory_space<vmem>>, vector<1x1x16xf32>,
        %get3A_330 = vector.shape_cast %get3A_329 : vector<1x1x16xf32> to vector<16xf32>
        %get3A_331 = arith.constant 0 : i32
        %get3A_332 = arith.index_cast %get3A_331 : i32 to index
        %get3A_333 = arith.index_cast %scan3A_185 : i32 to index
        %get3A_334 = arith.constant 112 : index
        %get3A_335 = tpu.vector_load %arg10[%get3A_332, %get3A_333, %get3A_334] {strides = array<i32>} : memref<2x80x128xf32, #tpu.memory_space<vmem>>, vector<1x1x16xf32>,
        %get3A_336 = vector.shape_cast %get3A_335 : vector<1x1x16xf32> to vector<16xf32>
        %add3A_337 = arith.addf %get3A_330, %get3A_336 : vector<16xf32>
        %swap3A_338 = arith.constant 0 : i32
        %swap3A_339 = arith.index_cast %swap3A_338 : i32 to index
        %swap3A_340 = arith.index_cast %scan3A_185 : i32 to index
        %swap3A_341 = arith.constant 112 : index
        %swap3A_342 = tpu.vector_load %arg9[%swap3A_339, %swap3A_340, %swap3A_341] {strides = array<i32>} : memref<2x80x128xf32, #tpu.memory_space<vmem>>, vector<1x1x16xf32>,
        %swap3A_343 = vector.shape_cast %swap3A_342 : vector<1x1x16xf32> to vector<16xf32>
        %swap3A_344 = vector.shape_cast %add3A_337 : vector<16xf32> to vector<1x1x16xf32>
        tpu.vector_store %arg9[%swap3A_339, %swap3A_340, %swap3A_341], %swap3A_344 {strides = array<i32>} : memref<2x80x128xf32, #tpu.memory_space<vmem>>, vector<1x1x16xf32>,
        %scan3A_345 = arith.constant 0 : i32
        scf.yield %scan3A_345 : i32
      }
      %scan3A_120 = arith.constant 80 : i32
      %mul3A_121 = arith.constant 80 : i32
      %mul3A_122 = arith.muli %mul3A_67, %mul3A_121 : i32
      %add3A_123 = arith.addi %mul3A_2, %mul3A_122 : i32
      %run_scoped3A_124 = arith.constant 0 : i32
      "tpu.region"() ({
        %run_scoped3A_185 = tpu.sem_alloc : memref<!tpu.dma_semaphore, #tpu.memory_space<semaphore_mem>>
        %dma_start3A_186 = arith.constant 0 : i32
        %dma_start3A_187 = arith.constant 0 : i32
        %dma_start3A_188 = tpu.memref_slice %arg9[%run_scoped3A_124, %dma_start3A_186, %dma_start3A_187] : memref<2x80x128xf32, #tpu.memory_space<vmem>> -> memref<1x80x128xf32, #tpu.memory_space<vmem>>
        %dma_start3A_189 = tpu.memref_squeeze %dma_start3A_188 : memref<1x80x128xf32, #tpu.memory_space<vmem>> -> memref<80x128xf32, #tpu.memory_space<vmem>>
        %dma_start3A_190 = arith.constant 0 : i32
        %dma_start3A_191 = tpu.memref_slice %arg6[%add3A_123, %dma_start3A_190] : memref<320000x128xf32, #tpu.memory_space<hbm>> -> memref<80x128xf32, #tpu.memory_space<hbm>>
        %dma_start3A_192 = arith.constant 0 : i32
        %dma_start3A_193 = tpu.memref_slice %arg6[%add3A_123, %dma_start3A_192] : memref<320000x128xf32, #tpu.memory_space<hbm>> -> memref<80x128xf32, #tpu.memory_space<hbm>>
        %dma_start3A_194 = arith.constant 0 : i32
        %dma_start3A_195 = arith.constant 0 : i32
        %dma_start3A_196 = tpu.memref_slice %arg9[%run_scoped3A_124, %dma_start3A_194, %dma_start3A_195] : memref<2x80x128xf32, #tpu.memory_space<vmem>> -> memref<1x80x128xf32, #tpu.memory_space<vmem>>
        %dma_start3A_197 = tpu.memref_squeeze %dma_start3A_196 : memref<1x80x128xf32, #tpu.memory_space<vmem>> -> memref<80x128xf32, #tpu.memory_space<vmem>>
        tpu.enqueue_dma source(%dma_start3A_197 : memref<80x128xf32, #tpu.memory_space<vmem>>) target(%dma_start3A_193 : memref<80x128xf32, #tpu.memory_space<hbm>>) target_semaphore(%run_scoped3A_185 : memref<!tpu.dma_semaphore, #tpu.memory_space<semaphore_mem>>)
        %dma_wait3A_198 = arith.constant 0 : i32
        %dma_wait3A_199 = arith.constant 0 : i32
        %dma_wait3A_200 = tpu.memref_slice %arg9[%run_scoped3A_124, %dma_wait3A_198, %dma_wait3A_199] : memref<2x80x128xf32, #tpu.memory_space<vmem>> -> memref<1x80x128xf32, #tpu.memory_space<vmem>>
        %dma_wait3A_201 = tpu.memref_squeeze %dma_wait3A_200 : memref<1x80x128xf32, #tpu.memory_space<vmem>> -> memref<80x128xf32, #tpu.memory_space<vmem>>
        %dma_wait3A_202 = arith.constant 0 : i32
        %dma_wait3A_203 = tpu.memref_slice %arg6[%add3A_123, %dma_wait3A_202] : memref<320000x128xf32, #tpu.memory_space<hbm>> -> memref<80x128xf32, #tpu.memory_space<hbm>>
        %dma_wait3A_204 = arith.constant 0 : i32
        %dma_wait3A_205 = tpu.memref_slice %arg6[%add3A_123, %dma_wait3A_204] : memref<320000x128xf32, #tpu.memory_space<hbm>> -> memref<80x128xf32, #tpu.memory_space<hbm>>
        %dma_wait3A_206 = arith.constant 0 : i32
        %dma_wait3A_207 = arith.constant 0 : i32
        %dma_wait3A_208 = tpu.memref_slice %arg9[%run_scoped3A_124, %dma_wait3A_206, %dma_wait3A_207] : memref<2x80x128xf32, #tpu.memory_space<vmem>> -> memref<1x80x128xf32, #tpu.memory_space<vmem>>
        %dma_wait3A_209 = tpu.memref_squeeze %dma_wait3A_208 : memref<1x80x128xf32, #tpu.memory_space<vmem>> -> memref<80x128xf32, #tpu.memory_space<vmem>>
        tpu.wait_dma2 semaphore(%run_scoped3A_185 : memref<!tpu.dma_semaphore, #tpu.memory_space<semaphore_mem>>) src(%dma_wait3A_209 : memref<80x128xf32, #tpu.memory_space<vmem>>) dst(%dma_wait3A_205 : memref<80x128xf32, #tpu.memory_space<hbm>>)
        tpu.yield
      }) : () -> ()
      %add3A_125 = arith.constant 2 : i32
      %add3A_126 = arith.addi %mul3A_67, %add3A_125 : i32
      %dma_start3A_127 = arith.constant 0 : i32
      %dma_start3A_128 = arith.constant 0 : i32
      %dma_start3A_129 = arith.constant 0 : i32
      %dma_start3A_130 = tpu.memref_slice %arg9[%dma_start3A_127, %dma_start3A_128, %dma_start3A_129] : memref<2x80x128xf32, #tpu.memory_space<vmem>> -> memref<1x80x128xf32, #tpu.memory_space<vmem>>
      %dma_start3A_131 = tpu.memref_squeeze %dma_start3A_130 : memref<1x80x128xf32, #tpu.memory_space<vmem>> -> memref<80x128xf32, #tpu.memory_space<vmem>>
      %dma_start3A_132 = arith.constant 0 : i32
      %dma_start3A_133 = tpu.memref_slice %arg7[%add3A_126, %dma_start3A_132] : memref<125x80xi32, #tpu.memory_space<vmem>> -> memref<1x80xi32, #tpu.memory_space<vmem>>
      %dma_start3A_134 = tpu.memref_squeeze %dma_start3A_133 : memref<1x80xi32, #tpu.memory_space<vmem>> -> memref<80xi32, #tpu.memory_space<vmem>>
      %dma_start3A_135 = arith.constant 0 : i32
      %dma_start3A_136 = arith.constant 0 : i32
      %dma_start3A_137 = tpu.memref_slice %arg2[%dma_start3A_135, %dma_start3A_136] : memref<10000x128xf32, #tpu.memory_space<hbm>> -> memref<10000x128xf32, #tpu.memory_space<hbm>>
      tpu.enqueue_indirect_dma source(%dma_start3A_137 : memref<10000x128xf32, #tpu.memory_space<hbm>>) target(%dma_start3A_131 : memref<80x128xf32, #tpu.memory_space<vmem>>) offsets(%dma_start3A_134 : memref<80xi32, #tpu.memory_space<vmem>>) semaphore(%arg11 : memref<!tpu.dma_semaphore, #tpu.memory_space<semaphore_mem>>)
      %dma_start3A_138 = arith.constant 0 : i32
      %dma_start3A_139 = arith.constant 0 : i32
      %dma_start3A_140 = arith.constant 0 : i32
      %dma_start3A_141 = tpu.memref_slice %arg10[%dma_start3A_138, %dma_start3A_139, %dma_start3A_140] : memref<2x80x128xf32, #tpu.memory_space<vmem>> -> memref<1x80x128xf32, #tpu.memory_space<vmem>>
      %dma_start3A_142 = tpu.memref_squeeze %dma_start3A_141 : memref<1x80x128xf32, #tpu.memory_space<vmem>> -> memref<80x128xf32, #tpu.memory_space<vmem>>
      %dma_start3A_143 = arith.constant 0 : i32
      %dma_start3A_144 = tpu.memref_slice %arg8[%add3A_126, %dma_start3A_143] : memref<125x80xi32, #tpu.memory_space<vmem>> -> memref<1x80xi32, #tpu.memory_space<vmem>>
      %dma_start3A_145 = tpu.memref_squeeze %dma_start3A_144 : memref<1x80xi32, #tpu.memory_space<vmem>> -> memref<80xi32, #tpu.memory_space<vmem>>
      %dma_start3A_146 = arith.constant 0 : i32
      %dma_start3A_147 = arith.constant 0 : i32
      %dma_start3A_148 = tpu.memref_slice %arg3[%dma_start3A_146, %dma_start3A_147] : memref<10000x128xf32, #tpu.memory_space<hbm>> -> memref<10000x128xf32, #tpu.memory_space<hbm>>
      tpu.enqueue_indirect_dma source(%dma_start3A_148 : memref<10000x128xf32, #tpu.memory_space<hbm>>) target(%dma_start3A_142 : memref<80x128xf32, #tpu.memory_space<vmem>>) offsets(%dma_start3A_145 : memref<80xi32, #tpu.memory_space<vmem>>) semaphore(%arg11 : memref<!tpu.dma_semaphore, #tpu.memory_space<semaphore_mem>>)
      %add3A_149 = arith.constant 1 : i32
      %add3A_150 = arith.addi %mul3A_67, %add3A_149 : i32
      %dma_wait3A_151 = arith.constant 1 : i32
      %dma_wait3A_152 = arith.constant 0 : i32
      %dma_wait3A_153 = arith.constant 0 : i32
      %dma_wait3A_154 = tpu.memref_slice %arg9[%dma_wait3A_151, %dma_wait3A_152, %dma_wait3A_153] : memref<2x80x128xf32, #tpu.memory_space<vmem>> -> memref<1x80x128xf32, #tpu.memory_space<vmem>>
      %dma_wait3A_155 = tpu.memref_squeeze %dma_wait3A_154 : memref<1x80x128xf32, #tpu.memory_space<vmem>> -> memref<80x128xf32, #tpu.memory_space<vmem>>
      %dma_wait3A_156 = arith.constant 0 : i32
      %dma_wait3A_157 = tpu.memref_slice %arg7[%add3A_150, %dma_wait3A_156] : memref<125x80xi32, #tpu.memory_space<vmem>> -> memref<1x80xi32, #tpu.memory_space<vmem>>
      %dma_wait3A_158 = tpu.memref_squeeze %dma_wait3A_157 : memref<1x80xi32, #tpu.memory_space<vmem>> -> memref<80xi32, #tpu.memory_space<vmem>>
      %dma_wait3A_159 = arith.constant 0 : i32
      %dma_wait3A_160 = arith.constant 0 : i32
      %dma_wait3A_161 = tpu.memref_slice %arg2[%dma_wait3A_159, %dma_wait3A_160] : memref<10000x128xf32, #tpu.memory_space<hbm>> -> memref<10000x128xf32, #tpu.memory_space<hbm>>
      tpu.wait_indirect_dma semaphore(%arg12 : memref<!tpu.dma_semaphore, #tpu.memory_space<semaphore_mem>>) src(%dma_wait3A_161 : memref<10000x128xf32, #tpu.memory_space<hbm>>) dst(%dma_wait3A_155 : memref<80x128xf32, #tpu.memory_space<vmem>>)
      %dma_wait3A_162 = arith.constant 1 : i32
      %dma_wait3A_163 = arith.constant 0 : i32
      %dma_wait3A_164 = arith.constant 0 : i32
      %dma_wait3A_165 = tpu.memref_slice %arg10[%dma_wait3A_162, %dma_wait3A_163, %dma_wait3A_164] : memref<2x80x128xf32, #tpu.memory_space<vmem>> -> memref<1x80x128xf32, #tpu.memory_space<vmem>>
      %dma_wait3A_166 = tpu.memref_squeeze %dma_wait3A_165 : memref<1x80x128xf32, #tpu.memory_space<vmem>> -> memref<80x128xf32, #tpu.memory_space<vmem>>
      %dma_wait3A_167 = arith.constant 0 : i32
      %dma_wait3A_168 = tpu.memref_slice %arg8[%add3A_150, %dma_wait3A_167] : memref<125x80xi32, #tpu.memory_space<vmem>> -> memref<1x80xi32, #tpu.memory_space<vmem>>
      %dma_wait3A_169 = tpu.memref_squeeze %dma_wait3A_168 : memref<1x80xi32, #tpu.memory_space<vmem>> -> memref<80xi32, #tpu.memory_space<vmem>>
      %dma_wait3A_170 = arith.constant 0 : i32
      %dma_wait3A_171 = arith.constant 0 : i32
      %dma_wait3A_172 = tpu.memref_slice %arg3[%dma_wait3A_170, %dma_wait3A_171] : memref<10000x128xf32, #tpu.memory_space<hbm>> -> memref<10000x128xf32, #tpu.memory_space<hbm>>
      tpu.wait_indirect_dma semaphore(%arg12 : memref<!tpu.dma_semaphore, #tpu.memory_space<semaphore_mem>>) src(%dma_wait3A_172 : memref<10000x128xf32, #tpu.memory_space<hbm>>) dst(%dma_wait3A_166 : memref<80x128xf32, #tpu.memory_space<vmem>>)
      %scan3A_173 = arith.constant 0 : i32
      %scan3A_174 = arith.constant 0 : i32
      %scan3A_175 = arith.constant 80 : i32
      %scan3A_176 = arith.addi %scan3A_174, %scan3A_175 : i32
      %scan3A_177 = arith.constant 1 : i32
      %scan3A_178 = scf.for %scan3A_185 = %scan3A_174 to %scan3A_176 step %scan3A_177 iter_args(%scan3A_186 = %scan3A_173) -> (i32)  : i32 {
        %get3A = arith.constant 1 : i32
        %get3A_187 = arith.index_cast %get3A : i32 to index
        %get3A_188 = arith.index_cast %scan3A_185 : i32 to index
        %get3A_189 = arith.constant 0 : index
        %get3A_190 = tpu.vector_load %arg9[%get3A_187, %get3A_188, %get3A_189] {strides = array<i32>} : memref<2x80x128xf32, #tpu.memory_space<vmem>>, vector<1x1x16xf32>,
        %get3A_191 = vector.shape_cast %get3A_190 : vector<1x1x16xf32> to vector<16xf32>
        %get3A_192 = arith.constant 1 : i32
        %get3A_193 = arith.index_cast %get3A_192 : i32 to index
        %get3A_194 = arith.index_cast %scan3A_185 : i32 to index
        %get3A_195 = arith.constant 0 : index
        %get3A_196 = tpu.vector_load %arg10[%get3A_193, %get3A_194, %get3A_195] {strides = array<i32>} : memref<2x80x128xf32, #tpu.memory_space<vmem>>, vector<1x1x16xf32>,
        %get3A_197 = vector.shape_cast %get3A_196 : vector<1x1x16xf32> to vector<16xf32>
        %add3A_198 = arith.addf %get3A_191, %get3A_197 : vector<16xf32>
        %swap3A = arith.constant 1 : i32
        %swap3A_199 = arith.index_cast %swap3A : i32 to index
        %swap3A_200 = arith.index_cast %scan3A_185 : i32 to index
        %swap3A_201 = arith.constant 0 : index
        %swap3A_202 = tpu.vector_load %arg9[%swap3A_199, %swap3A_200, %swap3A_201] {strides = array<i32>} : memref<2x80x128xf32, #tpu.memory_space<vmem>>, vector<1x1x16xf32>,
        %swap3A_203 = vector.shape_cast %swap3A_202 : vector<1x1x16xf32> to vector<16xf32>
        %swap3A_204 = vector.shape_cast %add3A_198 : vector<16xf32> to vector<1x1x16xf32>
        tpu.vector_store %arg9[%swap3A_199, %swap3A_200, %swap3A_201], %swap3A_204 {strides = array<i32>} : memref<2x80x128xf32, #tpu.memory_space<vmem>>, vector<1x1x16xf32>,
        %get3A_205 = arith.constant 1 : i32
        %get3A_206 = arith.index_cast %get3A_205 : i32 to index
        %get3A_207 = arith.index_cast %scan3A_185 : i32 to index
        %get3A_208 = arith.constant 16 : index
        %get3A_209 = tpu.vector_load %arg9[%get3A_206, %get3A_207, %get3A_208] {strides = array<i32>} : memref<2x80x128xf32, #tpu.memory_space<vmem>>, vector<1x1x16xf32>,
        %get3A_210 = vector.shape_cast %get3A_209 : vector<1x1x16xf32> to vector<16xf32>
        %get3A_211 = arith.constant 1 : i32
        %get3A_212 = arith.index_cast %get3A_211 : i32 to index
        %get3A_213 = arith.index_cast %scan3A_185 : i32 to index
        %get3A_214 = arith.constant 16 : index
        %get3A_215 = tpu.vector_load %arg10[%get3A_212, %get3A_213, %get3A_214] {strides = array<i32>} : memref<2x80x128xf32, #tpu.memory_space<vmem>>, vector<1x1x16xf32>,
        %get3A_216 = vector.shape_cast %get3A_215 : vector<1x1x16xf32> to vector<16xf32>
        %add3A_217 = arith.addf %get3A_210, %get3A_216 : vector<16xf32>
        %swap3A_218 = arith.constant 1 : i32
        %swap3A_219 = arith.index_cast %swap3A_218 : i32 to index
        %swap3A_220 = arith.index_cast %scan3A_185 : i32 to index
        %swap3A_221 = arith.constant 16 : index
        %swap3A_222 = tpu.vector_load %arg9[%swap3A_219, %swap3A_220, %swap3A_221] {strides = array<i32>} : memref<2x80x128xf32, #tpu.memory_space<vmem>>, vector<1x1x16xf32>,
        %swap3A_223 = vector.shape_cast %swap3A_222 : vector<1x1x16xf32> to vector<16xf32>
        %swap3A_224 = vector.shape_cast %add3A_217 : vector<16xf32> to vector<1x1x16xf32>
        tpu.vector_store %arg9[%swap3A_219, %swap3A_220, %swap3A_221], %swap3A_224 {strides = array<i32>} : memref<2x80x128xf32, #tpu.memory_space<vmem>>, vector<1x1x16xf32>,
        %get3A_225 = arith.constant 1 : i32
        %get3A_226 = arith.index_cast %get3A_225 : i32 to index
        %get3A_227 = arith.index_cast %scan3A_185 : i32 to index
        %get3A_228 = arith.constant 32 : index
        %get3A_229 = tpu.vector_load %arg9[%get3A_226, %get3A_227, %get3A_228] {strides = array<i32>} : memref<2x80x128xf32, #tpu.memory_space<vmem>>, vector<1x1x16xf32>,
        %get3A_230 = vector.shape_cast %get3A_229 : vector<1x1x16xf32> to vector<16xf32>
        %get3A_231 = arith.constant 1 : i32
        %get3A_232 = arith.index_cast %get3A_231 : i32 to index
        %get3A_233 = arith.index_cast %scan3A_185 : i32 to index
        %get3A_234 = arith.constant 32 : index
        %get3A_235 = tpu.vector_load %arg10[%get3A_232, %get3A_233, %get3A_234] {strides = array<i32>} : memref<2x80x128xf32, #tpu.memory_space<vmem>>, vector<1x1x16xf32>,
        %get3A_236 = vector.shape_cast %get3A_235 : vector<1x1x16xf32> to vector<16xf32>
        %add3A_237 = arith.addf %get3A_230, %get3A_236 : vector<16xf32>
        %swap3A_238 = arith.constant 1 : i32
        %swap3A_239 = arith.index_cast %swap3A_238 : i32 to index
        %swap3A_240 = arith.index_cast %scan3A_185 : i32 to index
        %swap3A_241 = arith.constant 32 : index
        %swap3A_242 = tpu.vector_load %arg9[%swap3A_239, %swap3A_240, %swap3A_241] {strides = array<i32>} : memref<2x80x128xf32, #tpu.memory_space<vmem>>, vector<1x1x16xf32>,
        %swap3A_243 = vector.shape_cast %swap3A_242 : vector<1x1x16xf32> to vector<16xf32>
        %swap3A_244 = vector.shape_cast %add3A_237 : vector<16xf32> to vector<1x1x16xf32>
        tpu.vector_store %arg9[%swap3A_239, %swap3A_240, %swap3A_241], %swap3A_244 {strides = array<i32>} : memref<2x80x128xf32, #tpu.memory_space<vmem>>, vector<1x1x16xf32>,
        %get3A_245 = arith.constant 1 : i32
        %get3A_246 = arith.index_cast %get3A_245 : i32 to index
        %get3A_247 = arith.index_cast %scan3A_185 : i32 to index
        %get3A_248 = arith.constant 48 : index
        %get3A_249 = tpu.vector_load %arg9[%get3A_246, %get3A_247, %get3A_248] {strides = array<i32>} : memref<2x80x128xf32, #tpu.memory_space<vmem>>, vector<1x1x16xf32>,
        %get3A_250 = vector.shape_cast %get3A_249 : vector<1x1x16xf32> to vector<16xf32>
        %get3A_251 = arith.constant 1 : i32
        %get3A_252 = arith.index_cast %get3A_251 : i32 to index
        %get3A_253 = arith.index_cast %scan3A_185 : i32 to index
        %get3A_254 = arith.constant 48 : index
        %get3A_255 = tpu.vector_load %arg10[%get3A_252, %get3A_253, %get3A_254] {strides = array<i32>} : memref<2x80x128xf32, #tpu.memory_space<vmem>>, vector<1x1x16xf32>,
        %get3A_256 = vector.shape_cast %get3A_255 : vector<1x1x16xf32> to vector<16xf32>
        %add3A_257 = arith.addf %get3A_250, %get3A_256 : vector<16xf32>
        %swap3A_258 = arith.constant 1 : i32
        %swap3A_259 = arith.index_cast %swap3A_258 : i32 to index
        %swap3A_260 = arith.index_cast %scan3A_185 : i32 to index
        %swap3A_261 = arith.constant 48 : index
        %swap3A_262 = tpu.vector_load %arg9[%swap3A_259, %swap3A_260, %swap3A_261] {strides = array<i32>} : memref<2x80x128xf32, #tpu.memory_space<vmem>>, vector<1x1x16xf32>,
        %swap3A_263 = vector.shape_cast %swap3A_262 : vector<1x1x16xf32> to vector<16xf32>
        %swap3A_264 = vector.shape_cast %add3A_257 : vector<16xf32> to vector<1x1x16xf32>
        tpu.vector_store %arg9[%swap3A_259, %swap3A_260, %swap3A_261], %swap3A_264 {strides = array<i32>} : memref<2x80x128xf32, #tpu.memory_space<vmem>>, vector<1x1x16xf32>,
        %get3A_265 = arith.constant 1 : i32
        %get3A_266 = arith.index_cast %get3A_265 : i32 to index
        %get3A_267 = arith.index_cast %scan3A_185 : i32 to index
        %get3A_268 = arith.constant 64 : index
        %get3A_269 = tpu.vector_load %arg9[%get3A_266, %get3A_267, %get3A_268] {strides = array<i32>} : memref<2x80x128xf32, #tpu.memory_space<vmem>>, vector<1x1x16xf32>,
        %get3A_270 = vector.shape_cast %get3A_269 : vector<1x1x16xf32> to vector<16xf32>
        %get3A_271 = arith.constant 1 : i32
        %get3A_272 = arith.index_cast %get3A_271 : i32 to index
        %get3A_273 = arith.index_cast %scan3A_185 : i32 to index
        %get3A_274 = arith.constant 64 : index
        %get3A_275 = tpu.vector_load %arg10[%get3A_272, %get3A_273, %get3A_274] {strides = array<i32>} : memref<2x80x128xf32, #tpu.memory_space<vmem>>, vector<1x1x16xf32>,
        %get3A_276 = vector.shape_cast %get3A_275 : vector<1x1x16xf32> to vector<16xf32>
        %add3A_277 = arith.addf %get3A_270, %get3A_276 : vector<16xf32>
        %swap3A_278 = arith.constant 1 : i32
        %swap3A_279 = arith.index_cast %swap3A_278 : i32 to index
        %swap3A_280 = arith.index_cast %scan3A_185 : i32 to index
        %swap3A_281 = arith.constant 64 : index
        %swap3A_282 = tpu.vector_load %arg9[%swap3A_279, %swap3A_280, %swap3A_281] {strides = array<i32>} : memref<2x80x128xf32, #tpu.memory_space<vmem>>, vector<1x1x16xf32>,
        %swap3A_283 = vector.shape_cast %swap3A_282 : vector<1x1x16xf32> to vector<16xf32>
        %swap3A_284 = vector.shape_cast %add3A_277 : vector<16xf32> to vector<1x1x16xf32>
        tpu.vector_store %arg9[%swap3A_279, %swap3A_280, %swap3A_281], %swap3A_284 {strides = array<i32>} : memref<2x80x128xf32, #tpu.memory_space<vmem>>, vector<1x1x16xf32>,
        %get3A_285 = arith.constant 1 : i32
        %get3A_286 = arith.index_cast %get3A_285 : i32 to index
        %get3A_287 = arith.index_cast %scan3A_185 : i32 to index
        %get3A_288 = arith.constant 80 : index
        %get3A_289 = tpu.vector_load %arg9[%get3A_286, %get3A_287, %get3A_288] {strides = array<i32>} : memref<2x80x128xf32, #tpu.memory_space<vmem>>, vector<1x1x16xf32>,
        %get3A_290 = vector.shape_cast %get3A_289 : vector<1x1x16xf32> to vector<16xf32>
        %get3A_291 = arith.constant 1 : i32
        %get3A_292 = arith.index_cast %get3A_291 : i32 to index
        %get3A_293 = arith.index_cast %scan3A_185 : i32 to index
        %get3A_294 = arith.constant 80 : index
        %get3A_295 = tpu.vector_load %arg10[%get3A_292, %get3A_293, %get3A_294] {strides = array<i32>} : memref<2x80x128xf32, #tpu.memory_space<vmem>>, vector<1x1x16xf32>,
        %get3A_296 = vector.shape_cast %get3A_295 : vector<1x1x16xf32> to vector<16xf32>
        %add3A_297 = arith.addf %get3A_290, %get3A_296 : vector<16xf32>
        %swap3A_298 = arith.constant 1 : i32
        %swap3A_299 = arith.index_cast %swap3A_298 : i32 to index
        %swap3A_300 = arith.index_cast %scan3A_185 : i32 to index
        %swap3A_301 = arith.constant 80 : index
        %swap3A_302 = tpu.vector_load %arg9[%swap3A_299, %swap3A_300, %swap3A_301] {strides = array<i32>} : memref<2x80x128xf32, #tpu.memory_space<vmem>>, vector<1x1x16xf32>,
        %swap3A_303 = vector.shape_cast %swap3A_302 : vector<1x1x16xf32> to vector<16xf32>
        %swap3A_304 = vector.shape_cast %add3A_297 : vector<16xf32> to vector<1x1x16xf32>
        tpu.vector_store %arg9[%swap3A_299, %swap3A_300, %swap3A_301], %swap3A_304 {strides = array<i32>} : memref<2x80x128xf32, #tpu.memory_space<vmem>>, vector<1x1x16xf32>,
        %get3A_305 = arith.constant 1 : i32
        %get3A_306 = arith.index_cast %get3A_305 : i32 to index
        %get3A_307 = arith.index_cast %scan3A_185 : i32 to index
        %get3A_308 = arith.constant 96 : index
        %get3A_309 = tpu.vector_load %arg9[%get3A_306, %get3A_307, %get3A_308] {strides = array<i32>} : memref<2x80x128xf32, #tpu.memory_space<vmem>>, vector<1x1x16xf32>,
        %get3A_310 = vector.shape_cast %get3A_309 : vector<1x1x16xf32> to vector<16xf32>
        %get3A_311 = arith.constant 1 : i32
        %get3A_312 = arith.index_cast %get3A_311 : i32 to index
        %get3A_313 = arith.index_cast %scan3A_185 : i32 to index
        %get3A_314 = arith.constant 96 : index
        %get3A_315 = tpu.vector_load %arg10[%get3A_312, %get3A_313, %get3A_314] {strides = array<i32>} : memref<2x80x128xf32, #tpu.memory_space<vmem>>, vector<1x1x16xf32>,
        %get3A_316 = vector.shape_cast %get3A_315 : vector<1x1x16xf32> to vector<16xf32>
        %add3A_317 = arith.addf %get3A_310, %get3A_316 : vector<16xf32>
        %swap3A_318 = arith.constant 1 : i32
        %swap3A_319 = arith.index_cast %swap3A_318 : i32 to index
        %swap3A_320 = arith.index_cast %scan3A_185 : i32 to index
        %swap3A_321 = arith.constant 96 : index
        %swap3A_322 = tpu.vector_load %arg9[%swap3A_319, %swap3A_320, %swap3A_321] {strides = array<i32>} : memref<2x80x128xf32, #tpu.memory_space<vmem>>, vector<1x1x16xf32>,
        %swap3A_323 = vector.shape_cast %swap3A_322 : vector<1x1x16xf32> to vector<16xf32>
        %swap3A_324 = vector.shape_cast %add3A_317 : vector<16xf32> to vector<1x1x16xf32>
        tpu.vector_store %arg9[%swap3A_319, %swap3A_320, %swap3A_321], %swap3A_324 {strides = array<i32>} : memref<2x80x128xf32, #tpu.memory_space<vmem>>, vector<1x1x16xf32>,
        %get3A_325 = arith.constant 1 : i32
        %get3A_326 = arith.index_cast %get3A_325 : i32 to index
        %get3A_327 = arith.index_cast %scan3A_185 : i32 to index
        %get3A_328 = arith.constant 112 : index
        %get3A_329 = tpu.vector_load %arg9[%get3A_326, %get3A_327, %get3A_328] {strides = array<i32>} : memref<2x80x128xf32, #tpu.memory_space<vmem>>, vector<1x1x16xf32>,
        %get3A_330 = vector.shape_cast %get3A_329 : vector<1x1x16xf32> to vector<16xf32>
        %get3A_331 = arith.constant 1 : i32
        %get3A_332 = arith.index_cast %get3A_331 : i32 to index
        %get3A_333 = arith.index_cast %scan3A_185 : i32 to index
        %get3A_334 = arith.constant 112 : index
        %get3A_335 = tpu.vector_load %arg10[%get3A_332, %get3A_333, %get3A_334] {strides = array<i32>} : memref<2x80x128xf32, #tpu.memory_space<vmem>>, vector<1x1x16xf32>,
        %get3A_336 = vector.shape_cast %get3A_335 : vector<1x1x16xf32> to vector<16xf32>
        %add3A_337 = arith.addf %get3A_330, %get3A_336 : vector<16xf32>
        %swap3A_338 = arith.constant 1 : i32
        %swap3A_339 = arith.index_cast %swap3A_338 : i32 to index
        %swap3A_340 = arith.index_cast %scan3A_185 : i32 to index
        %swap3A_341 = arith.constant 112 : index
        %swap3A_342 = tpu.vector_load %arg9[%swap3A_339, %swap3A_340, %swap3A_341] {strides = array<i32>} : memref<2x80x128xf32, #tpu.memory_space<vmem>>, vector<1x1x16xf32>,
        %swap3A_343 = vector.shape_cast %swap3A_342 : vector<1x1x16xf32> to vector<16xf32>
        %swap3A_344 = vector.shape_cast %add3A_337 : vector<16xf32> to vector<1x1x16xf32>
        tpu.vector_store %arg9[%swap3A_339, %swap3A_340, %swap3A_341], %swap3A_344 {strides = array<i32>} : memref<2x80x128xf32, #tpu.memory_space<vmem>>, vector<1x1x16xf32>,
        %scan3A_345 = arith.constant 0 : i32
        scf.yield %scan3A_345 : i32
      }
      %scan3A_179 = arith.constant 80 : i32
      %mul3A_180 = arith.constant 80 : i32
      %mul3A_181 = arith.muli %add3A_150, %mul3A_180 : i32
      %add3A_182 = arith.addi %mul3A_2, %mul3A_181 : i32
      %run_scoped3A_183 = arith.constant 1 : i32
      "tpu.region"() ({
        %run_scoped3A_185 = tpu.sem_alloc : memref<!tpu.dma_semaphore, #tpu.memory_space<semaphore_mem>>
        %dma_start3A_186 = arith.constant 0 : i32
        %dma_start3A_187 = arith.constant 0 : i32
        %dma_start3A_188 = tpu.memref_slice %arg9[%run_scoped3A_183, %dma_start3A_186, %dma_start3A_187] : memref<2x80x128xf32, #tpu.memory_space<vmem>> -> memref<1x80x128xf32, #tpu.memory_space<vmem>>
        %dma_start3A_189 = tpu.memref_squeeze %dma_start3A_188 : memref<1x80x128xf32, #tpu.memory_space<vmem>> -> memref<80x128xf32, #tpu.memory_space<vmem>>
        %dma_start3A_190 = arith.constant 0 : i32
        %dma_start3A_191 = tpu.memref_slice %arg6[%add3A_182, %dma_start3A_190] : memref<320000x128xf32, #tpu.memory_space<hbm>> -> memref<80x128xf32, #tpu.memory_space<hbm>>
        %dma_start3A_192 = arith.constant 0 : i32
        %dma_start3A_193 = tpu.memref_slice %arg6[%add3A_182, %dma_start3A_192] : memref<320000x128xf32, #tpu.memory_space<hbm>> -> memref<80x128xf32, #tpu.memory_space<hbm>>
        %dma_start3A_194 = arith.constant 0 : i32
        %dma_start3A_195 = arith.constant 0 : i32
        %dma_start3A_196 = tpu.memref_slice %arg9[%run_scoped3A_183, %dma_start3A_194, %dma_start3A_195] : memref<2x80x128xf32, #tpu.memory_space<vmem>> -> memref<1x80x128xf32, #tpu.memory_space<vmem>>
        %dma_start3A_197 = tpu.memref_squeeze %dma_start3A_196 : memref<1x80x128xf32, #tpu.memory_space<vmem>> -> memref<80x128xf32, #tpu.memory_space<vmem>>
        tpu.enqueue_dma source(%dma_start3A_197 : memref<80x128xf32, #tpu.memory_space<vmem>>) target(%dma_start3A_193 : memref<80x128xf32, #tpu.memory_space<hbm>>) target_semaphore(%run_scoped3A_185 : memref<!tpu.dma_semaphore, #tpu.memory_space<semaphore_mem>>)
        %dma_wait3A_198 = arith.constant 0 : i32
        %dma_wait3A_199 = arith.constant 0 : i32
        %dma_wait3A_200 = tpu.memref_slice %arg9[%run_scoped3A_183, %dma_wait3A_198, %dma_wait3A_199] : memref<2x80x128xf32, #tpu.memory_space<vmem>> -> memref<1x80x128xf32, #tpu.memory_space<vmem>>
        %dma_wait3A_201 = tpu.memref_squeeze %dma_wait3A_200 : memref<1x80x128xf32, #tpu.memory_space<vmem>> -> memref<80x128xf32, #tpu.memory_space<vmem>>
        %dma_wait3A_202 = arith.constant 0 : i32
        %dma_wait3A_203 = tpu.memref_slice %arg6[%add3A_182, %dma_wait3A_202] : memref<320000x128xf32, #tpu.memory_space<hbm>> -> memref<80x128xf32, #tpu.memory_space<hbm>>
        %dma_wait3A_204 = arith.constant 0 : i32
        %dma_wait3A_205 = tpu.memref_slice %arg6[%add3A_182, %dma_wait3A_204] : memref<320000x128xf32, #tpu.memory_space<hbm>> -> memref<80x128xf32, #tpu.memory_space<hbm>>
        %dma_wait3A_206 = arith.constant 0 : i32
        %dma_wait3A_207 = arith.constant 0 : i32
        %dma_wait3A_208 = tpu.memref_slice %arg9[%run_scoped3A_183, %dma_wait3A_206, %dma_wait3A_207] : memref<2x80x128xf32, #tpu.memory_space<vmem>> -> memref<1x80x128xf32, #tpu.memory_space<vmem>>
        %dma_wait3A_209 = tpu.memref_squeeze %dma_wait3A_208 : memref<1x80x128xf32, #tpu.memory_space<vmem>> -> memref<80x128xf32, #tpu.memory_space<vmem>>
        tpu.wait_dma2 semaphore(%run_scoped3A_185 : memref<!tpu.dma_semaphore, #tpu.memory_space<semaphore_mem>>) src(%dma_wait3A_209 : memref<80x128xf32, #tpu.memory_space<vmem>>) dst(%dma_wait3A_205 : memref<80x128xf32, #tpu.memory_space<hbm>>)
        tpu.yield
      }) : () -> ()
      %scan3A_184 = arith.constant 0 : i32
      scf.yield %scan3A_184 : i32
    }
    %scan3A_31 = arith.constant 62 : i32
    %dma_wait3A = arith.constant 124 : i32
    %dma_wait3A_32 = arith.constant 0 : i32
    %dma_wait3A_33 = arith.constant 0 : i32
    %dma_wait3A_34 = arith.constant 0 : i32
    %dma_wait3A_35 = tpu.memref_slice %arg9[%dma_wait3A_32, %dma_wait3A_33, %dma_wait3A_34] : memref<2x80x128xf32, #tpu.memory_space<vmem>> -> memref<1x80x128xf32, #tpu.memory_space<vmem>>
    %dma_wait3A_36 = tpu.memref_squeeze %dma_wait3A_35 : memref<1x80x128xf32, #tpu.memory_space<vmem>> -> memref<80x128xf32, #tpu.memory_space<vmem>>
    %dma_wait3A_37 = arith.constant 0 : i32
    %dma_wait3A_38 = tpu.memref_slice %arg7[%dma_wait3A, %dma_wait3A_37] : memref<125x80xi32, #tpu.memory_space<vmem>> -> memref<1x80xi32, #tpu.memory_space<vmem>>
    %dma_wait3A_39 = tpu.memref_squeeze %dma_wait3A_38 : memref<1x80xi32, #tpu.memory_space<vmem>> -> memref<80xi32, #tpu.memory_space<vmem>>
    %dma_wait3A_40 = arith.constant 0 : i32
    %dma_wait3A_41 = arith.constant 0 : i32
    %dma_wait3A_42 = tpu.memref_slice %arg2[%dma_wait3A_40, %dma_wait3A_41] : memref<10000x128xf32, #tpu.memory_space<hbm>> -> memref<10000x128xf32, #tpu.memory_space<hbm>>
    tpu.wait_indirect_dma semaphore(%arg11 : memref<!tpu.dma_semaphore, #tpu.memory_space<semaphore_mem>>) src(%dma_wait3A_42 : memref<10000x128xf32, #tpu.memory_space<hbm>>) dst(%dma_wait3A_36 : memref<80x128xf32, #tpu.memory_space<vmem>>)
    %dma_wait3A_43 = arith.constant 124 : i32
    %dma_wait3A_44 = arith.constant 0 : i32
    %dma_wait3A_45 = arith.constant 0 : i32
    %dma_wait3A_46 = arith.constant 0 : i32
    %dma_wait3A_47 = tpu.memref_slice %arg10[%dma_wait3A_44, %dma_wait3A_45, %dma_wait3A_46] : memref<2x80x128xf32, #tpu.memory_space<vmem>> -> memref<1x80x128xf32, #tpu.memory_space<vmem>>
    %dma_wait3A_48 = tpu.memref_squeeze %dma_wait3A_47 : memref<1x80x128xf32, #tpu.memory_space<vmem>> -> memref<80x128xf32, #tpu.memory_space<vmem>>
    %dma_wait3A_49 = arith.constant 0 : i32
    %dma_wait3A_50 = tpu.memref_slice %arg8[%dma_wait3A_43, %dma_wait3A_49] : memref<125x80xi32, #tpu.memory_space<vmem>> -> memref<1x80xi32, #tpu.memory_space<vmem>>
    %dma_wait3A_51 = tpu.memref_squeeze %dma_wait3A_50 : memref<1x80xi32, #tpu.memory_space<vmem>> -> memref<80xi32, #tpu.memory_space<vmem>>
    %dma_wait3A_52 = arith.constant 0 : i32
    %dma_wait3A_53 = arith.constant 0 : i32
    %dma_wait3A_54 = tpu.memref_slice %arg3[%dma_wait3A_52, %dma_wait3A_53] : memref<10000x128xf32, #tpu.memory_space<hbm>> -> memref<10000x128xf32, #tpu.memory_space<hbm>>
    tpu.wait_indirect_dma semaphore(%arg11 : memref<!tpu.dma_semaphore, #tpu.memory_space<semaphore_mem>>) src(%dma_wait3A_54 : memref<10000x128xf32, #tpu.memory_space<hbm>>) dst(%dma_wait3A_48 : memref<80x128xf32, #tpu.memory_space<vmem>>)
    %scan3A_55 = arith.constant 0 : i32
    %scan3A_56 = arith.constant 0 : i32
    %scan3A_57 = arith.constant 80 : i32
    %scan3A_58 = arith.addi %scan3A_56, %scan3A_57 : i32
    %scan3A_59 = arith.constant 1 : i32
    %scan3A_60 = scf.for %scan3A_64 = %scan3A_56 to %scan3A_58 step %scan3A_59 iter_args(%scan3A_65 = %scan3A_55) -> (i32)  : i32 {
      %get3A = arith.constant 0 : i32
      %get3A_66 = arith.index_cast %get3A : i32 to index
      %get3A_67 = arith.index_cast %scan3A_64 : i32 to index
      %get3A_68 = arith.constant 0 : index
      %get3A_69 = tpu.vector_load %arg9[%get3A_66, %get3A_67, %get3A_68] {strides = array<i32>} : memref<2x80x128xf32, #tpu.memory_space<vmem>>, vector<1x1x16xf32>,
      %get3A_70 = vector.shape_cast %get3A_69 : vector<1x1x16xf32> to vector<16xf32>
      %get3A_71 = arith.constant 0 : i32
      %get3A_72 = arith.index_cast %get3A_71 : i32 to index
      %get3A_73 = arith.index_cast %scan3A_64 : i32 to index
      %get3A_74 = arith.constant 0 : index
      %get3A_75 = tpu.vector_load %arg10[%get3A_72, %get3A_73, %get3A_74] {strides = array<i32>} : memref<2x80x128xf32, #tpu.memory_space<vmem>>, vector<1x1x16xf32>,
      %get3A_76 = vector.shape_cast %get3A_75 : vector<1x1x16xf32> to vector<16xf32>
      %add3A_77 = arith.addf %get3A_70, %get3A_76 : vector<16xf32>
      %swap3A = arith.constant 0 : i32
      %swap3A_78 = arith.index_cast %swap3A : i32 to index
      %swap3A_79 = arith.index_cast %scan3A_64 : i32 to index
      %swap3A_80 = arith.constant 0 : index
      %swap3A_81 = tpu.vector_load %arg9[%swap3A_78, %swap3A_79, %swap3A_80] {strides = array<i32>} : memref<2x80x128xf32, #tpu.memory_space<vmem>>, vector<1x1x16xf32>,
      %swap3A_82 = vector.shape_cast %swap3A_81 : vector<1x1x16xf32> to vector<16xf32>
      %swap3A_83 = vector.shape_cast %add3A_77 : vector<16xf32> to vector<1x1x16xf32>
      tpu.vector_store %arg9[%swap3A_78, %swap3A_79, %swap3A_80], %swap3A_83 {strides = array<i32>} : memref<2x80x128xf32, #tpu.memory_space<vmem>>, vector<1x1x16xf32>,
      %get3A_84 = arith.constant 0 : i32
      %get3A_85 = arith.index_cast %get3A_84 : i32 to index
      %get3A_86 = arith.index_cast %scan3A_64 : i32 to index
      %get3A_87 = arith.constant 16 : index
      %get3A_88 = tpu.vector_load %arg9[%get3A_85, %get3A_86, %get3A_87] {strides = array<i32>} : memref<2x80x128xf32, #tpu.memory_space<vmem>>, vector<1x1x16xf32>,
      %get3A_89 = vector.shape_cast %get3A_88 : vector<1x1x16xf32> to vector<16xf32>
      %get3A_90 = arith.constant 0 : i32
      %get3A_91 = arith.index_cast %get3A_90 : i32 to index
      %get3A_92 = arith.index_cast %scan3A_64 : i32 to index
      %get3A_93 = arith.constant 16 : index
      %get3A_94 = tpu.vector_load %arg10[%get3A_91, %get3A_92, %get3A_93] {strides = array<i32>} : memref<2x80x128xf32, #tpu.memory_space<vmem>>, vector<1x1x16xf32>,
      %get3A_95 = vector.shape_cast %get3A_94 : vector<1x1x16xf32> to vector<16xf32>
      %add3A_96 = arith.addf %get3A_89, %get3A_95 : vector<16xf32>
      %swap3A_97 = arith.constant 0 : i32
      %swap3A_98 = arith.index_cast %swap3A_97 : i32 to index
      %swap3A_99 = arith.index_cast %scan3A_64 : i32 to index
      %swap3A_100 = arith.constant 16 : index
      %swap3A_101 = tpu.vector_load %arg9[%swap3A_98, %swap3A_99, %swap3A_100] {strides = array<i32>} : memref<2x80x128xf32, #tpu.memory_space<vmem>>, vector<1x1x16xf32>,
      %swap3A_102 = vector.shape_cast %swap3A_101 : vector<1x1x16xf32> to vector<16xf32>
      %swap3A_103 = vector.shape_cast %add3A_96 : vector<16xf32> to vector<1x1x16xf32>
      tpu.vector_store %arg9[%swap3A_98, %swap3A_99, %swap3A_100], %swap3A_103 {strides = array<i32>} : memref<2x80x128xf32, #tpu.memory_space<vmem>>, vector<1x1x16xf32>,
      %get3A_104 = arith.constant 0 : i32
      %get3A_105 = arith.index_cast %get3A_104 : i32 to index
      %get3A_106 = arith.index_cast %scan3A_64 : i32 to index
      %get3A_107 = arith.constant 32 : index
      %get3A_108 = tpu.vector_load %arg9[%get3A_105, %get3A_106, %get3A_107] {strides = array<i32>} : memref<2x80x128xf32, #tpu.memory_space<vmem>>, vector<1x1x16xf32>,
      %get3A_109 = vector.shape_cast %get3A_108 : vector<1x1x16xf32> to vector<16xf32>
      %get3A_110 = arith.constant 0 : i32
      %get3A_111 = arith.index_cast %get3A_110 : i32 to index
      %get3A_112 = arith.index_cast %scan3A_64 : i32 to index
      %get3A_113 = arith.constant 32 : index
      %get3A_114 = tpu.vector_load %arg10[%get3A_111, %get3A_112, %get3A_113] {strides = array<i32>} : memref<2x80x128xf32, #tpu.memory_space<vmem>>, vector<1x1x16xf32>,
      %get3A_115 = vector.shape_cast %get3A_114 : vector<1x1x16xf32> to vector<16xf32>
      %add3A_116 = arith.addf %get3A_109, %get3A_115 : vector<16xf32>
      %swap3A_117 = arith.constant 0 : i32
      %swap3A_118 = arith.index_cast %swap3A_117 : i32 to index
      %swap3A_119 = arith.index_cast %scan3A_64 : i32 to index
      %swap3A_120 = arith.constant 32 : index
      %swap3A_121 = tpu.vector_load %arg9[%swap3A_118, %swap3A_119, %swap3A_120] {strides = array<i32>} : memref<2x80x128xf32, #tpu.memory_space<vmem>>, vector<1x1x16xf32>,
      %swap3A_122 = vector.shape_cast %swap3A_121 : vector<1x1x16xf32> to vector<16xf32>
      %swap3A_123 = vector.shape_cast %add3A_116 : vector<16xf32> to vector<1x1x16xf32>
      tpu.vector_store %arg9[%swap3A_118, %swap3A_119, %swap3A_120], %swap3A_123 {strides = array<i32>} : memref<2x80x128xf32, #tpu.memory_space<vmem>>, vector<1x1x16xf32>,
      %get3A_124 = arith.constant 0 : i32
      %get3A_125 = arith.index_cast %get3A_124 : i32 to index
      %get3A_126 = arith.index_cast %scan3A_64 : i32 to index
      %get3A_127 = arith.constant 48 : index
      %get3A_128 = tpu.vector_load %arg9[%get3A_125, %get3A_126, %get3A_127] {strides = array<i32>} : memref<2x80x128xf32, #tpu.memory_space<vmem>>, vector<1x1x16xf32>,
      %get3A_129 = vector.shape_cast %get3A_128 : vector<1x1x16xf32> to vector<16xf32>
      %get3A_130 = arith.constant 0 : i32
      %get3A_131 = arith.index_cast %get3A_130 : i32 to index
      %get3A_132 = arith.index_cast %scan3A_64 : i32 to index
      %get3A_133 = arith.constant 48 : index
      %get3A_134 = tpu.vector_load %arg10[%get3A_131, %get3A_132, %get3A_133] {strides = array<i32>} : memref<2x80x128xf32, #tpu.memory_space<vmem>>, vector<1x1x16xf32>,
      %get3A_135 = vector.shape_cast %get3A_134 : vector<1x1x16xf32> to vector<16xf32>
      %add3A_136 = arith.addf %get3A_129, %get3A_135 : vector<16xf32>
      %swap3A_137 = arith.constant 0 : i32
      %swap3A_138 = arith.index_cast %swap3A_137 : i32 to index
      %swap3A_139 = arith.index_cast %scan3A_64 : i32 to index
      %swap3A_140 = arith.constant 48 : index
      %swap3A_141 = tpu.vector_load %arg9[%swap3A_138, %swap3A_139, %swap3A_140] {strides = array<i32>} : memref<2x80x128xf32, #tpu.memory_space<vmem>>, vector<1x1x16xf32>,
      %swap3A_142 = vector.shape_cast %swap3A_141 : vector<1x1x16xf32> to vector<16xf32>
      %swap3A_143 = vector.shape_cast %add3A_136 : vector<16xf32> to vector<1x1x16xf32>
      tpu.vector_store %arg9[%swap3A_138, %swap3A_139, %swap3A_140], %swap3A_143 {strides = array<i32>} : memref<2x80x128xf32, #tpu.memory_space<vmem>>, vector<1x1x16xf32>,
      %get3A_144 = arith.constant 0 : i32
      %get3A_145 = arith.index_cast %get3A_144 : i32 to index
      %get3A_146 = arith.index_cast %scan3A_64 : i32 to index
      %get3A_147 = arith.constant 64 : index
      %get3A_148 = tpu.vector_load %arg9[%get3A_145, %get3A_146, %get3A_147] {strides = array<i32>} : memref<2x80x128xf32, #tpu.memory_space<vmem>>, vector<1x1x16xf32>,
      %get3A_149 = vector.shape_cast %get3A_148 : vector<1x1x16xf32> to vector<16xf32>
      %get3A_150 = arith.constant 0 : i32
      %get3A_151 = arith.index_cast %get3A_150 : i32 to index
      %get3A_152 = arith.index_cast %scan3A_64 : i32 to index
      %get3A_153 = arith.constant 64 : index
      %get3A_154 = tpu.vector_load %arg10[%get3A_151, %get3A_152, %get3A_153] {strides = array<i32>} : memref<2x80x128xf32, #tpu.memory_space<vmem>>, vector<1x1x16xf32>,
      %get3A_155 = vector.shape_cast %get3A_154 : vector<1x1x16xf32> to vector<16xf32>
      %add3A_156 = arith.addf %get3A_149, %get3A_155 : vector<16xf32>
      %swap3A_157 = arith.constant 0 : i32
      %swap3A_158 = arith.index_cast %swap3A_157 : i32 to index
      %swap3A_159 = arith.index_cast %scan3A_64 : i32 to index
      %swap3A_160 = arith.constant 64 : index
      %swap3A_161 = tpu.vector_load %arg9[%swap3A_158, %swap3A_159, %swap3A_160] {strides = array<i32>} : memref<2x80x128xf32, #tpu.memory_space<vmem>>, vector<1x1x16xf32>,
      %swap3A_162 = vector.shape_cast %swap3A_161 : vector<1x1x16xf32> to vector<16xf32>
      %swap3A_163 = vector.shape_cast %add3A_156 : vector<16xf32> to vector<1x1x16xf32>
      tpu.vector_store %arg9[%swap3A_158, %swap3A_159, %swap3A_160], %swap3A_163 {strides = array<i32>} : memref<2x80x128xf32, #tpu.memory_space<vmem>>, vector<1x1x16xf32>,
      %get3A_164 = arith.constant 0 : i32
      %get3A_165 = arith.index_cast %get3A_164 : i32 to index
      %get3A_166 = arith.index_cast %scan3A_64 : i32 to index
      %get3A_167 = arith.constant 80 : index
      %get3A_168 = tpu.vector_load %arg9[%get3A_165, %get3A_166, %get3A_167] {strides = array<i32>} : memref<2x80x128xf32, #tpu.memory_space<vmem>>, vector<1x1x16xf32>,
      %get3A_169 = vector.shape_cast %get3A_168 : vector<1x1x16xf32> to vector<16xf32>
      %get3A_170 = arith.constant 0 : i32
      %get3A_171 = arith.index_cast %get3A_170 : i32 to index
      %get3A_172 = arith.index_cast %scan3A_64 : i32 to index
      %get3A_173 = arith.constant 80 : index
      %get3A_174 = tpu.vector_load %arg10[%get3A_171, %get3A_172, %get3A_173] {strides = array<i32>} : memref<2x80x128xf32, #tpu.memory_space<vmem>>, vector<1x1x16xf32>,
      %get3A_175 = vector.shape_cast %get3A_174 : vector<1x1x16xf32> to vector<16xf32>
      %add3A_176 = arith.addf %get3A_169, %get3A_175 : vector<16xf32>
      %swap3A_177 = arith.constant 0 : i32
      %swap3A_178 = arith.index_cast %swap3A_177 : i32 to index
      %swap3A_179 = arith.index_cast %scan3A_64 : i32 to index
      %swap3A_180 = arith.constant 80 : index
      %swap3A_181 = tpu.vector_load %arg9[%swap3A_178, %swap3A_179, %swap3A_180] {strides = array<i32>} : memref<2x80x128xf32, #tpu.memory_space<vmem>>, vector<1x1x16xf32>,
      %swap3A_182 = vector.shape_cast %swap3A_181 : vector<1x1x16xf32> to vector<16xf32>
      %swap3A_183 = vector.shape_cast %add3A_176 : vector<16xf32> to vector<1x1x16xf32>
      tpu.vector_store %arg9[%swap3A_178, %swap3A_179, %swap3A_180], %swap3A_183 {strides = array<i32>} : memref<2x80x128xf32, #tpu.memory_space<vmem>>, vector<1x1x16xf32>,
      %get3A_184 = arith.constant 0 : i32
      %get3A_185 = arith.index_cast %get3A_184 : i32 to index
      %get3A_186 = arith.index_cast %scan3A_64 : i32 to index
      %get3A_187 = arith.constant 96 : index
      %get3A_188 = tpu.vector_load %arg9[%get3A_185, %get3A_186, %get3A_187] {strides = array<i32>} : memref<2x80x128xf32, #tpu.memory_space<vmem>>, vector<1x1x16xf32>,
      %get3A_189 = vector.shape_cast %get3A_188 : vector<1x1x16xf32> to vector<16xf32>
      %get3A_190 = arith.constant 0 : i32
      %get3A_191 = arith.index_cast %get3A_190 : i32 to index
      %get3A_192 = arith.index_cast %scan3A_64 : i32 to index
      %get3A_193 = arith.constant 96 : index
      %get3A_194 = tpu.vector_load %arg10[%get3A_191, %get3A_192, %get3A_193] {strides = array<i32>} : memref<2x80x128xf32, #tpu.memory_space<vmem>>, vector<1x1x16xf32>,
      %get3A_195 = vector.shape_cast %get3A_194 : vector<1x1x16xf32> to vector<16xf32>
      %add3A_196 = arith.addf %get3A_189, %get3A_195 : vector<16xf32>
      %swap3A_197 = arith.constant 0 : i32
      %swap3A_198 = arith.index_cast %swap3A_197 : i32 to index
      %swap3A_199 = arith.index_cast %scan3A_64 : i32 to index
      %swap3A_200 = arith.constant 96 : index
      %swap3A_201 = tpu.vector_load %arg9[%swap3A_198, %swap3A_199, %swap3A_200] {strides = array<i32>} : memref<2x80x128xf32, #tpu.memory_space<vmem>>, vector<1x1x16xf32>,
      %swap3A_202 = vector.shape_cast %swap3A_201 : vector<1x1x16xf32> to vector<16xf32>
      %swap3A_203 = vector.shape_cast %add3A_196 : vector<16xf32> to vector<1x1x16xf32>
      tpu.vector_store %arg9[%swap3A_198, %swap3A_199, %swap3A_200], %swap3A_203 {strides = array<i32>} : memref<2x80x128xf32, #tpu.memory_space<vmem>>, vector<1x1x16xf32>,
      %get3A_204 = arith.constant 0 : i32
      %get3A_205 = arith.index_cast %get3A_204 : i32 to index
      %get3A_206 = arith.index_cast %scan3A_64 : i32 to index
      %get3A_207 = arith.constant 112 : index
      %get3A_208 = tpu.vector_load %arg9[%get3A_205, %get3A_206, %get3A_207] {strides = array<i32>} : memref<2x80x128xf32, #tpu.memory_space<vmem>>, vector<1x1x16xf32>,
      %get3A_209 = vector.shape_cast %get3A_208 : vector<1x1x16xf32> to vector<16xf32>
      %get3A_210 = arith.constant 0 : i32
      %get3A_211 = arith.index_cast %get3A_210 : i32 to index
      %get3A_212 = arith.index_cast %scan3A_64 : i32 to index
      %get3A_213 = arith.constant 112 : index
      %get3A_214 = tpu.vector_load %arg10[%get3A_211, %get3A_212, %get3A_213] {strides = array<i32>} : memref<2x80x128xf32, #tpu.memory_space<vmem>>, vector<1x1x16xf32>,
      %get3A_215 = vector.shape_cast %get3A_214 : vector<1x1x16xf32> to vector<16xf32>
      %add3A_216 = arith.addf %get3A_209, %get3A_215 : vector<16xf32>
      %swap3A_217 = arith.constant 0 : i32
      %swap3A_218 = arith.index_cast %swap3A_217 : i32 to index
      %swap3A_219 = arith.index_cast %scan3A_64 : i32 to index
      %swap3A_220 = arith.constant 112 : index
      %swap3A_221 = tpu.vector_load %arg9[%swap3A_218, %swap3A_219, %swap3A_220] {strides = array<i32>} : memref<2x80x128xf32, #tpu.memory_space<vmem>>, vector<1x1x16xf32>,
      %swap3A_222 = vector.shape_cast %swap3A_221 : vector<1x1x16xf32> to vector<16xf32>
      %swap3A_223 = vector.shape_cast %add3A_216 : vector<16xf32> to vector<1x1x16xf32>
      tpu.vector_store %arg9[%swap3A_218, %swap3A_219, %swap3A_220], %swap3A_223 {strides = array<i32>} : memref<2x80x128xf32, #tpu.memory_space<vmem>>, vector<1x1x16xf32>,
      %scan3A_224 = arith.constant 0 : i32
      scf.yield %scan3A_224 : i32
    }
    %scan3A_61 = arith.constant 80 : i32
    %add3A_62 = arith.constant 9920 : i32
    %add3A_63 = arith.addi %mul3A_2, %add3A_62 : i32
    %run_scoped3A = arith.constant 0 : i32
    "tpu.region"() ({
      %run_scoped3A_64 = tpu.sem_alloc : memref<!tpu.dma_semaphore, #tpu.memory_space<semaphore_mem>>
      %dma_start3A_65 = arith.constant 0 : i32
      %dma_start3A_66 = arith.constant 0 : i32
      %dma_start3A_67 = tpu.memref_slice %arg9[%run_scoped3A, %dma_start3A_65, %dma_start3A_66] : memref<2x80x128xf32, #tpu.memory_space<vmem>> -> memref<1x80x128xf32, #tpu.memory_space<vmem>>
      %dma_start3A_68 = tpu.memref_squeeze %dma_start3A_67 : memref<1x80x128xf32, #tpu.memory_space<vmem>> -> memref<80x128xf32, #tpu.memory_space<vmem>>
      %dma_start3A_69 = arith.constant 0 : i32
      %dma_start3A_70 = tpu.memref_slice %arg6[%add3A_63, %dma_start3A_69] : memref<320000x128xf32, #tpu.memory_space<hbm>> -> memref<80x128xf32, #tpu.memory_space<hbm>>
      %dma_start3A_71 = arith.constant 0 : i32
      %dma_start3A_72 = tpu.memref_slice %arg6[%add3A_63, %dma_start3A_71] : memref<320000x128xf32, #tpu.memory_space<hbm>> -> memref<80x128xf32, #tpu.memory_space<hbm>>
      %dma_start3A_73 = arith.constant 0 : i32
      %dma_start3A_74 = arith.constant 0 : i32
      %dma_start3A_75 = tpu.memref_slice %arg9[%run_scoped3A, %dma_start3A_73, %dma_start3A_74] : memref<2x80x128xf32, #tpu.memory_space<vmem>> -> memref<1x80x128xf32, #tpu.memory_space<vmem>>
      %dma_start3A_76 = tpu.memref_squeeze %dma_start3A_75 : memref<1x80x128xf32, #tpu.memory_space<vmem>> -> memref<80x128xf32, #tpu.memory_space<vmem>>
      tpu.enqueue_dma source(%dma_start3A_76 : memref<80x128xf32, #tpu.memory_space<vmem>>) target(%dma_start3A_72 : memref<80x128xf32, #tpu.memory_space<hbm>>) target_semaphore(%run_scoped3A_64 : memref<!tpu.dma_semaphore, #tpu.memory_space<semaphore_mem>>)
      %dma_wait3A_77 = arith.constant 0 : i32
      %dma_wait3A_78 = arith.constant 0 : i32
      %dma_wait3A_79 = tpu.memref_slice %arg9[%run_scoped3A, %dma_wait3A_77, %dma_wait3A_78] : memref<2x80x128xf32, #tpu.memory_space<vmem>> -> memref<1x80x128xf32, #tpu.memory_space<vmem>>
      %dma_wait3A_80 = tpu.memref_squeeze %dma_wait3A_79 : memref<1x80x128xf32, #tpu.memory_space<vmem>> -> memref<80x128xf32, #tpu.memory_space<vmem>>
      %dma_wait3A_81 = arith.constant 0 : i32
      %dma_wait3A_82 = tpu.memref_slice %arg6[%add3A_63, %dma_wait3A_81] : memref<320000x128xf32, #tpu.memory_space<hbm>> -> memref<80x128xf32, #tpu.memory_space<hbm>>
      %dma_wait3A_83 = arith.constant 0 : i32
      %dma_wait3A_84 = tpu.memref_slice %arg6[%add3A_63, %dma_wait3A_83] : memref<320000x128xf32, #tpu.memory_space<hbm>> -> memref<80x128xf32, #tpu.memory_space<hbm>>
      %dma_wait3A_85 = arith.constant 0 : i32
      %dma_wait3A_86 = arith.constant 0 : i32
      %dma_wait3A_87 = tpu.memref_slice %arg9[%run_scoped3A, %dma_wait3A_85, %dma_wait3A_86] : memref<2x80x128xf32, #tpu.memory_space<vmem>> -> memref<1x80x128xf32, #tpu.memory_space<vmem>>
      %dma_wait3A_88 = tpu.memref_squeeze %dma_wait3A_87 : memref<1x80x128xf32, #tpu.memory_space<vmem>> -> memref<80x128xf32, #tpu.memory_space<vmem>>
      tpu.wait_dma2 semaphore(%run_scoped3A_64 : memref<!tpu.dma_semaphore, #tpu.memory_space<semaphore_mem>>) src(%dma_wait3A_88 : memref<80x128xf32, #tpu.memory_space<vmem>>) dst(%dma_wait3A_84 : memref<80x128xf32, #tpu.memory_space<hbm>>)
      tpu.yield
    }) : () -> ()
    return
  }
}

module attributes {stable_mosaic.version = 14 : i64} {
  func.func @_prep_body(%arg0: memref<10000x128xf32, #tpu.memory_space<vmem>>, %arg1: memref<10000x128xf32, #tpu.memory_space<vmem>>, %arg2: memref<4x128x128xf32, #tpu.memory_space<vmem>>, %arg3: memref<4xf32, #tpu.memory_space<vmem>>, %arg4: memref<10000x128xf32, #tpu.memory_space<vmem>>, %arg5: memref<10000x128xf32, #tpu.memory_space<vmem>>) attributes {dimension_semantics = [], scalar_prefetch = 0 : i64, scratch_operands = 0 : i64, tpu.core_type = #tpu.core_type<tc>} {
    %get3A = arith.constant 0 : index
    %get3A_0 = arith.constant 0 : index
    %get3A_1 = vector.load %arg0[%get3A, %get3A_0] : memref<10000x128xf32, #tpu.memory_space<vmem>>, vector<10000x128xf32>
    %get3A_2 = arith.constant 0 : index
    %get3A_3 = arith.constant 0 : index
    %get3A_4 = vector.load %arg1[%get3A_2, %get3A_3] : memref<10000x128xf32, #tpu.memory_space<vmem>>, vector<10000x128xf32>
    %reduce_sum3A = arith.constant dense<0.000000e+00> : vector<128xf32>
    %reduce_sum3A_5 = vector.multi_reduction <add>, %get3A_1, %reduce_sum3A [0] : vector<10000x128xf32> to vector<128xf32>
    %broadcast_in_dim3A = vector.shape_cast %reduce_sum3A_5 : vector<128xf32> to vector<1x128xf32>
    %get3A_6 = arith.constant 0 : index
    %get3A_7 = vector.load %arg3[%get3A_6] : memref<4xf32, #tpu.memory_space<vmem>>, vector<4xf32>
    %reduce_sum3A_8 = vector.shape_cast %get3A_7 : vector<4xf32> to vector<1x4xf32>
    %reduce_sum3A_9 = arith.constant dense<0.000000e+00> : vector<1xf32>
    %reduce_sum3A_10 = vector.multi_reduction <add>, %reduce_sum3A_8, %reduce_sum3A_9 [1] : vector<1x4xf32> to vector<1xf32>
    %reduce_sum3A_11 = vector.shape_cast %reduce_sum3A_10 : vector<1xf32> to vector<1x1xf32>
    %reduce_sum3A_12 = vector.extract %reduce_sum3A_11[0, 0] : f32 from vector<1x1xf32>
    %get3A_13 = arith.constant 3 : index
    %get3A_14 = arith.constant 0 : index
    %get3A_15 = arith.constant 0 : index
    %get3A_16 = vector.load %arg2[%get3A_13, %get3A_14, %get3A_15] : memref<4x128x128xf32, #tpu.memory_space<vmem>>, vector<1x128x128xf32>
    %get3A_17 = vector.shape_cast %get3A_16 : vector<1x128x128xf32> to vector<128x128xf32>
    %dot_general3A = arith.constant dense<0.000000e+00> : vector<1x128xf32>
    %dot_general3A_18 = tpu.matmul %broadcast_in_dim3A, %get3A_17, %dot_general3A {dimension_numbers = #tpu.dot_dimension_numbers<[1], [0], [0], [1], [0, 0, 1, 1], [], []>, transpose_lhs_hint = false} : vector<1x128xf32>, vector<128x128xf32>, vector<1x128xf32> -> vector<1x128xf32>
    %add3A = vector.broadcast %reduce_sum3A_12 : f32 to vector<1x128xf32>
    %add3A_19 = arith.addf %dot_general3A_18, %add3A : vector<1x128xf32>
    %get3A_20 = arith.constant 1 : index
    %get3A_21 = arith.constant 0 : index
    %get3A_22 = arith.constant 0 : index
    %get3A_23 = vector.load %arg2[%get3A_20, %get3A_21, %get3A_22] : memref<4x128x128xf32, #tpu.memory_space<vmem>>, vector<1x128x128xf32>
    %get3A_24 = vector.shape_cast %get3A_23 : vector<1x128x128xf32> to vector<128x128xf32>
    %dot_general3A_25 = arith.constant dense<0.000000e+00> : vector<10000x128xf32>
    %dot_general3A_26 = tpu.matmul %get3A_1, %get3A_24, %dot_general3A_25 {dimension_numbers = #tpu.dot_dimension_numbers<[1], [0], [0], [1], [0, 0, 1, 1], [], []>, transpose_lhs_hint = false} : vector<10000x128xf32>, vector<128x128xf32>, vector<10000x128xf32> -> vector<10000x128xf32>
    %add3A_27 = vector.broadcast %add3A_19 : vector<1x128xf32> to vector<10000x128xf32>
    %add3A_28 = arith.addf %dot_general3A_26, %add3A_27 : vector<10000x128xf32>
    %swap3A = arith.constant 0 : index
    %swap3A_29 = arith.constant 0 : index
    %swap3A_30 = vector.load %arg4[%swap3A, %swap3A_29] : memref<10000x128xf32, #tpu.memory_space<vmem>>, vector<10000x128xf32>
    tpu.vector_store %arg4[%swap3A, %swap3A_29], %add3A_28 {strides = array<i32>} : memref<10000x128xf32, #tpu.memory_space<vmem>>, vector<10000x128xf32>,
    %get3A_31 = arith.constant 2 : index
    %get3A_32 = arith.constant 0 : index
    %get3A_33 = arith.constant 0 : index
    %get3A_34 = vector.load %arg2[%get3A_31, %get3A_32, %get3A_33] : memref<4x128x128xf32, #tpu.memory_space<vmem>>, vector<1x128x128xf32>
    %get3A_35 = vector.shape_cast %get3A_34 : vector<1x128x128xf32> to vector<128x128xf32>
    %dot_general3A_36 = arith.constant dense<0.000000e+00> : vector<10000x128xf32>
    %dot_general3A_37 = tpu.matmul %get3A_4, %get3A_35, %dot_general3A_36 {dimension_numbers = #tpu.dot_dimension_numbers<[1], [0], [0], [1], [0, 0, 1, 1], [], []>, transpose_lhs_hint = false} : vector<10000x128xf32>, vector<128x128xf32>, vector<10000x128xf32> -> vector<10000x128xf32>
    %swap3A_38 = arith.constant 0 : index
    %swap3A_39 = arith.constant 0 : index
    %swap3A_40 = vector.load %arg5[%swap3A_38, %swap3A_39] : memref<10000x128xf32, #tpu.memory_space<vmem>>, vector<10000x128xf32>
    tpu.vector_store %arg5[%swap3A_38, %swap3A_39], %dot_general3A_37 {strides = array<i32>} : memref<10000x128xf32, #tpu.memory_space<vmem>>, vector<10000x128xf32>,
    return
  }
}

module attributes {stable_mosaic.version = 14 : i64} {
  func.func @_big_body(%arg0: i32, %arg1: memref<4000x128xf32, #tpu.memory_space<vmem>>, %arg2: memref<4000x128xf32, #tpu.memory_space<vmem>>, %arg3: memref<128x128xf32, #tpu.memory_space<vmem>>, %arg4: memref<4000x128xf32, #tpu.memory_space<vmem>>) attributes {dimension_semantics = [#tpu.dimension_semantics<arbitrary>], iteration_bounds = array<i64: 80>, scalar_prefetch = 0 : i64, scratch_operands = 0 : i64, tpu.core_type = #tpu.core_type<tc>, window_params = [{transform_indices = @transform_0, window_bounds = array<i64: 4000, 128>}, {transform_indices = @transform_1, window_bounds = array<i64: 4000, 128>}, {pipeline_mode = #tpu.pipeline_mode<synchronous>, transform_indices = @transform_2, window_bounds = array<i64: 128, 128>}, {transform_indices = @transform_3, window_bounds = array<i64: 4000, 128>}]} {
    %get3A = arith.constant 0 : index
    %get3A_0 = arith.constant 0 : index
    %get3A_1 = vector.load %arg1[%get3A, %get3A_0] : memref<4000x128xf32, #tpu.memory_space<vmem>>, vector<4000x128xf32>
    %get3A_2 = arith.constant 0 : index
    %get3A_3 = arith.constant 0 : index
    %get3A_4 = vector.load %arg3[%get3A_2, %get3A_3] : memref<128x128xf32, #tpu.memory_space<vmem>>, vector<128x128xf32>
    %dot_general3A = arith.constant dense<0.000000e+00> : vector<4000x128xf32>
    %dot_general3A_5 = tpu.matmul %get3A_1, %get3A_4, %dot_general3A {dimension_numbers = #tpu.dot_dimension_numbers<[1], [0], [0], [1], [0, 0, 1, 1], [], []>, transpose_lhs_hint = false} : vector<4000x128xf32>, vector<128x128xf32>, vector<4000x128xf32> -> vector<4000x128xf32>
    %get3A_6 = arith.constant 0 : index
    %get3A_7 = arith.constant 0 : index
    %get3A_8 = vector.load %arg2[%get3A_6, %get3A_7] : memref<4000x128xf32, #tpu.memory_space<vmem>>, vector<4000x128xf32>
    %add3A = arith.addf %dot_general3A_5, %get3A_8 : vector<4000x128xf32>
    %swap3A = arith.constant 0 : index
    %swap3A_9 = arith.constant 0 : index
    %swap3A_10 = vector.load %arg4[%swap3A, %swap3A_9] : memref<4000x128xf32, #tpu.memory_space<vmem>>, vector<4000x128xf32>
    tpu.vector_store %arg4[%swap3A, %swap3A_9], %add3A {strides = array<i32>} : memref<4000x128xf32, #tpu.memory_space<vmem>>, vector<4000x128xf32>,
    return
  }
  func.func @transform_0(%arg0: i32) -> (i32, i32) {
    %c0_i32 = arith.constant 0 : i32
    %c0_i32_0 = arith.constant 0 : i32
    return %arg0, %c0_i32 : i32, i32
  }
  func.func @transform_1(%arg0: i32) -> (i32, i32) {
    %c0_i32 = arith.constant 0 : i32
    %c0_i32_0 = arith.constant 0 : i32
    return %arg0, %c0_i32 : i32, i32
  }
  func.func @transform_2(%arg0: i32) -> (i32, i32) {
    %c0_i32 = arith.constant 0 : i32
    %c0_i32_0 = arith.constant 0 : i32
    %c0_i32_1 = arith.constant 0 : i32
    return %c0_i32, %c0_i32_0 : i32, i32
  }
  func.func @transform_3(%arg0: i32) -> (i32, i32) {
    %c0_i32 = arith.constant 0 : i32
    %c0_i32_0 = arith.constant 0 : i32
    return %arg0, %c0_i32 : i32, i32
  }
}

</mosaic_0001>

<sc_bundles>
// kernel: _run.6.cloned.1.call-start
scs
__scs_entry_jumppad:
0x0: {  	(pc) =	sbr.rel $0x88, $3  }
0x1: {  	(tag) =	ssettag $0x0;
	lr =	simm.s32 $0x1  }
0x2: {  	[smem:$0x3F9C] =	sst lr;
	_ =	strace $0xD0000000  }
0x3: {  	_ = 	snop  }
0x4: {  	_ = 	snop  }
0x5: {  	_ = 	snop  }
0x6: {  	_ = 	snop  }
0x7: {  	_ = 	snop  }
__scs_overlays_trampoline_lowered:
0x8: {  	[smem:$0x3FAB] =	sst s0  }
0x9: {  	[smem:$0x3FAC] =	sst s1  }
0xa: {  	[smem:$0x3FAD] =	sst s2  }
0xb: {  	[smem:$0x3FAE] =	sst s3  }
0xc: {  	[smem:$0x3FAF] =	sst s4  }
0xd: {  	[smem:$0x3FB0] =	sst s5  }
0xe: {  	[smem:$0x3FB1] =	sst s6  }
0xf: {  	[smem:$0x3FB2] =	sst s7  }
0x10: {  	[smem:$0x3FB3] =	sst s8  }
0x11: {  	[smem:$0x3FB4] =	sst s9;
	s0 =	simm.s32 @!p0 $0x0  }
0x12: {  	s1 =	sld [smem:$0x3F9A];
	s0 =	simm.s32 @p0 $0x1  }
0x13: {  	[smem:$0x3FB5] =	sst s0;
	s0 =	simm.s32 @!p1 $0x0  }
0x14: {  	s2 =	sld [smem:$0x3F99];
	s0 =	simm.s32 @p1 $0x1  }
0x15: {  	[smem:$0x3FB6] =	sst s0;
	s0 =	simm.s32 @!p2 $0x0  }
0x16: {  	s3 =	sld [smem:$0x3FDB];
	s0 =	simm.s32 @p2 $0x1  }
0x17: {  	s4 =	simm.s32 $0x1BF5;
	[smem:$0x3FB8] =	sst s0  }
0x18: {  	s0 =	sld [smem:$0x3F9B];
	_ =	swait.ge [sflag:s4], $0x0  }
0x19: {  	s7 =	sld [smem:$0x3F9C]  }
0x1a: {  	s8 =	sadd.s32 $0xFFFFE003, lr  }
0x1b: {  	s9 =	sadd.s32 $0xFFFFFEF7, lr;
	s5 =	simm.s32 $0xFFFFFFFF;
	p2 =	slt.u32 s8, $0xFFFFF086  }
0x1c: {  	p1 =	slt.u32 s9, $0xF7A;
	s5 =	simm.s32 @!p2 $0x0  }
0x1d: {  	s5 =	simm.s32 @p1 $0x1;
	p0 =	seq.s32 s7, s2  }
0x1e: {  	s7 =	smul.u32 @!p0 $0xF7A, s2;
	p2 =	seq.s32 @!p0 s5, $0x0  }
0x1f: {  	s9 =	smul.u32 $0xF7A, s1;
	s8 =	simm.s32 @!p0 $0x1BF5;
	p2 =	por !p2, p0  }
0x20: {  	[sflag:s8] =	ssyncset.s32 @!p0 $0xFFFFF086;
	s6 =	sadd.s32 @!p0 s3, s7;
	s7 =	simm.s32 @!p0 $0x108  }
0x21: {  	s3 =	sadd.s32 s3, s9;
	s6 =	sadd.s32 @!p0 $0x88, s6;
	s7 =	simm.s32 @p2 $0x1082  }
0x22: {  	[simem:s7], [sflag:s8] =	dma.local @!p0 [hbm:s6], $0xF7A  }
0x23: {  	s9 =	sor.u32 $0xD0000000, s2;
	s6 =	simm.s32 $0x108;
	_ =	swait.ge @!p0 [sflag:s8], $0x0  }
0x24: {  	s3 =	sadd.s32 $0x88, s3;
	s6 =	simm.s32 @!p1 $0x1082;
	[sflag:s4] =	ssyncset.s32 $0xFFFFF086  }
0x25: {  	[simem:s6], [sflag:s4] =	dma.local [hbm:s3], $0xF7A  }
0x26: {  	[smem:$0x3F9C] =	sst s1;
	(tag) =	ssettag s2;
	_ =	strace s9  }
0x27: {  	s1 =	sld [smem:$0x3FAC]  }
0x28: {  	s2 =	sld [smem:$0x3FAD]  }
0x29: {  	s4 =	sld [smem:$0x3FAF]  }
0x2a: {  	p0 =	seq.s32 s5, $0x0;
	s5 =	sld [smem:$0x3FB0]  }
0x2b: {  	s6 =	sld [smem:$0x3FB1]  }
0x2c: {  	s7 =	sld [smem:$0x3FB2]  }
0x2d: {  	s3 =	simm.s32 $0x108;
	s8 =	sld [smem:$0x3FB3]  }
0x2e: {  	s3 =	simm.s32 @!p0 $0x1082;
	s9 =	sld [smem:$0x3FB4]  }
0x2f: {  	lr =	sadd.s32 s0, s3;
	s0 =	sld [smem:$0x3FAB]  }
0x30: {  	s3 =	sld [smem:$0x3FAE]  }
0x31: {  	[smem:$0x3FB7] =	sst s10  }
0x32: {  	s10 =	sld [smem:$0x3FB5];
	_ =	sdelay $0x3  }
0x33: {  	p0 =	seq.s32 s10, $0x1;
	s10 =	sld [smem:$0x3FB7];
	_ =	sdelay $0x3  }
0x34: {  	[smem:$0x3FB7] =	sst s10  }
0x35: {  	s10 =	sld [smem:$0x3FB6];
	_ =	sdelay $0x3  }
0x36: {  	p1 =	seq.s32 s10, $0x1;
	s10 =	sld [smem:$0x3FB7];
	_ =	sdelay $0x3  }
0x37: {  	[smem:$0x3FB7] =	sst s10  }
0x38: {  	s10 =	sld [smem:$0x3FB8]  }
0x39: {  	_ = 	snop;
	(pc) =	sbr.ind lr, $3  }
0x3a: {  	_ = 	snop  }
0x3b: {  	_ = 	snop  }
0x3c: {  	p2 =	seq.s32 s10, $0x1;
	s10 =	sld [smem:$0x3FB7]  }
0x3d: {  	_ =	shalt  }
0x3e: {  	_ =	shalt  }
0x3f: {  	_ =	shalt  }
0x40: {  	_ =	shalt  }
0x41: {  	_ =	shalt  }
0x42: {  	_ =	shalt  }
0x43: {  	_ =	shalt  }
0x44: {  	_ =	shalt  }
0x45: {  	_ =	shalt  }
0x46: {  	_ =	shalt  }
0x47: {  	_ =	shalt  }
0x48: {  	_ =	shalt  }
0x49: {  	_ =	shalt  }
0x4a: {  	_ =	shalt  }
0x4b: {  	_ =	shalt  }
0x4c: {  	_ =	shalt  }
0x4d: {  	_ =	shalt  }
0x4e: {  	_ =	shalt  }
0x4f: {  	_ =	shalt  }
0x50: {  	_ =	shalt  }
0x51: {  	_ =	shalt  }
0x52: {  	_ =	shalt  }
0x53: {  	_ =	shalt  }
0x54: {  	_ =	shalt  }
0x55: {  	_ =	shalt  }
0x56: {  	_ =	shalt  }
0x57: {  	_ =	shalt  }
0x58: {  	_ =	shalt  }
0x59: {  	_ =	shalt  }
0x5a: {  	_ =	shalt  }
0x5b: {  	_ =	shalt  }
0x5c: {  	_ =	shalt  }
0x5d: {  	_ =	shalt  }
0x5e: {  	_ =	shalt  }
0x5f: {  	_ =	shalt  }
0x60: {  	_ =	shalt  }
0x61: {  	_ =	shalt  }
0x62: {  	_ =	shalt  }
0x63: {  	_ =	shalt  }
0x64: {  	_ =	shalt  }
0x65: {  	_ =	shalt  }
0x66: {  	_ =	shalt  }
0x67: {  	_ =	shalt  }
0x68: {  	_ =	shalt  }
0x69: {  	_ =	shalt  }
0x6a: {  	_ =	shalt  }
0x6b: {  	_ =	shalt  }
0x6c: {  	_ =	shalt  }
0x6d: {  	_ =	shalt  }
0x6e: {  	_ =	shalt  }
0x6f: {  	_ =	shalt  }
0x70: {  	_ =	shalt  }
0x71: {  	_ =	shalt  }
0x72: {  	_ =	shalt  }
0x73: {  	_ =	shalt  }
0x74: {  	_ =	shalt  }
0x75: {  	_ =	shalt  }
0x76: {  	_ =	shalt  }
0x77: {  	_ =	shalt  }
0x78: {  	_ =	shalt  }
0x79: {  	_ =	shalt  }
0x7a: {  	_ =	shalt  }
0x7b: {  	_ =	shalt  }
0x7c: {  	_ =	shalt  }
0x7d: {  	_ =	shalt  }
0x7e: {  	_ =	shalt  }
0x7f: {  	_ =	shalt  }
0x80: {  	_ =	shalt  }
0x81: {  	_ =	shalt  }
0x82: {  	_ =	shalt  }
0x83: {  	_ =	shalt  }
0x84: {  	_ =	shalt  }
0x85: {  	_ =	shalt  }
0x86: {  	_ =	shalt  }
0x87: {  	_ =	shalt  }
.Lfunc_end0:
.L_simem_size_0:
called_computation_lowered:
.L_overlay_start_0:
0x88: {  	s2 =	sld [smem:$0x3FD9]  }
0x89: {  	s3 =	sld [smem:$0x3FFE];
	_ =	sdelay $0x1  }
0x8a: {  	s1 =	srdreg.scid  }
0x8b: {  	s0 =	sand.u32 $0x1, s1  }
0x8c: {  	s17 =	sshll.u32 s0, $0xA;
	s2 =	sadd.s32 s3, s2  }
0x8d: {  	s2 =	sadd.s32 s2, s17  }
0x8e: {  	[smem:$0x3FC3] =	sst s2  }
0x8f: {  	_ = 	snop  }
0x90: {  	s2 =	sld [smem:$0x3FC9]  }
0x91: {  	s18 =	sld [smem:$0x3FC8]  }
0x92: {  	s4 =	sld [smem:$0x3FC7]  }
0x93: {  	s5 =	sld [smem:$0x3FD0];
	(tm) =	ssettm $0x1  }
0x94: {  	s6 =	sld [smem:$0x3FFB];
	_ =	sdelay $0x3  }
0x95: {  	_ =	strace s6  }
0x96: {  	s6 =	sld [smem:$0x3FFC];
	_ =	sdelay $0x3  }
0x97: {  	_ =	strace s6  }
0x98: {  	s6 =	sld [smem:$0x3FFD];
	_ =	sdelay $0x3  }
0x99: {  	_ =	strace s6  }
0x9a: {  	_ =	strace $0x8FFFFFFF  }
0x9b: {  	s19 =	sld [smem:$0x3FDB];
	_ =	sdelay $0x1  }
0x9c: {  	s7 =	simm.s32 $_scs_section_size  }
0x9d: {  	s8 =	simm.s32 $_size__tile_overlayer_lowered;
	s9 =	simm.s32 $_tile_overlayer_lowered  }
0x9e: {  	s22 =	simm.s32 $0x1BFF;
	s21 =	sshll.u32 s9, $0x1;
	s6 =	sadd.s32 s7, s19  }
0x9f: {  	s10 =	simm.s32 $0x0;
	s20 =	sshll.u32 s8, $0x1;
	s8 =	sadd.s32 s21, s6  }
0xa0: {  	[timem:s10], [sflag:s22] =	dma.local [hbm:s8], s20  }
0xa1: {  	_ =	swait.ge [sflag:s22], s20  }
0xa2: {  	s7 =	ssub.s32 $0x0, s20;
	[sflag:s22] =	ssyncset.done $0x0  }
0xa3: {  	[sflag:s22] =	ssyncadd.s32 s7;
	_ =	sdelay $0x1  }
0xa4: {  	s23 =	simm.s32 $0x1B8B  }
0xa5: {  	_ =	swait.ge [sflag:s23], $0x1  }
0xa6: {  	[sflag:s23] =	ssyncset.done $0x0  }
0xa7: {  	s25 =	simm.s32 $0x1B8E;
	s24 =	sld [smem:$0x3FFE];
	[sflag:s23] =	ssyncadd.s32 $0xFFFFFFFF  }
0xa8: {  	s26 =	simm.s32 $execute0_lowered;
	[smem:$0x3FD2] =	sst s25  }
0xa9: {  	s8 =	sshll.u32 s26, $0x1;
	_ =	strace $0x80000046;
	[dreg:$0x1] =	wrdreg $0xFFFFFFFF  }
0xaa: {  	s28 =	simm.s32 $_size_execute0_lowered;
	s6 =	sadd.s32 s6, s8;
	[dreg:$0x0] =	wrdreg $0x0  }
0xab: {  	s8 =	sshll.u32 s28, $0x1;
	[dreg:$0x2] =	wrdreg s6  }
0xac: {  	[dreg:$0x3] =	wrdreg s8  }
0xad: {  	[dreg:$0x4] =	wrdreg $0xC0  }
0xae: {  	_ =	task [dreg:s10], $0x5FFFF  }
0xaf: {  	[dreg:$0x1] =	wrdreg $0xFFFFFFFF  }
0xb0: {  	[dreg:$0x0] =	wrdreg $0x60  }
0xb1: {  	[dreg:$0x2] =	wrdreg s2  }
0xb2: {  	[dreg:$0x3] =	wrdreg s18  }
0xb3: {  	[dreg:$0x4] =	wrdreg s4  }
0xb4: {  	[dreg:$0x5] =	wrdreg s5  }
0xb5: {  	[dreg:$0x6] =	wrdreg s24  }
0xb6: {  	[dreg:$0x7] =	wrdreg $0x0  }
0xb7: {  	[dreg:$0x8] =	wrdreg $0x9  }
0xb8: {  	_ =	task.clear_ibuf [dreg:s10], $0x9FFFF;
	_ =	strace $0x90000046  }
0xb9: {  	s29 =	simm.s32 $0x9;
	_ =	strace $0x80000048  }
0xba: {  	_ =	swait.ge [sflag:s29], $0x1  }
0xbb: {  	[sflag:s29] =	ssyncadd.s32 $0xFFFFFFFF  }
0xbc: {  	_ =	strace $0x90000048  }
0xbd: {  	_ =	sfence  }
0xbe: {  	s30 =	sld [smem:$0x0];
	_ =	sdelay $0x2  }
0xbf: {  	s31 =	sshll.u32 s1, $0xD;
	s1 =	sshrl.u32 s1, $0x2  }
0xc0: {  	s3 =	sand.u32 $0x4000, s31;
	s1 =	sadd.s32 s1, s30  }
0xc1: {  	s0 =	sor.u32 s3, s0;
	s1 =	sshll.u32 s1, $0x11  }
0xc2: {  	s0 =	sor.u32 s1, s0  }
0xc3: {  	s0 =	sadd.s32 $0x8F2B, s0  }
0xc4: {  	[sflag:s0] =	ssyncadd.remote.s32 $0x1  }
0xc5: {  	_ =	sfence.sel $0xFFFF  }
0xc6: {  	[dreg:$0x0] =	wrdreg $0xFFFFFFFF;
	(pc) =	sbr.abs _section_cstart, $3  }
0xc7: {  	[dreg:$0x1] =	wrdreg $0xFFFFFFFF  }
0xc8: {  	_ =	task.clear_ibuf [dreg:s10], $0x2FFFF;
	_ =	strace $0x9FFFFFFF  }
0xc9: {  	(tm) =	ssettm $0x7FFFFFFF  }
tec
execute0_lowered:
.L_overlay_start_1:
0x0: {  	(tag) =	ssettag $0x1  }
0x1: {  	s0 =	srdreg.scid  }
0x2: {  	s2 =	rddreg [dreg:$0x4];
	s5 =	sand.u32 $0x1, s0;
	s0 =	stileid.u32  }
0x3: {  	s6 =	rddreg [dreg:$0x3];
	s7 =	sadd.s32 $0x1E00, s2;
	s11 =	smul.u32 $0x4E20, s0  }
0x4: {  	s1 =	ssub.s32 $0x2, s5;
	s8 =	sor.u32 $0x10, s0;
	s13 =	smul.u32 $0x500, s0  }
0x5: {  	s9 =	sor.u32 $0x20, s0;
	s10 =	sor.u32 $0x30, s0;
	s14 =	smul.u32 $0x500, s8  }
0x6: {  	s12 =	sor.u32 $0x40, s0;
	s4 =	sor.u32 $0x50, s0;
	s23 =	smul.u32 $0x500, s9  }
0x7: {  	s2 =	sor.u32 $0x70, s0;
	p2 =	seq.s32 s5, $0x0;
	s25 =	smul.u32 $0x500, s10  }
0x8: {  	p0 =	seq.s32 s5, $0x1;
	p1 =	sne.s32 s5, $0x0;
	s16 =	smul.u32 $0x500, s12  }
0x9: {  	p3 =	slt.u32 s0, $0xD;
	p4 =	sgt.u32 s0, $0xC;
	s18 =	smul.u32 $0x500, s4  }
0xa: {  	s3 =	sshrl.u32 s1, $0x1;
	s22 =	smul.u32 $0x500, s2;
	s15 =	sadd.s32 s6, s13  }
0xb: {  	s9 =	smul.u32 $0xA000, s9;
	s13 =	sadd.s32 s7, s13;
	[dreg:$0x7] =	wrdreg s15  }
0xc: {  	s4 =	smul.u32 $0xA000, s4;
	[dreg:$0x8] =	wrdreg s13;
	s24 =	sadd.s32 s6, s14  }
0xd: {  	s2 =	smul.u32 $0xA000, s2;
	s14 =	sadd.s32 s7, s14;
	[dreg:$0x9] =	wrdreg s24  }
0xe: {  	p2 =	por !p3, !p2;
	s26 =	sadd.s32 s6, s23;
	[dreg:$0xa] =	wrdreg s14  }
0xf: {  	p3 =	por !p3, !p0;
	s13 =	sadd.s32 s7, s23;
	[dreg:$0xb] =	wrdreg s26  }
0x10: {  	s1 =	ssub.s32 s1, s3;
	s17 =	sadd.s32 s6, s25;
	[dreg:$0xc] =	wrdreg s13  }
0x11: {  	s3 =	sor.u32 $0x60, s0;
	s19 =	sadd.s32 s6, s16;
	[dreg:$0xd] =	wrdreg s17  }
0x12: {  	p2 =	por !p2, !p2;
	s21 =	sadd.s32 s6, s18;
	[dreg:$0xf] =	wrdreg s19  }
0x13: {  	p3 =	por !p3, !p3;
	s20 =	smul.u32 $0x500, s3;
	[dreg:$0x11] =	wrdreg s21  }
0x14: {  	s15 =	smul.u32 $0xA000, s0;
	s14 =	sadd.s32 s7, s25;
	s25 =	rddreg [dreg:$0x0]  }
0x15: {  	s3 =	smul.u32 $0xA000, s3;
	s4 =	sshrl.u32 s4, $0x2;
	s19 =	rddreg [dreg:$0x1]  }
0x16: {  	s2 =	sshrl.u32 s2, $0x2;
	s13 =	sadd.s32 s7, s16;
	s21 =	rddreg [dreg:$0x2]  }
0x17: {  	s24 =	smul.u32 $0x4E200, s0;
	s26 =	sadd.s32 $0x4DD0, s11;
	[dreg:$0xe] =	wrdreg s14  }
0x18: {  	[dreg:$0x10] =	wrdreg s13;
	s14 =	sadd.s32 s7, s18;
	s23 =	sadd.s32 s6, s20  }
0x19: {  	s13 =	sadd.s32 s7, s20;
	s6 =	sadd.s32 s6, s22;
	[dreg:$0x12] =	wrdreg s14  }
0x1a: {  	s7 =	sadd.s32 s7, s22;
	s16 =	sshll.u32 s26, $0x4;
	[dreg:$0x13] =	wrdreg s23  }
0x1b: {  	s18 =	sshrl.u32 s11, $0x3;
	s20 =	sshrl.u32 s26, $0x3;
	[dreg:$0x14] =	wrdreg s13  }
0x1c: {  	s22 =	smul.u32 $0x9C4, s0;
	s3 =	sshrl.u32 s3, $0x2;
	[dreg:$0x15] =	wrdreg s6  }
0x1d: {  	s11 =	simm.s32 $0x0;
	[dreg:$0x16] =	wrdreg s7;
	s17 =	sadd.s32 s25, s24  }
0x1e: {  	s6 =	sadd.s32 s25, s16;
	s24 =	sadd.s32 s19, s18;
	s25 =	sadd.s32 s19, s20  }
0x1f: {  	s26 =	sadd.s32 s21, s20;
	s23 =	simm.s32 $0x0;
	[dreg:$0x17] =	wrdreg s6  }
0x20: {  	s16 =	smul.u32 $0xA000, s8;
	s20 =	sshrl.u32 s9, $0x2;
	[dreg:$0x18] =	wrdreg s24  }
0x21: {  	s8 =	simm.s32 $0x1;
	s9 =	simm.s32 $0x50;
	[dreg:$0x1a] =	wrdreg s25  }
0x22: {  	s6 =	sadd.s32 s21, s18;
	[dreg:$0x1b] =	wrdreg s26;
	s7 =	sadd.s32 s22, s19  }
0x23: {  	s14 =	sadd.s32 s22, s21;
	[smem:$0x7FF] =	sst s23;
	s19 =	smul.u32 $0xA000, s10  }
0x24: {  	s25 =	rddreg [dreg:$0x5];
	s18 =	sshrl.u32 s15, $0x2;
	s21 =	smul.u32 $0xA000, s12  }
0x25: {  	s10 =	simm.s32 $0x2;
	[dreg:$0x19] =	wrdreg s6;
	s26 =	sadd.s32 s18, s25  }
0x26: {  	s5 =	sshrl.u32 s16, $0x2;
	s29 =	sadd.s32 s20, s25;
	s20 =	sadd.s32 s2, s25  }
0x27: {  	s2 =	simm.s32 $0x18980;
	s6 =	simm.s32 $0x16080;
	_ =	strace $0x80000047  }
.Ltmp0:
0x28: {  	s28 =	sadd.s32 s5, s25;
	s22 =	sshrl.u32 s19, $0x2;
	(pc) =	sbr.rel .LBB2_1-.Ltmp0, $4  }
0x29: {  	s24 =	sshrl.u32 s21, $0x2;
	s19 =	sadd.s32 s3, s25;
	s21 =	smax.u32 s1, $0x1  }
0x2a: {  	s1 =	sadd.s32 $0x14, s14;
	s3 =	simm.s32 $0x3;
	s5 =	simm.s32 $0x18880  }
0x2b: {  	s30 =	sadd.s32 s22, s25;
	s31 =	sadd.s32 s24, s25;
	s24 =	sadd.s32 s4, s25  }
0x2c: {  	v0 =	vimm.f32 $0.0e+00;
	s22 =	sadd.s32 $0x14, s7;
	s4 =	simm.s32 $0x13880;
	s7 =	simm.s32 $0x18900  }
.LBB2_10:
0x2d: {  	s14 =	sadd.s32 $0x500, s13;
	[sflag:s3] =	ssyncadd.s32 $0xFFFFD800  }
0x2e: {  	[tilespmem:s6], [sflag:$0x2] =	stream.linear.gather [hbm4b:s14+s23], $0x2800, $0x38;
	[tilespmem:$0x1B180] =	vst v63  }
0x2f: {  	s18 =	sadd.s32 $0xFFFFFFF6, s12  }
0x30: {  	[tilespmem:s7], [sflag:$0x2] =	stream.linear.gather [hbm4b:s18+s23], $0x50, $0x38;
	[tilespmem:$0x1B180] =	vst v63  }
0x31: {  	_ =	swait.ge [sflag:s8], $0x2800  }
0x32: {  	[sflag:s8] =	ssyncset.done $0x0  }
0x33: {  	[sflag:s8] =	ssyncadd.s32 $0xFFFFD800  }
0x34: {  	_ =	swait.ge [sflag:s8], $0x50  }
0x35: {  	[sflag:s8] =	ssyncset.done $0x0  }
0x36: {  	[sflag:s8] =	ssyncadd.s32 $0xFFFFFFB0  }
0x37: {  	[spmem:s25] =	stream.indirect.scatter.add.f32 [tilespmem:s4], [sflag:$0x3], $0x80, s5, s9, $0xb8;
	[tilespmem:$0x1B180] =	vst v63  }
0x38: {  	_ =	swait.ge [sflag:s3], $0x2800  }
0x39: {  	[sflag:s3] =	ssyncset.done $0x0  }
0x3a: {  	s15 =	sadd.s32 $0xA00, s13;
	[sflag:s3] =	ssyncadd.s32 $0xFFFFD800  }
0x3b: {  	[tilespmem:s4], [sflag:$0x1] =	stream.linear.gather [hbm4b:s15+s23], $0x2800, $0x38;
	[tilespmem:$0x1B180] =	vst v63  }
0x3c: {  	_ = 	snop  }
0x3d: {  	[tilespmem:s5], [sflag:$0x1] =	stream.linear.gather [hbm4b:s12+s23], $0x50, $0x38;
	[tilespmem:$0x1B180] =	vst v63  }
0x3e: {  	_ =	swait.ge [sflag:s10], $0x2800  }
0x3f: {  	[sflag:s10] =	ssyncset.done $0x0  }
0x40: {  	[sflag:s10] =	ssyncadd.s32 $0xFFFFD800  }
0x41: {  	_ =	swait.ge [sflag:s10], $0x50  }
0x42: {  	[sflag:s10] =	ssyncset.done $0x0  }
0x43: {  	[sflag:s10] =	ssyncadd.s32 $0xFFFFFFB0  }
0x44: {  	[spmem:s25] =	stream.indirect.scatter.add.f32 [tilespmem:s6], [sflag:$0x3], $0x80, s7, s9, $0xb8;
	[tilespmem:$0x1B180] =	vst v63  }
0x45: {  	_ =	swait.ge [sflag:s3], $0x2800  }
0x46: {  	[sflag:s3] =	ssyncset.done $0x0  }
0x47: {  	s16 =	rddreg [dreg:$0x17];
	[sflag:s3] =	ssyncadd.s32 $0xFFFFD800  }
0x48: {  	[tilespmem:s6], [sflag:$0x2] =	stream.linear.gather [hbm4b:s16+s23], $0x2800, $0x38;
	[tilespmem:$0x1B180] =	vst v63  }
0x49: {  	s18 =	rddreg [dreg:$0x1b]  }
0x4a: {  	[tilespmem:s7], [sflag:$0x2] =	stream.linear.gather [hbm4b:s18+s23], $0x50, $0x38;
	[tilespmem:$0x1B180] =	vst v63  }
0x4b: {  	_ =	swait.ge [sflag:s8], $0x2800  }
0x4c: {  	[sflag:s8] =	ssyncset.done $0x0  }
0x4d: {  	[sflag:s8] =	ssyncadd.s32 $0xFFFFD800  }
0x4e: {  	_ =	swait.ge [sflag:s8], $0x50  }
0x4f: {  	[sflag:s8] =	ssyncset.done $0x0  }
0x50: {  	[sflag:s8] =	ssyncadd.s32 $0xFFFFFFB0  }
0x51: {  	[spmem:s25] =	stream.indirect.scatter.add.f32 [tilespmem:s4], [sflag:$0x3], $0x80, s5, s9, $0xb8;
	[tilespmem:$0x1B180] =	vst v63  }
0x52: {  	_ =	swait.ge [sflag:s3], $0x2800  }
0x53: {  	[sflag:s3] =	ssyncset.done $0x0  }
0x54: {  	[sflag:s3] =	ssyncadd.s32 $0xFFFFD800  }
0x55: {  	_ =	swait.ge [sflag:s10], $0x2800  }
0x56: {  	[sflag:s10] =	ssyncset.done $0x0  }
0x57: {  	[sflag:s10] =	ssyncadd.s32 $0xFFFFD800  }
0x58: {  	_ =	swait.ge [sflag:s10], $0x50  }
0x59: {  	[sflag:s10] =	ssyncset.done $0x0  }
0x5a: {  	[sflag:s10] =	ssyncadd.s32 $0xFFFFFFB0  }
0x5b: {  	[spmem:s25] =	stream.indirect.scatter.add.f32 [tilespmem:s6], [sflag:$0x3], $0x80, s7, s9, $0xb8;
	[tilespmem:$0x1B180] =	vst v63  }
0x5c: {  	_ =	swait.ge [sflag:s3], $0x2800  }
0x5d: {  	[sflag:s3] =	ssyncset.done $0x0  }
0x5e: {  	[sflag:s3] =	ssyncadd.s32 $0xFFFFD800  }
.LBB2_11:
0x5f: {  	s12 =	sshll.u32 @!p1 s0, $0x6;
	[bflag:$0x0] =	sbarrier.arrive $0xFFFF  }
0x60: {  	s13 =	sshrl.u32 @!p1 s26, $0x3;
	s12 =	sor.u32 @!p1 $0x1C03, s12;
	s14 =	rddreg [dreg:$0x7]  }
0x61: {  	[hbm:s14], [sflag:s12] =	dma.local @!p1 [spmem:s13], $0x500  }
0x62: {  	s13 =	simm.s32 @!p1 $0x3  }
0x63: {  	s14 =	sshll.u32 @p0 s0, $0x6;
	_ =	swait.ge @!p1 [sflag:s13], $0x500  }
0x64: {  	s15 =	sor.u32 @p0 $0x1C03, s14;
	[sflag:s13] =	ssyncset.done @!p1 $0x0  }
0x65: {  	s14 =	sshrl.u32 @p0 s26, $0x3;
	s16 =	rddreg [dreg:$0x8];
	[sflag:s13] =	ssyncadd.s32 @!p1 $0xFFFFFB00  }
0x66: {  	[hbm:s16], [sflag:s15] =	dma.local @p0 [spmem:s14], $0x500  }
0x67: {  	s14 =	simm.s32 @p0 $0x3  }
0x68: {  	_ =	swait.ge @p0 [sflag:s14], $0x500  }
0x69: {  	[sflag:s14] =	ssyncset.done @p0 $0x0  }
0x6a: {  	s16 =	sshrl.u32 @!p1 s28, $0x3;
	s18 =	rddreg [dreg:$0x9];
	[sflag:s14] =	ssyncadd.s32 @p0 $0xFFFFFB00  }
0x6b: {  	[hbm:s18], [sflag:s12] =	dma.local @!p1 [spmem:s16], $0x500  }
0x6c: {  	_ =	swait.ge @!p1 [sflag:s13], $0x500  }
0x6d: {  	[sflag:s13] =	ssyncset.done @!p1 $0x0  }
0x6e: {  	s16 =	sshrl.u32 @p0 s28, $0x3;
	s18 =	rddreg [dreg:$0xa];
	[sflag:s13] =	ssyncadd.s32 @!p1 $0xFFFFFB00  }
0x6f: {  	[hbm:s18], [sflag:s15] =	dma.local @p0 [spmem:s16], $0x500  }
0x70: {  	_ =	swait.ge @p0 [sflag:s14], $0x500  }
0x71: {  	[sflag:s14] =	ssyncset.done @p0 $0x0  }
0x72: {  	s16 =	sshrl.u32 @!p1 s29, $0x3;
	s18 =	rddreg [dreg:$0xb];
	[sflag:s14] =	ssyncadd.s32 @p0 $0xFFFFFB00  }
0x73: {  	[hbm:s18], [sflag:s12] =	dma.local @!p1 [spmem:s16], $0x500  }
0x74: {  	_ =	swait.ge @!p1 [sflag:s13], $0x500  }
0x75: {  	[sflag:s13] =	ssyncset.done @!p1 $0x0  }
0x76: {  	s16 =	sshrl.u32 @p0 s29, $0x3;
	s18 =	rddreg [dreg:$0xc];
	[sflag:s13] =	ssyncadd.s32 @!p1 $0xFFFFFB00  }
0x77: {  	[hbm:s18], [sflag:s15] =	dma.local @p0 [spmem:s16], $0x500  }
0x78: {  	_ =	swait.ge @p0 [sflag:s14], $0x500  }
0x79: {  	[sflag:s14] =	ssyncset.done @p0 $0x0  }
0x7a: {  	s16 =	sshrl.u32 @!p1 s30, $0x3;
	s18 =	rddreg [dreg:$0xd];
	[sflag:s14] =	ssyncadd.s32 @p0 $0xFFFFFB00  }
0x7b: {  	[hbm:s18], [sflag:s12] =	dma.local @!p1 [spmem:s16], $0x500  }
0x7c: {  	_ =	swait.ge @!p1 [sflag:s13], $0x500  }
0x7d: {  	[sflag:s13] =	ssyncset.done @!p1 $0x0  }
0x7e: {  	s16 =	sshrl.u32 @p0 s30, $0x3;
	s18 =	rddreg [dreg:$0xe];
	[sflag:s13] =	ssyncadd.s32 @!p1 $0xFFFFFB00  }
0x7f: {  	[hbm:s18], [sflag:s15] =	dma.local @p0 [spmem:s16], $0x500  }
0x80: {  	_ =	swait.ge @p0 [sflag:s14], $0x500  }
0x81: {  	[sflag:s14] =	ssyncset.done @p0 $0x0  }
0x82: {  	s16 =	sshrl.u32 @!p1 s31, $0x3;
	s18 =	rddreg [dreg:$0xf];
	[sflag:s14] =	ssyncadd.s32 @p0 $0xFFFFFB00  }
0x83: {  	[hbm:s18], [sflag:s12] =	dma.local @!p1 [spmem:s16], $0x500  }
0x84: {  	_ =	swait.ge @!p1 [sflag:s13], $0x500  }
0x85: {  	[sflag:s13] =	ssyncset.done @!p1 $0x0  }
0x86: {  	s16 =	sshrl.u32 @p0 s31, $0x3;
	s18 =	rddreg [dreg:$0x10];
	[sflag:s13] =	ssyncadd.s32 @!p1 $0xFFFFFB00  }
0x87: {  	[hbm:s18], [sflag:s15] =	dma.local @p0 [spmem:s16], $0x500  }
0x88: {  	_ =	swait.ge @p0 [sflag:s14], $0x500  }
0x89: {  	[sflag:s14] =	ssyncset.done @p0 $0x0  }
0x8a: {  	s16 =	sshrl.u32 @!p1 s24, $0x3;
	s18 =	rddreg [dreg:$0x11];
	[sflag:s14] =	ssyncadd.s32 @p0 $0xFFFFFB00  }
0x8b: {  	[hbm:s18], [sflag:s12] =	dma.local @!p1 [spmem:s16], $0x500  }
0x8c: {  	_ =	swait.ge @!p1 [sflag:s13], $0x500  }
0x8d: {  	[sflag:s13] =	ssyncset.done @!p1 $0x0  }
0x8e: {  	s16 =	sshrl.u32 @p0 s24, $0x3;
	s18 =	rddreg [dreg:$0x12];
	[sflag:s13] =	ssyncadd.s32 @!p1 $0xFFFFFB00  }
0x8f: {  	[hbm:s18], [sflag:s15] =	dma.local @p0 [spmem:s16], $0x500  }
0x90: {  	_ =	swait.ge @p0 [sflag:s14], $0x500  }
0x91: {  	[sflag:s14] =	ssyncset.done @p0 $0x0  }
0x92: {  	s16 =	sshrl.u32 @!p1 s19, $0x3;
	s18 =	rddreg [dreg:$0x13];
	[sflag:s14] =	ssyncadd.s32 @p0 $0xFFFFFB00  }
0x93: {  	[hbm:s18], [sflag:s12] =	dma.local @!p1 [spmem:s16], $0x500  }
0x94: {  	_ =	swait.ge @!p1 [sflag:s13], $0x500  }
0x95: {  	[sflag:s13] =	ssyncset.done @!p1 $0x0  }
0x96: {  	s12 =	sshrl.u32 @p0 s19, $0x3;
	[sflag:s13] =	ssyncadd.s32 @!p1 $0xFFFFFB00;
	s13 =	rddreg [dreg:$0x14]  }
0x97: {  	[hbm:s13], [sflag:s15] =	dma.local @p0 [spmem:s12], $0x500  }
0x98: {  	_ =	swait.ge @p0 [sflag:s14], $0x500  }
0x99: {  	s12 =	sshll.u32 @p2 s0, $0x6;
	s13 =	sshrl.u32 @p2 s20, $0x3;
	[sflag:s14] =	ssyncset.done @p0 $0x0  }
0x9a: {  	s12 =	sor.u32 @p2 $0x1C03, s12;
	[sflag:s14] =	ssyncadd.s32 @p0 $0xFFFFFB00;
	s14 =	rddreg [dreg:$0x15]  }
0x9b: {  	[hbm:s14], [sflag:s12] =	dma.local @p2 [spmem:s13], $0x500  }
0x9c: {  	s11 =	sadd.s32 $0x1, s11;
	s12 =	simm.s32 @p2 $0x3  }
0x9d: {  	p5 =	sne.s32 s11, s21;
	_ =	swait.ge @p2 [sflag:s12], $0x500  }
0x9e: {  	s13 =	sshll.u32 @p3 s0, $0x6;
	[sflag:s12] =	ssyncset.done @p2 $0x0;
	s14 =	rddreg [dreg:$0x16]  }
0x9f: {  	[sflag:s12] =	ssyncadd.s32 @p2 $0xFFFFFB00;
	s12 =	sor.u32 @p3 $0x1C03, s13;
	s13 =	sshrl.u32 @p3 s20, $0x3  }
0xa0: {  	[hbm:s14], [sflag:s12] =	dma.local @p3 [spmem:s13], $0x500  }
.Ltmp1:
0xa1: {  	_ = 	snop;
	(pc) =	sbr.rel @!p5 .LBB2_12-.Ltmp1, $4  }
0xa2: {  	s12 =	simm.s32 @p3 $0x3  }
0xa3: {  	_ =	swait.ge @p3 [sflag:s12], $0x500  }
0xa4: {  	[sflag:s12] =	ssyncset.done @p3 $0x0  }
0xa5: {  	[sflag:s12] =	ssyncadd.s32 @p3 $0xFFFFFB00  }
.LBB2_1:
0xa6: {  	s12 =	sand.u32 $0xFE00, s23  }
0xa7: {  	s13 =	sand.u32 $0x70, s23;
	s14 =	sshrl.u32 s12, $0x2  }
0xa8: {  	s12 =	simm.s32 $0x40;
	s14 =	sor.u32 s13, s14;
	s13 =	simm.s32 $0x0  }
.LBB2_2:
0xa9: {  	p5 =	sne.s32 s12, $0x9FC0  }
0xaa: {  	[tilespmem:s14+$0x18980] =	vst v0;
	s13 =	sadd.s32 $0x10, s13;
	s14 =	smov.u32 s12;
	s12 =	sadd.s32 $0x40, s12  }
.Ltmp2:
0xab: {  	(pc) =	sbr.rel @p5 .LBB2_2-.Ltmp2, $4  }
0xac: {  	_ = 	snop  }
0xad: {  	s14 =	sand.u32 $0xFE00, s14  }
0xae: {  	s15 =	sand.u32 $0x70, s13;
	s14 =	sshrl.u32 s14, $0x2  }
0xaf: {  	s14 =	sor.u32 s15, s14  }
0xb0: {  	[tilespmem:s14+$0x18980] =	vst v0  }
0xb1: {  	[spmem:s26] =	stream.linear.scatter [tilespmem:s2], [sflag:$0x3], $0x2800, $0x38;
	[tilespmem:$0x1B180] =	vst v63  }
0xb2: {  	_ =	swait.ge [sflag:s3], $0x2800  }
0xb3: {  	[sflag:s3] =	ssyncset.done $0x0  }
0xb4: {  	[sflag:s3] =	ssyncadd.s32 $0xFFFFD800  }
0xb5: {  	[spmem:s28] =	stream.linear.scatter [tilespmem:s2], [sflag:$0x3], $0x2800, $0x38;
	[tilespmem:$0x1B180] =	vst v63  }
0xb6: {  	_ =	swait.ge [sflag:s3], $0x2800  }
0xb7: {  	[sflag:s3] =	ssyncset.done $0x0  }
0xb8: {  	[sflag:s3] =	ssyncadd.s32 $0xFFFFD800  }
0xb9: {  	[spmem:s29] =	stream.linear.scatter [tilespmem:s2], [sflag:$0x3], $0x2800, $0x38;
	[tilespmem:$0x1B180] =	vst v63  }
0xba: {  	_ =	swait.ge [sflag:s3], $0x2800  }
0xbb: {  	[sflag:s3] =	ssyncset.done $0x0  }
0xbc: {  	[sflag:s3] =	ssyncadd.s32 $0xFFFFD800  }
0xbd: {  	[spmem:s30] =	stream.linear.scatter [tilespmem:s2], [sflag:$0x3], $0x2800, $0x38;
	[tilespmem:$0x1B180] =	vst v63  }
0xbe: {  	_ =	swait.ge [sflag:s3], $0x2800  }
0xbf: {  	[sflag:s3] =	ssyncset.done $0x0  }
0xc0: {  	[sflag:s3] =	ssyncadd.s32 $0xFFFFD800  }
0xc1: {  	[spmem:s31] =	stream.linear.scatter [tilespmem:s2], [sflag:$0x3], $0x2800, $0x38;
	[tilespmem:$0x1B180] =	vst v63  }
0xc2: {  	_ =	swait.ge [sflag:s3], $0x2800  }
0xc3: {  	[sflag:s3] =	ssyncset.done $0x0  }
0xc4: {  	[sflag:s3] =	ssyncadd.s32 $0xFFFFD800  }
0xc5: {  	[spmem:s24] =	stream.linear.scatter [tilespmem:s2], [sflag:$0x3], $0x2800, $0x38;
	[tilespmem:$0x1B180] =	vst v63  }
0xc6: {  	_ =	swait.ge [sflag:s3], $0x2800  }
0xc7: {  	[sflag:s3] =	ssyncset.done $0x0  }
0xc8: {  	[sflag:s3] =	ssyncadd.s32 $0xFFFFD800  }
0xc9: {  	[spmem:s19] =	stream.linear.scatter [tilespmem:s2], [sflag:$0x3], $0x2800, $0x38;
	[tilespmem:$0x1B180] =	vst v63  }
0xca: {  	_ =	swait.ge [sflag:s3], $0x2800  }
0xcb: {  	[sflag:s3] =	ssyncset.done $0x0  }
0xcc: {  	s12 =	simm.s32 @!p4 $0x18980;
	[sflag:s3] =	ssyncadd.s32 $0xFFFFD800  }
0xcd: {  	[spmem:s20] =	stream.linear.scatter @!p4 [tilespmem:s12], [sflag:$0x3], $0x2800, $0x38;
	[tilespmem:$0x1B180] =	vst v63  }
0xce: {  	s12 =	simm.s32 @!p4 $0x3  }
.Ltmp3:
0xcf: {  	_ =	swait.ge @!p4 [sflag:s12], $0x2800;
	(pc) =	sbr.rel @p1 .LBB2_7-.Ltmp3, $3  }
0xd0: {  	[sflag:s12] =	ssyncset.done @!p4 $0x0  }
0xd1: {  	[sflag:s12] =	ssyncadd.s32 @!p4 $0xFFFFD800  }
0xd2: {  	[bflag:$0x0] =	sbarrier.arrive $0xFFFF;
	_ =	sdelay $0x1  }
0xd3: {  	s12 =	simm.s32 $0x0  }
0xd4: {  	[tilespmem:s4], [sflag:$0x1] =	stream.linear.gather [hbm4b:s17+s12], $0x2800, $0x38;
	[tilespmem:$0x1B180] =	vst v63  }
0xd5: {  	s13 =	rddreg [dreg:$0x18];
	s15 =	sadd.s32 $0x0, s17  }
0xd6: {  	[tilespmem:s5], [sflag:$0x1] =	stream.linear.gather [hbm4b:s13+s12], $0x50, $0x38;
	[tilespmem:$0x1B180] =	vst v63  }
0xd7: {  	s16 =	sadd.s32 $0x500, s15  }
0xd8: {  	[tilespmem:s6], [sflag:$0x2] =	stream.linear.gather [hbm4b:s16+s23], $0x2800, $0x38;
	[tilespmem:$0x1B180] =	vst v63  }
0xd9: {  	s18 =	sadd.s32 $0xFFFFFFF6, s22  }
0xda: {  	[tilespmem:s7], [sflag:$0x2] =	stream.linear.gather [hbm4b:s18+s23], $0x50, $0x38;
	[tilespmem:$0x1B180] =	vst v63  }
0xdb: {  	_ =	swait.ge [sflag:s8], $0x2800  }
0xdc: {  	[sflag:s8] =	ssyncset.done $0x0  }
0xdd: {  	[sflag:s8] =	ssyncadd.s32 $0xFFFFD800  }
0xde: {  	_ =	swait.ge [sflag:s8], $0x50  }
0xdf: {  	[sflag:s8] =	ssyncset.done $0x0  }
0xe0: {  	[sflag:s8] =	ssyncadd.s32 $0xFFFFFFB0  }
0xe1: {  	[spmem:s25] =	stream.indirect.scatter.add.f32 [tilespmem:s4], [sflag:$0x3], $0x80, s5, s9, $0xb8;
	[tilespmem:$0x1B180] =	vst v63  }
0xe2: {  	_ =	swait.ge [sflag:s3], $0x2800  }
0xe3: {  	[sflag:s3] =	ssyncset.done $0x0  }
0xe4: {  	s12 =	sadd.s32 $0xA00, s15;
	[sflag:s3] =	ssyncadd.s32 $0xFFFFD800  }
0xe5: {  	[tilespmem:s4], [sflag:$0x1] =	stream.linear.gather [hbm4b:s12+s23], $0x2800, $0x38;
	[tilespmem:$0x1B180] =	vst v63  }
0xe6: {  	_ = 	snop  }
0xe7: {  	[tilespmem:s5], [sflag:$0x1] =	stream.linear.gather [hbm4b:s22+s23], $0x50, $0x38;
	[tilespmem:$0x1B180] =	vst v63  }
0xe8: {  	_ =	swait.ge [sflag:s10], $0x2800  }
0xe9: {  	[sflag:s10] =	ssyncset.done $0x0  }
0xea: {  	[sflag:s10] =	ssyncadd.s32 $0xFFFFD800  }
0xeb: {  	_ =	swait.ge [sflag:s10], $0x50  }
0xec: {  	[sflag:s10] =	ssyncset.done $0x0  }
0xed: {  	[sflag:s10] =	ssyncadd.s32 $0xFFFFFFB0  }
0xee: {  	[spmem:s25] =	stream.indirect.scatter.add.f32 [tilespmem:s6], [sflag:$0x3], $0x80, s7, s9, $0xb8;
	[tilespmem:$0x1B180] =	vst v63  }
0xef: {  	s14 =	simm.s32 $0x1400;
	_ =	swait.ge [sflag:s3], $0x2800  }
0xf0: {  	s13 =	sadd.s32 $0xA00, s17;
	s12 =	sadd.s32 $0x14, s22;
	[sflag:s3] =	ssyncset.done $0x0  }
.LBB2_5:
0xf1: {  	s15 =	sadd.s32 $0x500, s13  }
0xf2: {  	[sflag:s3] =	ssyncadd.s32 $0xFFFFD800;
	s16 =	smov.u32 s14;
	s18 =	sadd.s32 $0xA00, s14  }
0xf3: {  	[tilespmem:s6], [sflag:$0x2] =	stream.linear.gather [hbm4b:s15+s23], $0x2800, $0x38;
	[tilespmem:$0x1B180] =	vst v63  }
0xf4: {  	p5 =	sne.s32 s14, $0x4CE00;
	s14 =	sadd.s32 $0xFFFFFFF6, s12  }
0xf5: {  	[tilespmem:s7], [sflag:$0x2] =	stream.linear.gather [hbm4b:s14+s23], $0x50, $0x38;
	[tilespmem:$0x1B180] =	vst v63  }
0xf6: {  	_ =	swait.ge [sflag:s8], $0x2800  }
0xf7: {  	[sflag:s8] =	ssyncset.done $0x0  }
0xf8: {  	[sflag:s8] =	ssyncadd.s32 $0xFFFFD800  }
0xf9: {  	_ =	swait.ge [sflag:s8], $0x50  }
0xfa: {  	[sflag:s8] =	ssyncset.done $0x0  }
0xfb: {  	[sflag:s8] =	ssyncadd.s32 $0xFFFFFFB0  }
0xfc: {  	[spmem:s25] =	stream.indirect.scatter.add.f32 [tilespmem:s4], [sflag:$0x3], $0x80, s5, s9, $0xb8;
	[tilespmem:$0x1B180] =	vst v63  }
0xfd: {  	_ =	swait.ge [sflag:s3], $0x2800  }
0xfe: {  	[sflag:s3] =	ssyncset.done $0x0  }
0xff: {  	s13 =	sadd.s32 $0xA00, s13;
	[sflag:s3] =	ssyncadd.s32 $0xFFFFD800  }
0x100: {  	[tilespmem:s4], [sflag:$0x1] =	stream.linear.gather [hbm4b:s13+s23], $0x2800, $0x38;
	[tilespmem:$0x1B180] =	vst v63  }
0x101: {  	_ = 	snop  }
0x102: {  	[tilespmem:s5], [sflag:$0x1] =	stream.linear.gather [hbm4b:s12+s23], $0x50, $0x38;
	[tilespmem:$0x1B180] =	vst v63  }
0x103: {  	_ =	swait.ge [sflag:s10], $0x2800  }
0x104: {  	[sflag:s10] =	ssyncset.done $0x0  }
0x105: {  	[sflag:s10] =	ssyncadd.s32 $0xFFFFD800  }
0x106: {  	_ =	swait.ge [sflag:s10], $0x50  }
.Ltmp4:
0x107: {  	[sflag:s10] =	ssyncset.done $0x0;
	(pc) =	sbr.rel @p5 .LBB2_5-.Ltmp4, $4  }
0x108: {  	[sflag:s10] =	ssyncadd.s32 $0xFFFFFFB0  }
0x109: {  	[spmem:s25] =	stream.indirect.scatter.add.f32 [tilespmem:s6], [sflag:$0x3], $0x80, s7, s9, $0xb8;
	[tilespmem:$0x1B180] =	vst v63  }
0x10a: {  	s14 =	smov.u32 s18;
	_ =	swait.ge [sflag:s3], $0x2800  }
0x10b: {  	s13 =	sadd.s32 s16, s17;
	s12 =	sadd.s32 $0x14, s12;
	[sflag:s3] =	ssyncset.done $0x0  }
0x10c: {  	s14 =	sadd.s32 $0x500, s13;
	[sflag:s3] =	ssyncadd.s32 $0xFFFFD800  }
0x10d: {  	[tilespmem:s6], [sflag:$0x2] =	stream.linear.gather [hbm4b:s14+s23], $0x2800, $0x38;
	[tilespmem:$0x1B180] =	vst v63  }
0x10e: {  	s18 =	sadd.s32 $0xFFFFFFF6, s12  }
0x10f: {  	[tilespmem:s7], [sflag:$0x2] =	stream.linear.gather [hbm4b:s18+s23], $0x50, $0x38;
	[tilespmem:$0x1B180] =	vst v63  }
0x110: {  	_ =	swait.ge [sflag:s8], $0x2800  }
0x111: {  	[sflag:s8] =	ssyncset.done $0x0  }
0x112: {  	[sflag:s8] =	ssyncadd.s32 $0xFFFFD800  }
0x113: {  	_ =	swait.ge [sflag:s8], $0x50  }
0x114: {  	[sflag:s8] =	ssyncset.done $0x0  }
0x115: {  	[sflag:s8] =	ssyncadd.s32 $0xFFFFFFB0  }
0x116: {  	[spmem:s25] =	stream.indirect.scatter.add.f32 [tilespmem:s4], [sflag:$0x3], $0x80, s5, s9, $0xb8;
	[tilespmem:$0x1B180] =	vst v63  }
0x117: {  	_ =	swait.ge [sflag:s3], $0x2800  }
0x118: {  	[sflag:s3] =	ssyncset.done $0x0  }
0x119: {  	s15 =	sadd.s32 $0xA00, s13;
	[sflag:s3] =	ssyncadd.s32 $0xFFFFD800  }
0x11a: {  	[tilespmem:s4], [sflag:$0x1] =	stream.linear.gather [hbm4b:s15+s23], $0x2800, $0x38;
	[tilespmem:$0x1B180] =	vst v63  }
0x11b: {  	_ = 	snop  }
0x11c: {  	[tilespmem:s5], [sflag:$0x1] =	stream.linear.gather [hbm4b:s12+s23], $0x50, $0x38;
	[tilespmem:$0x1B180] =	vst v63  }
0x11d: {  	_ =	swait.ge [sflag:s10], $0x2800  }
0x11e: {  	[sflag:s10] =	ssyncset.done $0x0  }
0x11f: {  	[sflag:s10] =	ssyncadd.s32 $0xFFFFD800  }
0x120: {  	_ =	swait.ge [sflag:s10], $0x50  }
0x121: {  	[sflag:s10] =	ssyncset.done $0x0  }
0x122: {  	[sflag:s10] =	ssyncadd.s32 $0xFFFFFFB0  }
0x123: {  	[spmem:s25] =	stream.indirect.scatter.add.f32 [tilespmem:s6], [sflag:$0x3], $0x80, s7, s9, $0xb8;
	[tilespmem:$0x1B180] =	vst v63  }
0x124: {  	_ =	swait.ge [sflag:s3], $0x2800  }
0x125: {  	[sflag:s3] =	ssyncset.done $0x0  }
0x126: {  	s16 =	rddreg [dreg:$0x17];
	[sflag:s3] =	ssyncadd.s32 $0xFFFFD800  }
0x127: {  	[tilespmem:s6], [sflag:$0x2] =	stream.linear.gather [hbm4b:s16+s23], $0x2800, $0x38;
	[tilespmem:$0x1B180] =	vst v63  }
0x128: {  	s18 =	rddreg [dreg:$0x1a]  }
0x129: {  	[tilespmem:s7], [sflag:$0x2] =	stream.linear.gather [hbm4b:s18+s23], $0x50, $0x38;
	[tilespmem:$0x1B180] =	vst v63  }
0x12a: {  	_ =	swait.ge [sflag:s8], $0x2800  }
0x12b: {  	[sflag:s8] =	ssyncset.done $0x0  }
0x12c: {  	[sflag:s8] =	ssyncadd.s32 $0xFFFFD800  }
0x12d: {  	_ =	swait.ge [sflag:s8], $0x50  }
0x12e: {  	[sflag:s8] =	ssyncset.done $0x0  }
0x12f: {  	[sflag:s8] =	ssyncadd.s32 $0xFFFFFFB0  }
0x130: {  	[spmem:s25] =	stream.indirect.scatter.add.f32 [tilespmem:s4], [sflag:$0x3], $0x80, s5, s9, $0xb8;
	[tilespmem:$0x1B180] =	vst v63  }
0x131: {  	_ =	swait.ge [sflag:s3], $0x2800  }
0x132: {  	[sflag:s3] =	ssyncset.done $0x0  }
0x133: {  	[sflag:s3] =	ssyncadd.s32 $0xFFFFD800  }
0x134: {  	_ =	swait.ge [sflag:s10], $0x2800  }
0x135: {  	[sflag:s10] =	ssyncset.done $0x0  }
0x136: {  	[sflag:s10] =	ssyncadd.s32 $0xFFFFD800  }
0x137: {  	_ =	swait.ge [sflag:s10], $0x50  }
0x138: {  	[sflag:s10] =	ssyncset.done $0x0  }
0x139: {  	[sflag:s10] =	ssyncadd.s32 $0xFFFFFFB0  }
0x13a: {  	[spmem:s25] =	stream.indirect.scatter.add.f32 [tilespmem:s6], [sflag:$0x3], $0x80, s7, s9, $0xb8;
	[tilespmem:$0x1B180] =	vst v63  }
0x13b: {  	_ =	swait.ge [sflag:s3], $0x2800  }
0x13c: {  	[sflag:s3] =	ssyncset.done $0x0  }
0x13d: {  	[sflag:s3] =	ssyncadd.s32 $0xFFFFD800  }
.LBB2_7:
.Ltmp5:
0x13e: {  	(pc) =	sbr.rel @!p0 .LBB2_11-.Ltmp5, $1  }
0x13f: {  	_ =	sdelay $0x3  }
0x140: {  	s12 =	simm.s32 $0x0  }
0x141: {  	[tilespmem:s4], [sflag:$0x1] =	stream.linear.gather [hbm4b:s17+s12], $0x2800, $0x38;
	[tilespmem:$0x1B180] =	vst v63  }
0x142: {  	s13 =	rddreg [dreg:$0x19];
	s15 =	sadd.s32 $0x0, s17  }
0x143: {  	[tilespmem:s5], [sflag:$0x1] =	stream.linear.gather [hbm4b:s13+s12], $0x50, $0x38;
	[tilespmem:$0x1B180] =	vst v63  }
0x144: {  	s16 =	sadd.s32 $0x500, s15  }
0x145: {  	[tilespmem:s6], [sflag:$0x2] =	stream.linear.gather [hbm4b:s16+s23], $0x2800, $0x38;
	[tilespmem:$0x1B180] =	vst v63  }
0x146: {  	s18 =	sadd.s32 $0xFFFFFFF6, s1  }
0x147: {  	[tilespmem:s7], [sflag:$0x2] =	stream.linear.gather [hbm4b:s18+s23], $0x50, $0x38;
	[tilespmem:$0x1B180] =	vst v63  }
0x148: {  	_ =	swait.ge [sflag:s8], $0x2800  }
0x149: {  	[sflag:s8] =	ssyncset.done $0x0  }
0x14a: {  	[sflag:s8] =	ssyncadd.s32 $0xFFFFD800  }
0x14b: {  	_ =	swait.ge [sflag:s8], $0x50  }
0x14c: {  	[sflag:s8] =	ssyncset.done $0x0  }
0x14d: {  	[sflag:s8] =	ssyncadd.s32 $0xFFFFFFB0  }
0x14e: {  	[spmem:s25] =	stream.indirect.scatter.add.f32 [tilespmem:s4], [sflag:$0x3], $0x80, s5, s9, $0xb8;
	[tilespmem:$0x1B180] =	vst v63  }
0x14f: {  	_ =	swait.ge [sflag:s3], $0x2800  }
0x150: {  	[sflag:s3] =	ssyncset.done $0x0  }
0x151: {  	s12 =	sadd.s32 $0xA00, s15;
	[sflag:s3] =	ssyncadd.s32 $0xFFFFD800  }
0x152: {  	[tilespmem:s4], [sflag:$0x1] =	stream.linear.gather [hbm4b:s12+s23], $0x2800, $0x38;
	[tilespmem:$0x1B180] =	vst v63  }
0x153: {  	_ = 	snop  }
0x154: {  	[tilespmem:s5], [sflag:$0x1] =	stream.linear.gather [hbm4b:s1+s23], $0x50, $0x38;
	[tilespmem:$0x1B180] =	vst v63  }
0x155: {  	_ =	swait.ge [sflag:s10], $0x2800  }
0x156: {  	[sflag:s10] =	ssyncset.done $0x0  }
0x157: {  	[sflag:s10] =	ssyncadd.s32 $0xFFFFD800  }
0x158: {  	_ =	swait.ge [sflag:s10], $0x50  }
0x159: {  	[sflag:s10] =	ssyncset.done $0x0  }
0x15a: {  	[sflag:s10] =	ssyncadd.s32 $0xFFFFFFB0  }
0x15b: {  	[spmem:s25] =	stream.indirect.scatter.add.f32 [tilespmem:s6], [sflag:$0x3], $0x80, s7, s9, $0xb8;
	[tilespmem:$0x1B180] =	vst v63  }
0x15c: {  	s14 =	simm.s32 $0x1400;
	_ =	swait.ge [sflag:s3], $0x2800  }
0x15d: {  	s13 =	sadd.s32 $0xA00, s17;
	s12 =	sadd.s32 $0x14, s1;
	[sflag:s3] =	ssyncset.done $0x0  }
.LBB2_9:
0x15e: {  	s15 =	sadd.s32 $0x500, s13  }
0x15f: {  	[sflag:s3] =	ssyncadd.s32 $0xFFFFD800;
	s16 =	smov.u32 s14;
	s18 =	sadd.s32 $0xA00, s14  }
0x160: {  	[tilespmem:s6], [sflag:$0x2] =	stream.linear.gather [hbm4b:s15+s23], $0x2800, $0x38;
	[tilespmem:$0x1B180] =	vst v63  }
0x161: {  	p5 =	sne.s32 s14, $0x4CE00;
	s14 =	sadd.s32 $0xFFFFFFF6, s12  }
0x162: {  	[tilespmem:s7], [sflag:$0x2] =	stream.linear.gather [hbm4b:s14+s23], $0x50, $0x38;
	[tilespmem:$0x1B180] =	vst v63  }
0x163: {  	_ =	swait.ge [sflag:s8], $0x2800  }
0x164: {  	[sflag:s8] =	ssyncset.done $0x0  }
0x165: {  	[sflag:s8] =	ssyncadd.s32 $0xFFFFD800  }
0x166: {  	_ =	swait.ge [sflag:s8], $0x50  }
0x167: {  	[sflag:s8] =	ssyncset.done $0x0  }
0x168: {  	[sflag:s8] =	ssyncadd.s32 $0xFFFFFFB0  }
0x169: {  	[spmem:s25] =	stream.indirect.scatter.add.f32 [tilespmem:s4], [sflag:$0x3], $0x80, s5, s9, $0xb8;
	[tilespmem:$0x1B180] =	vst v63  }
0x16a: {  	_ =	swait.ge [sflag:s3], $0x2800  }
0x16b: {  	[sflag:s3] =	ssyncset.done $0x0  }
0x16c: {  	s13 =	sadd.s32 $0xA00, s13;
	[sflag:s3] =	ssyncadd.s32 $0xFFFFD800  }
0x16d: {  	[tilespmem:s4], [sflag:$0x1] =	stream.linear.gather [hbm4b:s13+s23], $0x2800, $0x38;
	[tilespmem:$0x1B180] =	vst v63  }
0x16e: {  	_ = 	snop  }
0x16f: {  	[tilespmem:s5], [sflag:$0x1] =	stream.linear.gather [hbm4b:s12+s23], $0x50, $0x38;
	[tilespmem:$0x1B180] =	vst v63  }
0x170: {  	_ =	swait.ge [sflag:s10], $0x2800  }
0x171: {  	[sflag:s10] =	ssyncset.done $0x0  }
0x172: {  	[sflag:s10] =	ssyncadd.s32 $0xFFFFD800  }
0x173: {  	_ =	swait.ge [sflag:s10], $0x50  }
.Ltmp6:
0x174: {  	[sflag:s10] =	ssyncset.done $0x0;
	(pc) =	sbr.rel @p5 .LBB2_9-.Ltmp6, $4  }
0x175: {  	[sflag:s10] =	ssyncadd.s32 $0xFFFFFFB0  }
0x176: {  	[spmem:s25] =	stream.indirect.scatter.add.f32 [tilespmem:s6], [sflag:$0x3], $0x80, s7, s9, $0xb8;
	[tilespmem:$0x1B180] =	vst v63  }
0x177: {  	s14 =	smov.u32 s18;
	_ =	swait.ge [sflag:s3], $0x2800  }
0x178: {  	s13 =	sadd.s32 s16, s17;
	s12 =	sadd.s32 $0x14, s12;
	[sflag:s3] =	ssyncset.done $0x0  }
.Ltmp7:
0x179: {  	_ = 	snop;
	(pc) =	sbr.rel .LBB2_10-.Ltmp7, $1  }
0x17a: {  	_ =	sdelay $0x3  }
.LBB2_12:
0x17b: {  	_ =	sfence.sel $0x180000  }
0x17c: {  	[bflag:$0x0] =	sbarrier.arrive $0xFFFF  }
0x17d: {  	_ =	strace $0x90000047  }
0x17e: {  	[bflag:$0x2] =	sbarrier.arrive $0xFFFF  }
0x17f: {  	p0 =	sne.s32 s0, $0x0;
	s0 =	rddreg [dreg:$0x6]  }
0x180: {  	s0 =	sadd.s32 @!p0 $0x100000, s0  }
0x181: {  	[sflag:s0] =	ssyncadd.tile.s32 @!p0 $0x1;
	_ =	shalt  }
.Lfunc_end2:
_tile_overlayer_lowered:
.L_overlay_start_2:
0x182: {  	(tag) =	ssettag $0x2  }
0x183: {  	s0 =	rddreg [dreg:$0x0];
	s2 =	stileid.u32  }
0x184: {  	s1 =	rddreg [dreg:$0x1];
	p0 =	sne.s32 s2, $0x0  }
0x185: {  	s3 =	rddreg [dreg:$0x2];
	[bflag:$0x3] =	sbarrier.arrive $0xFFFF;
	s2 =	simm.s32 @!p0 $0x1C03  }
0x186: {  	[timem:s3], [sflag:s2] =	dma.local @!p0 [hbm:s0], s1  }
0x187: {  	s0 =	simm.s32 @!p0 $0x3  }
0x188: {  	_ =	swait.ge @!p0 [sflag:s0], s1  }
0x189: {  	s1 =	ssub.s32 @!p0 $0x0, s1;
	[sflag:s0] =	ssyncset.done @!p0 $0x0  }
0x18a: {  	[sflag:s0] =	ssyncadd.s32 @!p0 s1  }
0x18b: {  	[bflag:$0x3] =	sbarrier.arrive $0xFFFF  }
0x18c: {  	_ =	shalt  }

// kernel: _run.9.cloned.1.call-start
scs
__scs_entry_jumppad:
0x0: {  	(pc) =	sbr.rel $0x88, $3  }
0x1: {  	(tag) =	ssettag $0x0;
	lr =	simm.s32 $0x1  }
0x2: {  	[smem:$0x3F9C] =	sst lr;
	_ =	strace $0xD0000000  }
0x3: {  	_ = 	snop  }
0x4: {  	_ = 	snop  }
0x5: {  	_ = 	snop  }
0x6: {  	_ = 	snop  }
0x7: {  	_ = 	snop  }
__scs_overlays_trampoline_lowered:
0x8: {  	[smem:$0x3FAB] =	sst s0  }
0x9: {  	[smem:$0x3FAC] =	sst s1  }
0xa: {  	[smem:$0x3FAD] =	sst s2  }
0xb: {  	[smem:$0x3FAE] =	sst s3  }
0xc: {  	[smem:$0x3FAF] =	sst s4  }
0xd: {  	[smem:$0x3FB0] =	sst s5  }
0xe: {  	[smem:$0x3FB1] =	sst s6  }
0xf: {  	[smem:$0x3FB2] =	sst s7  }
0x10: {  	[smem:$0x3FB3] =	sst s8  }
0x11: {  	[smem:$0x3FB4] =	sst s9;
	s0 =	simm.s32 @!p0 $0x0  }
0x12: {  	s1 =	sld [smem:$0x3F9A];
	s0 =	simm.s32 @p0 $0x1  }
0x13: {  	[smem:$0x3FB5] =	sst s0;
	s0 =	simm.s32 @!p1 $0x0  }
0x14: {  	s2 =	sld [smem:$0x3F99];
	s0 =	simm.s32 @p1 $0x1  }
0x15: {  	[smem:$0x3FB6] =	sst s0;
	s0 =	simm.s32 @!p2 $0x0  }
0x16: {  	s3 =	sld [smem:$0x3FDB];
	s0 =	simm.s32 @p2 $0x1  }
0x17: {  	s4 =	simm.s32 $0x1BF5;
	[smem:$0x3FB8] =	sst s0  }
0x18: {  	s0 =	sld [smem:$0x3F9B];
	_ =	swait.ge [sflag:s4], $0x0  }
0x19: {  	s7 =	sld [smem:$0x3F9C]  }
0x1a: {  	s8 =	sadd.s32 $0xFFFFE003, lr  }
0x1b: {  	s9 =	sadd.s32 $0xFFFFFEF7, lr;
	s5 =	simm.s32 $0xFFFFFFFF;
	p2 =	slt.u32 s8, $0xFFFFF086  }
0x1c: {  	p1 =	slt.u32 s9, $0xF7A;
	s5 =	simm.s32 @!p2 $0x0  }
0x1d: {  	s5 =	simm.s32 @p1 $0x1;
	p0 =	seq.s32 s7, s2  }
0x1e: {  	s7 =	smul.u32 @!p0 $0xF7A, s2;
	p2 =	seq.s32 @!p0 s5, $0x0  }
0x1f: {  	s9 =	smul.u32 $0xF7A, s1;
	s8 =	simm.s32 @!p0 $0x1BF5;
	p2 =	por !p2, p0  }
0x20: {  	[sflag:s8] =	ssyncset.s32 @!p0 $0xFFFFF086;
	s6 =	sadd.s32 @!p0 s3, s7;
	s7 =	simm.s32 @!p0 $0x108  }
0x21: {  	s3 =	sadd.s32 s3, s9;
	s6 =	sadd.s32 @!p0 $0x88, s6;
	s7 =	simm.s32 @p2 $0x1082  }
0x22: {  	[simem:s7], [sflag:s8] =	dma.local @!p0 [hbm:s6], $0xF7A  }
0x23: {  	s9 =	sor.u32 $0xD0000000, s2;
	s6 =	simm.s32 $0x108;
	_ =	swait.ge @!p0 [sflag:s8], $0x0  }
0x24: {  	s3 =	sadd.s32 $0x88, s3;
	s6 =	simm.s32 @!p1 $0x1082;
	[sflag:s4] =	ssyncset.s32 $0xFFFFF086  }
0x25: {  	[simem:s6], [sflag:s4] =	dma.local [hbm:s3], $0xF7A  }
0x26: {  	[smem:$0x3F9C] =	sst s1;
	(tag) =	ssettag s2;
	_ =	strace s9  }
0x27: {  	s1 =	sld [smem:$0x3FAC]  }
0x28: {  	s2 =	sld [smem:$0x3FAD]  }
0x29: {  	s4 =	sld [smem:$0x3FAF]  }
0x2a: {  	p0 =	seq.s32 s5, $0x0;
	s5 =	sld [smem:$0x3FB0]  }
0x2b: {  	s6 =	sld [smem:$0x3FB1]  }
0x2c: {  	s7 =	sld [smem:$0x3FB2]  }
0x2d: {  	s3 =	simm.s32 $0x108;
	s8 =	sld [smem:$0x3FB3]  }
0x2e: {  	s3 =	simm.s32 @!p0 $0x1082;
	s9 =	sld [smem:$0x3FB4]  }
0x2f: {  	lr =	sadd.s32 s0, s3;
	s0 =	sld [smem:$0x3FAB]  }
0x30: {  	s3 =	sld [smem:$0x3FAE]  }
0x31: {  	[smem:$0x3FB7] =	sst s10  }
0x32: {  	s10 =	sld [smem:$0x3FB5];
	_ =	sdelay $0x3  }
0x33: {  	p0 =	seq.s32 s10, $0x1;
	s10 =	sld [smem:$0x3FB7];
	_ =	sdelay $0x3  }
0x34: {  	[smem:$0x3FB7] =	sst s10  }
0x35: {  	s10 =	sld [smem:$0x3FB6];
	_ =	sdelay $0x3  }
0x36: {  	p1 =	seq.s32 s10, $0x1;
	s10 =	sld [smem:$0x3FB7];
	_ =	sdelay $0x3  }
0x37: {  	[smem:$0x3FB7] =	sst s10  }
0x38: {  	s10 =	sld [smem:$0x3FB8]  }
0x39: {  	_ = 	snop;
	(pc) =	sbr.ind lr, $3  }
0x3a: {  	_ = 	snop  }
0x3b: {  	_ = 	snop  }
0x3c: {  	p2 =	seq.s32 s10, $0x1;
	s10 =	sld [smem:$0x3FB7]  }
0x3d: {  	_ =	shalt  }
0x3e: {  	_ =	shalt  }
0x3f: {  	_ =	shalt  }
0x40: {  	_ =	shalt  }
0x41: {  	_ =	shalt  }
0x42: {  	_ =	shalt  }
0x43: {  	_ =	shalt  }
0x44: {  	_ =	shalt  }
0x45: {  	_ =	shalt  }
0x46: {  	_ =	shalt  }
0x47: {  	_ =	shalt  }
0x48: {  	_ =	shalt  }
0x49: {  	_ =	shalt  }
0x4a: {  	_ =	shalt  }
0x4b: {  	_ =	shalt  }
0x4c: {  	_ =	shalt  }
0x4d: {  	_ =	shalt  }
0x4e: {  	_ =	shalt  }
0x4f: {  	_ =	shalt  }
0x50: {  	_ =	shalt  }
0x51: {  	_ =	shalt  }
0x52: {  	_ =	shalt  }
0x53: {  	_ =	shalt  }
0x54: {  	_ =	shalt  }
0x55: {  	_ =	shalt  }
0x56: {  	_ =	shalt  }
0x57: {  	_ =	shalt  }
0x58: {  	_ =	shalt  }
0x59: {  	_ =	shalt  }
0x5a: {  	_ =	shalt  }
0x5b: {  	_ =	shalt  }
0x5c: {  	_ =	shalt  }
0x5d: {  	_ =	shalt  }
0x5e: {  	_ =	shalt  }
0x5f: {  	_ =	shalt  }
0x60: {  	_ =	shalt  }
0x61: {  	_ =	shalt  }
0x62: {  	_ =	shalt  }
0x63: {  	_ =	shalt  }
0x64: {  	_ =	shalt  }
0x65: {  	_ =	shalt  }
0x66: {  	_ =	shalt  }
0x67: {  	_ =	shalt  }
0x68: {  	_ =	shalt  }
0x69: {  	_ =	shalt  }
0x6a: {  	_ =	shalt  }
0x6b: {  	_ =	shalt  }
0x6c: {  	_ =	shalt  }
0x6d: {  	_ =	shalt  }
0x6e: {  	_ =	shalt  }
0x6f: {  	_ =	shalt  }
0x70: {  	_ =	shalt  }
0x71: {  	_ =	shalt  }
0x72: {  	_ =	shalt  }
0x73: {  	_ =	shalt  }
0x74: {  	_ =	shalt  }
0x75: {  	_ =	shalt  }
0x76: {  	_ =	shalt  }
0x77: {  	_ =	shalt  }
0x78: {  	_ =	shalt  }
0x79: {  	_ =	shalt  }
0x7a: {  	_ =	shalt  }
0x7b: {  	_ =	shalt  }
0x7c: {  	_ =	shalt  }
0x7d: {  	_ =	shalt  }
0x7e: {  	_ =	shalt  }
0x7f: {  	_ =	shalt  }
0x80: {  	_ =	shalt  }
0x81: {  	_ =	shalt  }
0x82: {  	_ =	shalt  }
0x83: {  	_ =	shalt  }
0x84: {  	_ =	shalt  }
0x85: {  	_ =	shalt  }
0x86: {  	_ =	shalt  }
0x87: {  	_ =	shalt  }
.Lfunc_end0:
.L_simem_size_0:
called_computation.1_lowered:
.L_overlay_start_0:
0x88: {  	s2 =	sld [smem:$0x3FD9]  }
0x89: {  	s3 =	sld [smem:$0x3FFE];
	_ =	sdelay $0x1  }
0x8a: {  	s1 =	srdreg.scid  }
0x8b: {  	s0 =	sand.u32 $0x1, s1  }
0x8c: {  	s17 =	sshll.u32 s0, $0xA;
	s2 =	sadd.s32 s3, s2  }
0x8d: {  	s2 =	sadd.s32 s2, s17  }
0x8e: {  	[smem:$0x3FC3] =	sst s2  }
0x8f: {  	_ = 	snop  }
0x90: {  	s2 =	sld [smem:$0x3FD0];
	(tm) =	ssettm $0x1  }
0x91: {  	s18 =	sld [smem:$0x3FFB];
	_ =	sdelay $0x3  }
0x92: {  	_ =	strace s18  }
0x93: {  	s3 =	sld [smem:$0x3FFC];
	_ =	sdelay $0x3  }
0x94: {  	_ =	strace s3  }
0x95: {  	s3 =	sld [smem:$0x3FFD];
	_ =	sdelay $0x3  }
0x96: {  	_ =	strace s3  }
0x97: {  	_ =	strace $0x8FFFFFFF  }
0x98: {  	s19 =	sld [smem:$0x3FDB];
	_ =	sdelay $0x1  }
0x99: {  	s4 =	simm.s32 $_scs_section_size  }
0x9a: {  	s5 =	simm.s32 $_size__tile_overlayer_lowered;
	s6 =	simm.s32 $_tile_overlayer_lowered  }
0x9b: {  	s22 =	simm.s32 $0x1BFF;
	s21 =	sshll.u32 s6, $0x1;
	s3 =	sadd.s32 s4, s19  }
0x9c: {  	s7 =	simm.s32 $0x0;
	s20 =	sshll.u32 s5, $0x1;
	s5 =	sadd.s32 s21, s3  }
0x9d: {  	[timem:s7], [sflag:s22] =	dma.local [hbm:s5], s20  }
0x9e: {  	_ =	swait.ge [sflag:s22], s20  }
0x9f: {  	s4 =	ssub.s32 $0x0, s20;
	[sflag:s22] =	ssyncset.done $0x0  }
0xa0: {  	[sflag:s22] =	ssyncadd.s32 s4;
	_ =	sdelay $0x1  }
0xa1: {  	s23 =	simm.s32 $0x1B8B  }
0xa2: {  	_ =	swait.ge [sflag:s23], $0x1  }
0xa3: {  	[sflag:s23] =	ssyncset.done $0x0  }
0xa4: {  	s25 =	simm.s32 $0x1B8E;
	s24 =	sld [smem:$0x3FFE];
	[sflag:s23] =	ssyncadd.s32 $0xFFFFFFFF  }
0xa5: {  	s26 =	simm.s32 $execute0_lowered;
	[smem:$0x3FD2] =	sst s25  }
0xa6: {  	s5 =	sshll.u32 s26, $0x1;
	_ =	strace $0x80000049;
	[dreg:$0x1] =	wrdreg $0xFFFFFFFF  }
0xa7: {  	s28 =	simm.s32 $_size_execute0_lowered;
	s3 =	sadd.s32 s3, s5;
	[dreg:$0x0] =	wrdreg $0x0  }
0xa8: {  	s5 =	sshll.u32 s28, $0x1;
	[dreg:$0x2] =	wrdreg s3  }
0xa9: {  	[dreg:$0x3] =	wrdreg s5  }
0xaa: {  	[dreg:$0x4] =	wrdreg $0xC0  }
0xab: {  	_ =	task [dreg:s7], $0x5FFFF  }
0xac: {  	[dreg:$0x1] =	wrdreg $0xFFFFFFFF  }
0xad: {  	[dreg:$0x0] =	wrdreg $0x60  }
0xae: {  	[dreg:$0x2] =	wrdreg s2  }
0xaf: {  	[dreg:$0x3] =	wrdreg s24  }
0xb0: {  	[dreg:$0x4] =	wrdreg $0x9  }
0xb1: {  	_ =	task.clear_ibuf [dreg:s7], $0x5FFFF;
	_ =	strace $0x90000049  }
0xb2: {  	s29 =	simm.s32 $0x9;
	_ =	strace $0x8000004B  }
0xb3: {  	_ =	swait.ge [sflag:s29], $0x1  }
0xb4: {  	[sflag:s29] =	ssyncadd.s32 $0xFFFFFFFF  }
0xb5: {  	_ =	strace $0x9000004B  }
0xb6: {  	_ =	sfence  }
0xb7: {  	s30 =	sld [smem:$0x0];
	_ =	sdelay $0x2  }
0xb8: {  	s31 =	sshll.u32 s1, $0xD;
	s1 =	sshrl.u32 s1, $0x2  }
0xb9: {  	s3 =	sand.u32 $0x4000, s31;
	s1 =	sadd.s32 s1, s30  }
0xba: {  	s0 =	sor.u32 s3, s0;
	s1 =	sshll.u32 s1, $0x11  }
0xbb: {  	s0 =	sor.u32 s1, s0  }
0xbc: {  	s0 =	sadd.s32 $0x8F2B, s0  }
0xbd: {  	[sflag:s0] =	ssyncadd.remote.s32 $0x1  }
0xbe: {  	_ =	sfence.sel $0xFFFF  }
0xbf: {  	[dreg:$0x0] =	wrdreg $0xFFFFFFFF;
	(pc) =	sbr.abs _section_cstart, $3  }
0xc0: {  	[dreg:$0x1] =	wrdreg $0xFFFFFFFF  }
0xc1: {  	_ =	task.clear_ibuf [dreg:s7], $0x2FFFF;
	_ =	strace $0x9FFFFFFF  }
0xc2: {  	(tm) =	ssettm $0x7FFFFFFF  }
0xc3: {  	_ =	shalt  }
tec
execute0_lowered:
.L_overlay_start_1:
0x0: {  	(tag) =	ssettag $0x1  }
0x1: {  	s1 =	rddreg [dreg:$0x0]  }
0x2: {  	s5 =	rddreg [dreg:$0x1]  }
0x3: {  	s0 =	rddreg [dreg:$0x2]  }
0x4: {  	s3 =	simm.s32 $0x0;
	s4 =	srdreg.scid;
	s2 =	stileid.u32  }
0x5: {  	s11 =	simm.s32 $0x3;
	s12 =	simm.s32 $0x4000;
	s13 =	simm.s32 $0x50  }
0x6: {  	s14 =	simm.s32 $0x8000;
	s15 =	simm.s32 $0xD000;
	s16 =	simm.s32 $0xA800  }
0x7: {  	s17 =	simm.s32 $0xF800;
	s18 =	simm.s32 $0x1;
	s19 =	simm.s32 $0x2  }
0x8: {  	s20 =	simm.s32 $0x0;
	s6 =	sand.u32 $0x1, s4;
	s7 =	sshll.u32 s2, $0x1  }
0x9: {  	[smem:$0x7FF] =	sst s3;
	s4 =	sadd.s32 $0x1E00, s5;
	s7 =	sor.u32 s6, s7  }
0xa: {  	s6 =	ssub.s32 $0x2, s6;
	s8 =	sshll.u32 s7, $0xB;
	s9 =	smul.u32 $0x138800, s7  }
0xb: {  	_ =	strace $0x8000004A;
	s10 =	sshrl.u32 s6, $0x1;
	s8 =	sadd.s32 s8, s5  }
0xc: {  	s5 =	sadd.s32 $0x49000, s5;
	s10 =	ssub.s32 s6, s10;
	s9 =	sshrl.u32 s9, $0x3  }
0xd: {  	s6 =	smul.u32 $0x2710, s7;
	s7 =	sadd.s32 $0x29000, s8;
	s9 =	sadd.s32 s5, s9  }
0xe: {  	s8 =	sadd.s32 $0x39000, s8;
	s10 =	smax.u32 s10, $0x1;
	s9 =	sadd.s32 $0x26C00, s9  }
.LBB2_1:
0xf: {  	[tilespmem:s3], [sflag:$0x3] =	stream.linear.gather [hbm4b:s7+s3], $0x3E80, $0x38;
	[tilespmem:$0x12000] =	vst v63  }
0x10: {  	_ =	swait.ge [sflag:s11], $0x3E80  }
0x11: {  	[sflag:s11] =	ssyncset.done $0x0  }
0x12: {  	[sflag:s11] =	ssyncadd.s32 $0xFFFFC180  }
0x13: {  	[tilespmem:s12], [sflag:$0x3] =	stream.linear.gather [hbm4b:s8+s3], $0x3E80, $0x38;
	[tilespmem:$0x12000] =	vst v63  }
0x14: {  	_ =	swait.ge [sflag:s11], $0x3E80  }
0x15: {  	[sflag:s11] =	ssyncset.done $0x0  }
0x16: {  	[sflag:s11] =	ssyncadd.s32 $0xFFFFC180  }
0x17: {  	[tilespmem:s14], [sflag:$0x1] =	stream.indirect.gather [hbm4b:s1+s13], $0x80, s3, s13, $0xb8;
	[tilespmem:$0x12000] =	vst v63  }
0x18: {  	s21 =	simm.s32 $0x0  }
0x19: {  	[tilespmem:s15], [sflag:$0x1] =	stream.indirect.gather [hbm4b:s4+s13], $0x80, s12, s13, $0xb8;
	[tilespmem:$0x12000] =	vst v63  }
.LBB2_2:
0x1a: {  	s22 =	sshllo.u32 s21, $0x1  }
0x1b: {  	s23 =	sshll.u32 s22, $0x7  }
0x1c: {  	[tilespmem:s16], [sflag:$0x2] =	stream.indirect.gather [hbm4b:s1+s13], $0x80, s23, s13, $0xb8;
	[tilespmem:$0x12000] =	vst v63  }
0x1d: {  	s23 =	sadd.s32 $0x4000, s23  }
0x1e: {  	[tilespmem:s17], [sflag:$0x2] =	stream.indirect.gather [hbm4b:s4+s13], $0x80, s23, s13, $0xb8;
	[tilespmem:$0x12000] =	vst v63  }
0x1f: {  	_ =	swait.ge [sflag:s18], $0x2800  }
0x20: {  	[sflag:s18] =	ssyncset.done $0x0  }
0x21: {  	[sflag:s18] =	ssyncadd.s32 $0xFFFFD800  }
0x22: {  	_ =	swait.ge [sflag:s18], $0x2800  }
0x23: {  	[sflag:s18] =	ssyncset.done $0x0  }
0x24: {  	s23 =	simm.s32 $0x0;
	[sflag:s18] =	ssyncadd.s32 $0xFFFFD800  }
0x25: {  	v6 =	vld [tilespmem:s23+$0xD000]  }
0x26: {  	v11 =	vld [tilespmem:s23+$0xD010]  }
0x27: {  	v5 =	vld [tilespmem:s23+$0xD020]  }
0x28: {  	v4 =	vld [tilespmem:s23+$0xD030]  }
0x29: {  	v3 =	vld [tilespmem:s23+$0xD040]  }
0x2a: {  	v2 =	vld [tilespmem:s23+$0xD050]  }
0x2b: {  	v1 =	vld [tilespmem:s23+$0xD060]  }
0x2c: {  	v0 =	vld [tilespmem:s23+$0xD070]  }
0x2d: {  	v12 =	vld [tilespmem:s23+$0x8000]  }
0x2e: {  	v13 =	vld [tilespmem:s23+$0x8010]  }
0x2f: {  	v10 =	vld [tilespmem:s23+$0x8020]  }
0x30: {  	v9 =	vld [tilespmem:s23+$0x8030]  }
0x31: {  	v8 =	vld [tilespmem:s23+$0x8040]  }
0x32: {  	v7 =	vld [tilespmem:s23+$0x8050];
	v12 =	vadd.f32 v6, v12  }
0x33: {  	s24 =	simm.s32 $0x200;
	v11 =	vadd.f32 v11, v13;
	v6 =	vld [tilespmem:s23+$0x8060]  }
.LBB2_3:
0x34: {  	s25 =	sshra.s32 s24, $0x2;
	p0 =	sne.s32 s24, $0x9E00;
	[tilespmem:s23+$0x8000] =	vst v12;
	v5 =	vadd.f32 v5, v10;
	v10 =	vld [tilespmem:s23+$0x8070]  }
0x35: {  	v12 =	vld [tilespmem:s25+$0xD000];
	[tilespmem:s23+$0x8010] =	vst v11;
	v4 =	vadd.f32 v4, v9  }
0x36: {  	v11 =	vld [tilespmem:s25+$0xD010];
	[tilespmem:s23+$0x8020] =	vst v5;
	v3 =	vadd.f32 v3, v8  }
0x37: {  	v5 =	vld [tilespmem:s25+$0xD020];
	[tilespmem:s23+$0x8030] =	vst v4;
	v2 =	vadd.f32 v2, v7  }
0x38: {  	v4 =	vld [tilespmem:s25+$0xD030];
	[tilespmem:s23+$0x8040] =	vst v3;
	v1 =	vadd.f32 v1, v6  }
0x39: {  	v3 =	vld [tilespmem:s25+$0xD040];
	[tilespmem:s23+$0x8050] =	vst v2;
	v0 =	vadd.f32 v0, v10  }
0x3a: {  	v2 =	vld [tilespmem:s25+$0xD050];
	[tilespmem:s23+$0x8060] =	vst v1  }
0x3b: {  	v1 =	vld [tilespmem:s25+$0xD060];
	[tilespmem:s23+$0x8070] =	vst v0;
	s23 =	smov.u32 s25  }
0x3c: {  	v0 =	vld [tilespmem:s23+$0xD070]  }
0x3d: {  	v6 =	vld [tilespmem:s23+$0x8000]  }
0x3e: {  	v13 =	vld [tilespmem:s23+$0x8010]  }
.Ltmp0:
0x3f: {  	v10 =	vld [tilespmem:s23+$0x8020];
	(pc) =	sbr.rel @p0 .LBB2_3-.Ltmp0, $4  }
0x40: {  	v9 =	vld [tilespmem:s23+$0x8030]  }
0x41: {  	v8 =	vld [tilespmem:s23+$0x8040]  }
0x42: {  	v12 =	vadd.f32 v12, v6;
	v7 =	vld [tilespmem:s23+$0x8050]  }
0x43: {  	s24 =	sadd.s32 $0x200, s24;
	v11 =	vadd.f32 v11, v13;
	v6 =	vld [tilespmem:s23+$0x8060]  }
0x44: {  	[tilespmem:s23+$0x8000] =	vst v12;
	v5 =	vadd.f32 v5, v10;
	v10 =	vld [tilespmem:s23+$0x8070]  }
0x45: {  	[tilespmem:s23+$0x8010] =	vst v11;
	v4 =	vadd.f32 v4, v9  }
0x46: {  	[tilespmem:s23+$0x8020] =	vst v5;
	v3 =	vadd.f32 v3, v8  }
0x47: {  	s24 =	smul.u32 $0xA0, s21;
	[tilespmem:s23+$0x8030] =	vst v4;
	v2 =	vadd.f32 v2, v7  }
0x48: {  	[tilespmem:s23+$0x8040] =	vst v3;
	v1 =	vadd.f32 v1, v6  }
0x49: {  	s24 =	sadd.s32 s6, s24;
	[tilespmem:s23+$0x8050] =	vst v2;
	v0 =	vadd.f32 v0, v10  }
0x4a: {  	s24 =	sshll.u32 s24, $0x4;
	[tilespmem:s23+$0x8060] =	vst v1  }
0x4b: {  	s29 =	simm.s32 $0x0;
	s28 =	sadd.s32 s5, s24;
	[tilespmem:s23+$0x8070] =	vst v0  }
0x4c: {  	[hbm4b:s28+s29] =	stream.linear.scatter [tilespmem:s14], [sflag:$0x3], $0x2800, $0x38;
	[tilespmem:$0x12000] =	vst v63  }
0x4d: {  	_ =	swait.ge [sflag:s11], $0x2800  }
0x4e: {  	s30 =	sshll.u32 s21, $0x8;
	[sflag:s11] =	ssyncset.done $0x0  }
0x4f: {  	s31 =	sadd.s32 $0x100, s30;
	[sflag:s11] =	ssyncadd.s32 $0xFFFFD800  }
0x50: {  	[tilespmem:s14], [sflag:$0x1] =	stream.indirect.gather [hbm4b:s1+s13], $0x80, s31, s13, $0xb8;
	[tilespmem:$0x12000] =	vst v63  }
0x51: {  	s23 =	sadd.s32 $0x4100, s30  }
0x52: {  	[tilespmem:s15], [sflag:$0x1] =	stream.indirect.gather [hbm4b:s4+s13], $0x80, s23, s13, $0xb8;
	[tilespmem:$0x12000] =	vst v63  }
0x53: {  	_ =	swait.ge [sflag:s19], $0x2800  }
0x54: {  	[sflag:s19] =	ssyncset.done $0x0  }
0x55: {  	[sflag:s19] =	ssyncadd.s32 $0xFFFFD800  }
0x56: {  	_ =	swait.ge [sflag:s19], $0x2800  }
0x57: {  	[sflag:s19] =	ssyncset.done $0x0  }
0x58: {  	s23 =	simm.s32 $0x0;
	[sflag:s19] =	ssyncadd.s32 $0xFFFFD800  }
0x59: {  	v6 =	vld [tilespmem:s23+$0xF800]  }
0x5a: {  	v11 =	vld [tilespmem:s23+$0xF810]  }
0x5b: {  	v5 =	vld [tilespmem:s23+$0xF820]  }
0x5c: {  	v4 =	vld [tilespmem:s23+$0xF830]  }
0x5d: {  	v3 =	vld [tilespmem:s23+$0xF840]  }
0x5e: {  	v2 =	vld [tilespmem:s23+$0xF850]  }
0x5f: {  	v1 =	vld [tilespmem:s23+$0xF860]  }
0x60: {  	v0 =	vld [tilespmem:s23+$0xF870]  }
0x61: {  	v12 =	vld [tilespmem:s23+$0xA800]  }
0x62: {  	v13 =	vld [tilespmem:s23+$0xA810]  }
0x63: {  	v10 =	vld [tilespmem:s23+$0xA820]  }
0x64: {  	v9 =	vld [tilespmem:s23+$0xA830]  }
0x65: {  	v8 =	vld [tilespmem:s23+$0xA840]  }
0x66: {  	v7 =	vld [tilespmem:s23+$0xA850];
	v12 =	vadd.f32 v6, v12  }
0x67: {  	s24 =	simm.s32 $0x200;
	v11 =	vadd.f32 v11, v13;
	v6 =	vld [tilespmem:s23+$0xA860]  }
.LBB2_5:
0x68: {  	s25 =	sshra.s32 s24, $0x2;
	p0 =	sne.s32 s24, $0x9E00;
	[tilespmem:s23+$0xA800] =	vst v12;
	v5 =	vadd.f32 v5, v10;
	v10 =	vld [tilespmem:s23+$0xA870]  }
0x69: {  	v12 =	vld [tilespmem:s25+$0xF800];
	[tilespmem:s23+$0xA810] =	vst v11;
	v4 =	vadd.f32 v4, v9  }
0x6a: {  	v11 =	vld [tilespmem:s25+$0xF810];
	[tilespmem:s23+$0xA820] =	vst v5;
	v3 =	vadd.f32 v3, v8  }
0x6b: {  	v5 =	vld [tilespmem:s25+$0xF820];
	[tilespmem:s23+$0xA830] =	vst v4;
	v2 =	vadd.f32 v2, v7  }
0x6c: {  	v4 =	vld [tilespmem:s25+$0xF830];
	[tilespmem:s23+$0xA840] =	vst v3;
	v1 =	vadd.f32 v1, v6  }
0x6d: {  	v3 =	vld [tilespmem:s25+$0xF840];
	[tilespmem:s23+$0xA850] =	vst v2;
	v0 =	vadd.f32 v0, v10  }
0x6e: {  	v2 =	vld [tilespmem:s25+$0xF850];
	[tilespmem:s23+$0xA860] =	vst v1  }
0x6f: {  	v1 =	vld [tilespmem:s25+$0xF860];
	[tilespmem:s23+$0xA870] =	vst v0;
	s23 =	smov.u32 s25  }
0x70: {  	v0 =	vld [tilespmem:s23+$0xF870]  }
0x71: {  	v6 =	vld [tilespmem:s23+$0xA800]  }
0x72: {  	v13 =	vld [tilespmem:s23+$0xA810]  }
.Ltmp1:
0x73: {  	v10 =	vld [tilespmem:s23+$0xA820];
	(pc) =	sbr.rel @p0 .LBB2_5-.Ltmp1, $4  }
0x74: {  	v9 =	vld [tilespmem:s23+$0xA830]  }
0x75: {  	v8 =	vld [tilespmem:s23+$0xA840]  }
0x76: {  	v12 =	vadd.f32 v12, v6;
	v7 =	vld [tilespmem:s23+$0xA850]  }
0x77: {  	s24 =	sadd.s32 $0x200, s24;
	v11 =	vadd.f32 v11, v13;
	v6 =	vld [tilespmem:s23+$0xA860]  }
0x78: {  	[tilespmem:s23+$0xA800] =	vst v12;
	v5 =	vadd.f32 v5, v10;
	v63 =	vld [tilespmem:s23+$0xA870]  }
0x79: {  	[tilespmem:s23+$0xA810] =	vst v11;
	v4 =	vadd.f32 v4, v9  }
0x7a: {  	[tilespmem:s23+$0xA820] =	vst v5;
	v3 =	vadd.f32 v3, v8  }
0x7b: {  	s22 =	smul.u32 $0x50, s22;
	[tilespmem:s23+$0xA830] =	vst v4;
	v2 =	vadd.f32 v2, v7  }
0x7c: {  	[tilespmem:s23+$0xA840] =	vst v3;
	v1 =	vadd.f32 v1, v6  }
0x7d: {  	s21 =	sadd.s32 $0x1, s21;
	s22 =	sadd.s32 s6, s22;
	[tilespmem:s23+$0xA850] =	vst v2;
	v0 =	vadd.f32 v0, v63  }
0x7e: {  	p0 =	sne.s32 s21, $0x3E;
	s22 =	sshll.u32 s22, $0x4;
	[tilespmem:s23+$0xA860] =	vst v1  }
.Ltmp2:
0x7f: {  	s22 =	sadd.s32 s5, s22;
	[tilespmem:s23+$0xA870] =	vst v0;
	(pc) =	sbr.rel @p0 .LBB2_2-.Ltmp2, $4  }
0x80: {  	[hbm4b:s22+s3] =	stream.linear.scatter [tilespmem:s16], [sflag:$0x3], $0x2800, $0x38;
	[tilespmem:$0x12000] =	vst v63  }
0x81: {  	_ =	swait.ge [sflag:s11], $0x2800  }
0x82: {  	[sflag:s11] =	ssyncset.done $0x0  }
0x83: {  	[sflag:s11] =	ssyncadd.s32 $0xFFFFD800  }
0x84: {  	_ =	swait.ge [sflag:s18], $0x2800  }
0x85: {  	[sflag:s18] =	ssyncset.done $0x0  }
0x86: {  	[sflag:s18] =	ssyncadd.s32 $0xFFFFD800  }
0x87: {  	_ =	swait.ge [sflag:s18], $0x2800  }
0x88: {  	[sflag:s18] =	ssyncset.done $0x0  }
0x89: {  	s21 =	simm.s32 $0x0;
	[sflag:s18] =	ssyncadd.s32 $0xFFFFD800  }
0x8a: {  	v7 =	vld [tilespmem:s21+$0xD000]  }
0x8b: {  	v11 =	vld [tilespmem:s21+$0xD010]  }
0x8c: {  	v5 =	vld [tilespmem:s21+$0xD020]  }
0x8d: {  	v4 =	vld [tilespmem:s21+$0xD030]  }
0x8e: {  	v3 =	vld [tilespmem:s21+$0xD040]  }
0x8f: {  	v2 =	vld [tilespmem:s21+$0xD050]  }
0x90: {  	v1 =	vld [tilespmem:s21+$0xD060]  }
0x91: {  	v0 =	vld [tilespmem:s21+$0xD070]  }
0x92: {  	v12 =	vld [tilespmem:s21+$0x8000]  }
0x93: {  	v13 =	vld [tilespmem:s21+$0x8010]  }
0x94: {  	v10 =	vld [tilespmem:s21+$0x8020]  }
0x95: {  	v9 =	vld [tilespmem:s21+$0x8030]  }
0x96: {  	v8 =	vld [tilespmem:s21+$0x8040]  }
0x97: {  	v6 =	vld [tilespmem:s21+$0x8050];
	v12 =	vadd.f32 v7, v12  }
0x98: {  	s22 =	simm.s32 $0x200;
	v11 =	vadd.f32 v11, v13;
	v7 =	vld [tilespmem:s21+$0x8060]  }
.LBB2_8:
0x99: {  	s23 =	sshra.s32 s22, $0x2;
	p0 =	sne.s32 s22, $0x9E00;
	[tilespmem:s21+$0x8000] =	vst v12;
	v5 =	vadd.f32 v5, v10;
	v10 =	vld [tilespmem:s21+$0x8070]  }
0x9a: {  	v12 =	vld [tilespmem:s23+$0xD000];
	[tilespmem:s21+$0x8010] =	vst v11;
	v4 =	vadd.f32 v4, v9  }
0x9b: {  	v11 =	vld [tilespmem:s23+$0xD010];
	[tilespmem:s21+$0x8020] =	vst v5;
	v3 =	vadd.f32 v3, v8  }
0x9c: {  	v5 =	vld [tilespmem:s23+$0xD020];
	[tilespmem:s21+$0x8030] =	vst v4;
	v2 =	vadd.f32 v2, v6  }
0x9d: {  	v4 =	vld [tilespmem:s23+$0xD030];
	[tilespmem:s21+$0x8040] =	vst v3;
	v1 =	vadd.f32 v1, v7  }
0x9e: {  	v3 =	vld [tilespmem:s23+$0xD040];
	[tilespmem:s21+$0x8050] =	vst v2;
	v0 =	vadd.f32 v0, v10  }
0x9f: {  	v2 =	vld [tilespmem:s23+$0xD050];
	[tilespmem:s21+$0x8060] =	vst v1  }
0xa0: {  	v1 =	vld [tilespmem:s23+$0xD060];
	[tilespmem:s21+$0x8070] =	vst v0;
	s21 =	smov.u32 s23  }
0xa1: {  	v0 =	vld [tilespmem:s21+$0xD070]  }
0xa2: {  	v6 =	vld [tilespmem:s21+$0x8000]  }
0xa3: {  	v7 =	vld [tilespmem:s21+$0x8010]  }
.Ltmp3:
0xa4: {  	v10 =	vld [tilespmem:s21+$0x8020];
	(pc) =	sbr.rel @p0 .LBB2_8-.Ltmp3, $4  }
0xa5: {  	v9 =	vld [tilespmem:s21+$0x8030]  }
0xa6: {  	v8 =	vld [tilespmem:s21+$0x8040]  }
0xa7: {  	v12 =	vadd.f32 v12, v6;
	v6 =	vld [tilespmem:s21+$0x8050]  }
0xa8: {  	s22 =	sadd.s32 $0x200, s22;
	v11 =	vadd.f32 v11, v7;
	v7 =	vld [tilespmem:s21+$0x8060]  }
0xa9: {  	[tilespmem:s21+$0x8000] =	vst v12;
	v5 =	vadd.f32 v5, v10;
	v63 =	vld [tilespmem:s21+$0x8070]  }
0xaa: {  	[tilespmem:s21+$0x8010] =	vst v11;
	v4 =	vadd.f32 v4, v9  }
0xab: {  	[tilespmem:s21+$0x8020] =	vst v5;
	v3 =	vadd.f32 v3, v8  }
0xac: {  	[tilespmem:s21+$0x8030] =	vst v4;
	v2 =	vadd.f32 v2, v6  }
0xad: {  	[tilespmem:s21+$0x8040] =	vst v3;
	v1 =	vadd.f32 v1, v7  }
0xae: {  	s20 =	sadd.s32 $0x1, s20;
	[tilespmem:s21+$0x8050] =	vst v2;
	v0 =	vadd.f32 v0, v63  }
0xaf: {  	p0 =	sne.s32 s20, s10;
	[tilespmem:s21+$0x8060] =	vst v1  }
.Ltmp4:
0xb0: {  	[tilespmem:s21+$0x8070] =	vst v0;
	(pc) =	sbr.rel @p0 .LBB2_1-.Ltmp4, $4  }
0xb1: {  	[hbm4b:s9+s3] =	stream.linear.scatter [tilespmem:s14], [sflag:$0x3], $0x2800, $0x38;
	[tilespmem:$0x12000] =	vst v63  }
0xb2: {  	_ =	swait.ge [sflag:s11], $0x2800  }
0xb3: {  	[sflag:s11] =	ssyncset.done $0x0  }
0xb4: {  	[sflag:s11] =	ssyncadd.s32 $0xFFFFD800  }
0xb5: {  	_ =	sfence.sel $0x180000  }
0xb6: {  	[bflag:$0x0] =	sbarrier.arrive $0xFFFF  }
0xb7: {  	p0 =	sne.s32 s2, $0x0;
	_ =	strace $0x9000004A  }
0xb8: {  	s0 =	sadd.s32 @!p0 $0x100000, s0;
	[bflag:$0x2] =	sbarrier.arrive $0xFFFF  }
0xb9: {  	[sflag:s0] =	ssyncadd.tile.s32 @!p0 $0x1;
	_ =	shalt  }
.Lfunc_end2:
_tile_overlayer_lowered:
.L_overlay_start_2:
0xba: {  	(tag) =	ssettag $0x2  }
0xbb: {  	s0 =	rddreg [dreg:$0x0];
	s2 =	stileid.u32  }
0xbc: {  	s1 =	rddreg [dreg:$0x1];
	p0 =	sne.s32 s2, $0x0  }
0xbd: {  	s3 =	rddreg [dreg:$0x2];
	[bflag:$0x3] =	sbarrier.arrive $0xFFFF;
	s2 =	simm.s32 @!p0 $0x1C03  }
0xbe: {  	[timem:s3], [sflag:s2] =	dma.local @!p0 [hbm:s0], s1  }
0xbf: {  	s0 =	simm.s32 @!p0 $0x3  }
0xc0: {  	_ =	swait.ge @!p0 [sflag:s0], s1  }
0xc1: {  	s1 =	ssub.s32 @!p0 $0x0, s1;
	[sflag:s0] =	ssyncset.done @!p0 $0x0  }
0xc2: {  	[sflag:s0] =	ssyncadd.s32 @!p0 s1  }
0xc3: {  	[bflag:$0x3] =	sbarrier.arrive $0xFFFF  }
0xc4: {  	_ =	shalt  }

</sc_bundles>
